<compile_context>
chip_gen: v7x
topology: tpu7x:2x2x1
jax: 0.10.2.dev20260603
libtpu: 0.0.44.dev20260713+nightly
codegen_flags: <defaults>
</compile_context>

<pallas_src>
import jax
import jax.numpy as jnp
from jax import lax
from jax.experimental import pallas as pl
from jax.experimental.pallas import tpu as pltpu
from jax.experimental.pallas import tpu_sc as plsc

VOCAB = 100000
DIM = 64
B = 1024
L = 200
N = B * L

_info = plsc.get_sparse_core_info()
NC = _info.num_cores
NS = _info.num_subcores
NW = NC * NS
PW = N // NW
CH = 128
NCHUNK = PW // CH
NBUF = 10
NOUTER = NCHUNK // NBUF


def _sc_gather(idx3, table):
    mesh = plsc.VectorSubcoreMesh(core_axis_name="c", subcore_axis_name="s")

    @pl.kernel(
        out_type=jax.ShapeDtypeStruct((N, DIM), jnp.float32),
        mesh=mesh,
        scratch_types=[
            pltpu.VMEM((NCHUNK, CH), jnp.int32),
            pltpu.VMEM((NBUF, CH, DIM), jnp.float32),
            pltpu.SemaphoreType.DMA((NBUF,)),
            pltpu.SemaphoreType.DMA((NBUF,)),
        ],
        compiler_params=pltpu.CompilerParams(use_tc_tiling_on_sc=False),
    )
    def k(idx_hbm, table_hbm, out_hbm, idx_v, rows_v, gsem, ssem):
        wid = lax.axis_index("s") * NC + lax.axis_index("c")
        base = wid * PW
        pltpu.sync_copy(idx_hbm.at[wid], idx_v)

        def gather(j, b, start):
            fn = pltpu.async_copy if start else pltpu.make_async_copy
            return fn(table_hbm.at[idx_v.at[j]], rows_v.at[b], gsem.at[b])

        def store(j, b, start):
            fn = pltpu.async_copy if start else pltpu.make_async_copy
            return fn(rows_v.at[b], out_hbm.at[pl.ds(base + j * CH, CH)],
                      ssem.at[b])

        for b in range(NBUF):
            gather(b, b, True)

        def body(i, _):
            j0 = i * NBUF
            for b in range(NBUF):
                gather(j0 + b, b, False).wait()
                store(j0 + b, b, True)
            for b in range(NBUF):
                store(j0 + b, b, False).wait()
                gather(j0 + NBUF + b, b, True)
            return _

        lax.fori_loop(0, NOUTER - 1, body, 0, unroll=False)

        j0 = (NOUTER - 1) * NBUF
        for b in range(NBUF):
            gather(j0 + b, b, False).wait()
            store(j0 + b, b, True)
        for b in range(NBUF):
            store(j0 + b, b, False).wait()

    return k(idx3, table)


def kernel(input_ids, embed_weight):
    idx3 = input_ids.astype(jnp.int32).reshape(NW, NCHUNK, CH)
    out = _sc_gather(idx3, embed_weight)
    return out.reshape(B, L, DIM)

# --- scband reference (transcript-rebuilt; emitter-appended) ---
"""Pipeline reference for scband-fake-encoder-model-13537736917788 (READ-ONLY COPY).

The authoritative reference and input builder live on the scoring server;
editing this copy changes nothing except your own understanding.
"""

import jax, jax.numpy as jnp
import numpy as np

VOCAB = 100000
DIM = 64
B = 1024
L = 200

def setup_inputs(seed: int = 0) -> dict:
    key = jax.random.key(seed)
    k1, k2 = jax.random.split(key)
    input_ids = jax.random.randint(k1, (B, L), 0, VOCAB, dtype=jnp.int64 if jax.config.jax_enable_x64 else jnp.int32)
    embed_weight = jax.random.normal(k2, (VOCAB, DIM), dtype=jnp.float32)
    return {"input_ids": input_ids, "embed_weight": embed_weight}

def reference(input_ids, embed_weight):
    # _FakeEncoderModel.forward: returns embed(input_ids) as last_hidden_state
    last_hidden_state = jnp.take(embed_weight, input_ids, axis=0)
    return last_hidden_state

if __name__ == "__main__":
    import jax
    _d = setup_inputs()
    print(jax.jit(kernel)(*tuple(_d.values())))

</pallas_src>

<mosaic_0001>
#map = affine_map<(d0, d1) -> (0, 0, 0)>
#map1 = affine_map<(d0, d1) -> (0, 0)>
module attributes {stable_mosaic.version = 14 : i64} {
  func.func @k(%arg0: i32, %arg1: i32, %arg2: memref<32x50x128xi32, #tpu.memory_space<hbm>>, %arg3: memref<100000x64xf32, #tpu.memory_space<hbm>>, %arg4: memref<204800x64xf32, #tpu.memory_space<hbm>>, %arg5: memref<50x128xi32, #tpu.memory_space<vmem>>, %arg6: memref<10x128x64xf32, #tpu.memory_space<vmem>>, %arg7: memref<10x!tpu.dma_semaphore, #tpu.memory_space<semaphore_mem>>, %arg8: memref<10x!tpu.dma_semaphore, #tpu.memory_space<semaphore_mem>>) attributes {dimension_semantics = [#tpu.dimension_semantics<core_parallel>, #tpu.dimension_semantics<subcore_parallel>], iteration_bounds = array<i64: 2, 16>, scalar_prefetch = 0 : i64, scratch_operands = 4 : i64, tpu.core_type = #tpu.core_type<sc_vector_subcore>, window_params = [{transform_indices = #map}, {transform_indices = #map1}, {transform_indices = #map1}]} {
    %mul3A = arith.constant 2 : i32
    %mul3A_0 = arith.muli %arg1, %mul3A : i32
    %add3A = arith.addi %mul3A_0, %arg0 : i32
    %mul3A_1 = arith.constant 6400 : i32
    %mul3A_2 = arith.muli %add3A, %mul3A_1 : i32
    "tpu.region"() ({
      %run_scoped3A = tpu.sem_alloc : memref<!tpu.dma_semaphore, #tpu.memory_space<semaphore_mem>>
      %dma_start3A_666 = arith.constant 0 : i32
      %dma_start3A_667 = arith.constant 0 : i32
      %dma_start3A_668 = tpu.memref_slice %arg2[%add3A, %dma_start3A_666, %dma_start3A_667] : memref<32x50x128xi32, #tpu.memory_space<hbm>> -> memref<1x50x128xi32, #tpu.memory_space<hbm>>
      %dma_start3A_669 = tpu.memref_squeeze %dma_start3A_668 : memref<1x50x128xi32, #tpu.memory_space<hbm>> -> memref<50x128xi32, #tpu.memory_space<hbm>>
      %dma_start3A_670 = arith.constant 0 : i32
      %dma_start3A_671 = arith.constant 0 : i32
      %dma_start3A_672 = tpu.memref_slice %arg2[%add3A, %dma_start3A_670, %dma_start3A_671] : memref<32x50x128xi32, #tpu.memory_space<hbm>> -> memref<1x50x128xi32, #tpu.memory_space<hbm>>
      %dma_start3A_673 = tpu.memref_squeeze %dma_start3A_672 : memref<1x50x128xi32, #tpu.memory_space<hbm>> -> memref<50x128xi32, #tpu.memory_space<hbm>>
      tpu.enqueue_dma source(%dma_start3A_673 : memref<50x128xi32, #tpu.memory_space<hbm>>) target(%arg5 : memref<50x128xi32, #tpu.memory_space<vmem>>) target_semaphore(%run_scoped3A : memref<!tpu.dma_semaphore, #tpu.memory_space<semaphore_mem>>)
      %dma_wait3A_674 = arith.constant 0 : i32
      %dma_wait3A_675 = arith.constant 0 : i32
      %dma_wait3A_676 = tpu.memref_slice %arg2[%add3A, %dma_wait3A_674, %dma_wait3A_675] : memref<32x50x128xi32, #tpu.memory_space<hbm>> -> memref<1x50x128xi32, #tpu.memory_space<hbm>>
      %dma_wait3A_677 = tpu.memref_squeeze %dma_wait3A_676 : memref<1x50x128xi32, #tpu.memory_space<hbm>> -> memref<50x128xi32, #tpu.memory_space<hbm>>
      %dma_wait3A_678 = arith.constant 0 : i32
      %dma_wait3A_679 = arith.constant 0 : i32
      %dma_wait3A_680 = tpu.memref_slice %arg2[%add3A, %dma_wait3A_678, %dma_wait3A_679] : memref<32x50x128xi32, #tpu.memory_space<hbm>> -> memref<1x50x128xi32, #tpu.memory_space<hbm>>
      %dma_wait3A_681 = tpu.memref_squeeze %dma_wait3A_680 : memref<1x50x128xi32, #tpu.memory_space<hbm>> -> memref<50x128xi32, #tpu.memory_space<hbm>>
      tpu.wait_dma2 semaphore(%run_scoped3A : memref<!tpu.dma_semaphore, #tpu.memory_space<semaphore_mem>>) src(%dma_wait3A_681 : memref<50x128xi32, #tpu.memory_space<hbm>>) dst(%arg5 : memref<50x128xi32, #tpu.memory_space<vmem>>)
      tpu.yield
    }) : () -> ()
    %dma_start3A = arith.constant 0 : i32
    %dma_start3A_3 = arith.constant 0 : i32
    %dma_start3A_4 = arith.constant 0 : i32
    %dma_start3A_5 = arith.constant 0 : i32
    %dma_start3A_6 = arith.constant 0 : i32
    %dma_start3A_7 = tpu.memref_slice %arg6[%dma_start3A_3, %dma_start3A_5, %dma_start3A_6] : memref<10x128x64xf32, #tpu.memory_space<vmem>> -> memref<1x128x64xf32, #tpu.memory_space<vmem>>
    %dma_start3A_8 = tpu.memref_squeeze %dma_start3A_7 : memref<1x128x64xf32, #tpu.memory_space<vmem>> -> memref<128x64xf32, #tpu.memory_space<vmem>>
    %dma_start3A_9 = arith.constant 0 : i32
    %dma_start3A_10 = tpu.memref_slice %arg5[%dma_start3A, %dma_start3A_9] : memref<50x128xi32, #tpu.memory_space<vmem>> -> memref<1x128xi32, #tpu.memory_space<vmem>>
    %dma_start3A_11 = tpu.memref_squeeze %dma_start3A_10 : memref<1x128xi32, #tpu.memory_space<vmem>> -> memref<128xi32, #tpu.memory_space<vmem>>
    %dma_start3A_12 = arith.constant 0 : i32
    %dma_start3A_13 = arith.constant 0 : i32
    %dma_start3A_14 = tpu.memref_slice %arg3[%dma_start3A_12, %dma_start3A_13] : memref<100000x64xf32, #tpu.memory_space<hbm>> -> memref<100000x64xf32, #tpu.memory_space<hbm>>
    %dma_start3A_15 = tpu.memref_slice %arg7[%dma_start3A_4] : memref<10x!tpu.dma_semaphore, #tpu.memory_space<semaphore_mem>> -> memref<1x!tpu.dma_semaphore, #tpu.memory_space<semaphore_mem>>
    %dma_start3A_16 = tpu.memref_squeeze %dma_start3A_15 : memref<1x!tpu.dma_semaphore, #tpu.memory_space<semaphore_mem>> -> memref<!tpu.dma_semaphore, #tpu.memory_space<semaphore_mem>>
    tpu.enqueue_indirect_dma source(%dma_start3A_14 : memref<100000x64xf32, #tpu.memory_space<hbm>>) target(%dma_start3A_8 : memref<128x64xf32, #tpu.memory_space<vmem>>) offsets(%dma_start3A_11 : memref<128xi32, #tpu.memory_space<vmem>>) semaphore(%dma_start3A_16 : memref<!tpu.dma_semaphore, #tpu.memory_space<semaphore_mem>>)
    %dma_start3A_17 = arith.constant 1 : i32
    %dma_start3A_18 = arith.constant 1 : i32
    %dma_start3A_19 = arith.constant 1 : i32
    %dma_start3A_20 = arith.constant 0 : i32
    %dma_start3A_21 = arith.constant 0 : i32
    %dma_start3A_22 = tpu.memref_slice %arg6[%dma_start3A_18, %dma_start3A_20, %dma_start3A_21] : memref<10x128x64xf32, #tpu.memory_space<vmem>> -> memref<1x128x64xf32, #tpu.memory_space<vmem>>
    %dma_start3A_23 = tpu.memref_squeeze %dma_start3A_22 : memref<1x128x64xf32, #tpu.memory_space<vmem>> -> memref<128x64xf32, #tpu.memory_space<vmem>>
    %dma_start3A_24 = arith.constant 0 : i32
    %dma_start3A_25 = tpu.memref_slice %arg5[%dma_start3A_17, %dma_start3A_24] : memref<50x128xi32, #tpu.memory_space<vmem>> -> memref<1x128xi32, #tpu.memory_space<vmem>>
    %dma_start3A_26 = tpu.memref_squeeze %dma_start3A_25 : memref<1x128xi32, #tpu.memory_space<vmem>> -> memref<128xi32, #tpu.memory_space<vmem>>
    %dma_start3A_27 = arith.constant 0 : i32
    %dma_start3A_28 = arith.constant 0 : i32
    %dma_start3A_29 = tpu.memref_slice %arg3[%dma_start3A_27, %dma_start3A_28] : memref<100000x64xf32, #tpu.memory_space<hbm>> -> memref<100000x64xf32, #tpu.memory_space<hbm>>
    %dma_start3A_30 = tpu.memref_slice %arg7[%dma_start3A_19] : memref<10x!tpu.dma_semaphore, #tpu.memory_space<semaphore_mem>> -> memref<1x!tpu.dma_semaphore, #tpu.memory_space<semaphore_mem>>
    %dma_start3A_31 = tpu.memref_squeeze %dma_start3A_30 : memref<1x!tpu.dma_semaphore, #tpu.memory_space<semaphore_mem>> -> memref<!tpu.dma_semaphore, #tpu.memory_space<semaphore_mem>>
    tpu.enqueue_indirect_dma source(%dma_start3A_29 : memref<100000x64xf32, #tpu.memory_space<hbm>>) target(%dma_start3A_23 : memref<128x64xf32, #tpu.memory_space<vmem>>) offsets(%dma_start3A_26 : memref<128xi32, #tpu.memory_space<vmem>>) semaphore(%dma_start3A_31 : memref<!tpu.dma_semaphore, #tpu.memory_space<semaphore_mem>>)
    %dma_start3A_32 = arith.constant 2 : i32
    %dma_start3A_33 = arith.constant 2 : i32
    %dma_start3A_34 = arith.constant 2 : i32
    %dma_start3A_35 = arith.constant 0 : i32
    %dma_start3A_36 = arith.constant 0 : i32
    %dma_start3A_37 = tpu.memref_slice %arg6[%dma_start3A_33, %dma_start3A_35, %dma_start3A_36] : memref<10x128x64xf32, #tpu.memory_space<vmem>> -> memref<1x128x64xf32, #tpu.memory_space<vmem>>
    %dma_start3A_38 = tpu.memref_squeeze %dma_start3A_37 : memref<1x128x64xf32, #tpu.memory_space<vmem>> -> memref<128x64xf32, #tpu.memory_space<vmem>>
    %dma_start3A_39 = arith.constant 0 : i32
    %dma_start3A_40 = tpu.memref_slice %arg5[%dma_start3A_32, %dma_start3A_39] : memref<50x128xi32, #tpu.memory_space<vmem>> -> memref<1x128xi32, #tpu.memory_space<vmem>>
    %dma_start3A_41 = tpu.memref_squeeze %dma_start3A_40 : memref<1x128xi32, #tpu.memory_space<vmem>> -> memref<128xi32, #tpu.memory_space<vmem>>
    %dma_start3A_42 = arith.constant 0 : i32
    %dma_start3A_43 = arith.constant 0 : i32
    %dma_start3A_44 = tpu.memref_slice %arg3[%dma_start3A_42, %dma_start3A_43] : memref<100000x64xf32, #tpu.memory_space<hbm>> -> memref<100000x64xf32, #tpu.memory_space<hbm>>
    %dma_start3A_45 = tpu.memref_slice %arg7[%dma_start3A_34] : memref<10x!tpu.dma_semaphore, #tpu.memory_space<semaphore_mem>> -> memref<1x!tpu.dma_semaphore, #tpu.memory_space<semaphore_mem>>
    %dma_start3A_46 = tpu.memref_squeeze %dma_start3A_45 : memref<1x!tpu.dma_semaphore, #tpu.memory_space<semaphore_mem>> -> memref<!tpu.dma_semaphore, #tpu.memory_space<semaphore_mem>>
    tpu.enqueue_indirect_dma source(%dma_start3A_44 : memref<100000x64xf32, #tpu.memory_space<hbm>>) target(%dma_start3A_38 : memref<128x64xf32, #tpu.memory_space<vmem>>) offsets(%dma_start3A_41 : memref<128xi32, #tpu.memory_space<vmem>>) semaphore(%dma_start3A_46 : memref<!tpu.dma_semaphore, #tpu.memory_space<semaphore_mem>>)
    %dma_start3A_47 = arith.constant 3 : i32
    %dma_start3A_48 = arith.constant 3 : i32
    %dma_start3A_49 = arith.constant 3 : i32
    %dma_start3A_50 = arith.constant 0 : i32
    %dma_start3A_51 = arith.constant 0 : i32
    %dma_start3A_52 = tpu.memref_slice %arg6[%dma_start3A_48, %dma_start3A_50, %dma_start3A_51] : memref<10x128x64xf32, #tpu.memory_space<vmem>> -> memref<1x128x64xf32, #tpu.memory_space<vmem>>
    %dma_start3A_53 = tpu.memref_squeeze %dma_start3A_52 : memref<1x128x64xf32, #tpu.memory_space<vmem>> -> memref<128x64xf32, #tpu.memory_space<vmem>>
    %dma_start3A_54 = arith.constant 0 : i32
    %dma_start3A_55 = tpu.memref_slice %arg5[%dma_start3A_47, %dma_start3A_54] : memref<50x128xi32, #tpu.memory_space<vmem>> -> memref<1x128xi32, #tpu.memory_space<vmem>>
    %dma_start3A_56 = tpu.memref_squeeze %dma_start3A_55 : memref<1x128xi32, #tpu.memory_space<vmem>> -> memref<128xi32, #tpu.memory_space<vmem>>
    %dma_start3A_57 = arith.constant 0 : i32
    %dma_start3A_58 = arith.constant 0 : i32
    %dma_start3A_59 = tpu.memref_slice %arg3[%dma_start3A_57, %dma_start3A_58] : memref<100000x64xf32, #tpu.memory_space<hbm>> -> memref<100000x64xf32, #tpu.memory_space<hbm>>
    %dma_start3A_60 = tpu.memref_slice %arg7[%dma_start3A_49] : memref<10x!tpu.dma_semaphore, #tpu.memory_space<semaphore_mem>> -> memref<1x!tpu.dma_semaphore, #tpu.memory_space<semaphore_mem>>
    %dma_start3A_61 = tpu.memref_squeeze %dma_start3A_60 : memref<1x!tpu.dma_semaphore, #tpu.memory_space<semaphore_mem>> -> memref<!tpu.dma_semaphore, #tpu.memory_space<semaphore_mem>>
    tpu.enqueue_indirect_dma source(%dma_start3A_59 : memref<100000x64xf32, #tpu.memory_space<hbm>>) target(%dma_start3A_53 : memref<128x64xf32, #tpu.memory_space<vmem>>) offsets(%dma_start3A_56 : memref<128xi32, #tpu.memory_space<vmem>>) semaphore(%dma_start3A_61 : memref<!tpu.dma_semaphore, #tpu.memory_space<semaphore_mem>>)
    %dma_start3A_62 = arith.constant 4 : i32
    %dma_start3A_63 = arith.constant 4 : i32
    %dma_start3A_64 = arith.constant 4 : i32
    %dma_start3A_65 = arith.constant 0 : i32
    %dma_start3A_66 = arith.constant 0 : i32
    %dma_start3A_67 = tpu.memref_slice %arg6[%dma_start3A_63, %dma_start3A_65, %dma_start3A_66] : memref<10x128x64xf32, #tpu.memory_space<vmem>> -> memref<1x128x64xf32, #tpu.memory_space<vmem>>
    %dma_start3A_68 = tpu.memref_squeeze %dma_start3A_67 : memref<1x128x64xf32, #tpu.memory_space<vmem>> -> memref<128x64xf32, #tpu.memory_space<vmem>>
    %dma_start3A_69 = arith.constant 0 : i32
    %dma_start3A_70 = tpu.memref_slice %arg5[%dma_start3A_62, %dma_start3A_69] : memref<50x128xi32, #tpu.memory_space<vmem>> -> memref<1x128xi32, #tpu.memory_space<vmem>>
    %dma_start3A_71 = tpu.memref_squeeze %dma_start3A_70 : memref<1x128xi32, #tpu.memory_space<vmem>> -> memref<128xi32, #tpu.memory_space<vmem>>
    %dma_start3A_72 = arith.constant 0 : i32
    %dma_start3A_73 = arith.constant 0 : i32
    %dma_start3A_74 = tpu.memref_slice %arg3[%dma_start3A_72, %dma_start3A_73] : memref<100000x64xf32, #tpu.memory_space<hbm>> -> memref<100000x64xf32, #tpu.memory_space<hbm>>
    %dma_start3A_75 = tpu.memref_slice %arg7[%dma_start3A_64] : memref<10x!tpu.dma_semaphore, #tpu.memory_space<semaphore_mem>> -> memref<1x!tpu.dma_semaphore, #tpu.memory_space<semaphore_mem>>
    %dma_start3A_76 = tpu.memref_squeeze %dma_start3A_75 : memref<1x!tpu.dma_semaphore, #tpu.memory_space<semaphore_mem>> -> memref<!tpu.dma_semaphore, #tpu.memory_space<semaphore_mem>>
    tpu.enqueue_indirect_dma source(%dma_start3A_74 : memref<100000x64xf32, #tpu.memory_space<hbm>>) target(%dma_start3A_68 : memref<128x64xf32, #tpu.memory_space<vmem>>) offsets(%dma_start3A_71 : memref<128xi32, #tpu.memory_space<vmem>>) semaphore(%dma_start3A_76 : memref<!tpu.dma_semaphore, #tpu.memory_space<semaphore_mem>>)
    %dma_start3A_77 = arith.constant 5 : i32
    %dma_start3A_78 = arith.constant 5 : i32
    %dma_start3A_79 = arith.constant 5 : i32
    %dma_start3A_80 = arith.constant 0 : i32
    %dma_start3A_81 = arith.constant 0 : i32
    %dma_start3A_82 = tpu.memref_slice %arg6[%dma_start3A_78, %dma_start3A_80, %dma_start3A_81] : memref<10x128x64xf32, #tpu.memory_space<vmem>> -> memref<1x128x64xf32, #tpu.memory_space<vmem>>
    %dma_start3A_83 = tpu.memref_squeeze %dma_start3A_82 : memref<1x128x64xf32, #tpu.memory_space<vmem>> -> memref<128x64xf32, #tpu.memory_space<vmem>>
    %dma_start3A_84 = arith.constant 0 : i32
    %dma_start3A_85 = tpu.memref_slice %arg5[%dma_start3A_77, %dma_start3A_84] : memref<50x128xi32, #tpu.memory_space<vmem>> -> memref<1x128xi32, #tpu.memory_space<vmem>>
    %dma_start3A_86 = tpu.memref_squeeze %dma_start3A_85 : memref<1x128xi32, #tpu.memory_space<vmem>> -> memref<128xi32, #tpu.memory_space<vmem>>
    %dma_start3A_87 = arith.constant 0 : i32
    %dma_start3A_88 = arith.constant 0 : i32
    %dma_start3A_89 = tpu.memref_slice %arg3[%dma_start3A_87, %dma_start3A_88] : memref<100000x64xf32, #tpu.memory_space<hbm>> -> memref<100000x64xf32, #tpu.memory_space<hbm>>
    %dma_start3A_90 = tpu.memref_slice %arg7[%dma_start3A_79] : memref<10x!tpu.dma_semaphore, #tpu.memory_space<semaphore_mem>> -> memref<1x!tpu.dma_semaphore, #tpu.memory_space<semaphore_mem>>
    %dma_start3A_91 = tpu.memref_squeeze %dma_start3A_90 : memref<1x!tpu.dma_semaphore, #tpu.memory_space<semaphore_mem>> -> memref<!tpu.dma_semaphore, #tpu.memory_space<semaphore_mem>>
    tpu.enqueue_indirect_dma source(%dma_start3A_89 : memref<100000x64xf32, #tpu.memory_space<hbm>>) target(%dma_start3A_83 : memref<128x64xf32, #tpu.memory_space<vmem>>) offsets(%dma_start3A_86 : memref<128xi32, #tpu.memory_space<vmem>>) semaphore(%dma_start3A_91 : memref<!tpu.dma_semaphore, #tpu.memory_space<semaphore_mem>>)
    %dma_start3A_92 = arith.constant 6 : i32
    %dma_start3A_93 = arith.constant 6 : i32
    %dma_start3A_94 = arith.constant 6 : i32
    %dma_start3A_95 = arith.constant 0 : i32
    %dma_start3A_96 = arith.constant 0 : i32
    %dma_start3A_97 = tpu.memref_slice %arg6[%dma_start3A_93, %dma_start3A_95, %dma_start3A_96] : memref<10x128x64xf32, #tpu.memory_space<vmem>> -> memref<1x128x64xf32, #tpu.memory_space<vmem>>
    %dma_start3A_98 = tpu.memref_squeeze %dma_start3A_97 : memref<1x128x64xf32, #tpu.memory_space<vmem>> -> memref<128x64xf32, #tpu.memory_space<vmem>>
    %dma_start3A_99 = arith.constant 0 : i32
    %dma_start3A_100 = tpu.memref_slice %arg5[%dma_start3A_92, %dma_start3A_99] : memref<50x128xi32, #tpu.memory_space<vmem>> -> memref<1x128xi32, #tpu.memory_space<vmem>>
    %dma_start3A_101 = tpu.memref_squeeze %dma_start3A_100 : memref<1x128xi32, #tpu.memory_space<vmem>> -> memref<128xi32, #tpu.memory_space<vmem>>
    %dma_start3A_102 = arith.constant 0 : i32
    %dma_start3A_103 = arith.constant 0 : i32
    %dma_start3A_104 = tpu.memref_slice %arg3[%dma_start3A_102, %dma_start3A_103] : memref<100000x64xf32, #tpu.memory_space<hbm>> -> memref<100000x64xf32, #tpu.memory_space<hbm>>
    %dma_start3A_105 = tpu.memref_slice %arg7[%dma_start3A_94] : memref<10x!tpu.dma_semaphore, #tpu.memory_space<semaphore_mem>> -> memref<1x!tpu.dma_semaphore, #tpu.memory_space<semaphore_mem>>
    %dma_start3A_106 = tpu.memref_squeeze %dma_start3A_105 : memref<1x!tpu.dma_semaphore, #tpu.memory_space<semaphore_mem>> -> memref<!tpu.dma_semaphore, #tpu.memory_space<semaphore_mem>>
    tpu.enqueue_indirect_dma source(%dma_start3A_104 : memref<100000x64xf32, #tpu.memory_space<hbm>>) target(%dma_start3A_98 : memref<128x64xf32, #tpu.memory_space<vmem>>) offsets(%dma_start3A_101 : memref<128xi32, #tpu.memory_space<vmem>>) semaphore(%dma_start3A_106 : memref<!tpu.dma_semaphore, #tpu.memory_space<semaphore_mem>>)
    %dma_start3A_107 = arith.constant 7 : i32
    %dma_start3A_108 = arith.constant 7 : i32
    %dma_start3A_109 = arith.constant 7 : i32
    %dma_start3A_110 = arith.constant 0 : i32
    %dma_start3A_111 = arith.constant 0 : i32
    %dma_start3A_112 = tpu.memref_slice %arg6[%dma_start3A_108, %dma_start3A_110, %dma_start3A_111] : memref<10x128x64xf32, #tpu.memory_space<vmem>> -> memref<1x128x64xf32, #tpu.memory_space<vmem>>
    %dma_start3A_113 = tpu.memref_squeeze %dma_start3A_112 : memref<1x128x64xf32, #tpu.memory_space<vmem>> -> memref<128x64xf32, #tpu.memory_space<vmem>>
    %dma_start3A_114 = arith.constant 0 : i32
    %dma_start3A_115 = tpu.memref_slice %arg5[%dma_start3A_107, %dma_start3A_114] : memref<50x128xi32, #tpu.memory_space<vmem>> -> memref<1x128xi32, #tpu.memory_space<vmem>>
    %dma_start3A_116 = tpu.memref_squeeze %dma_start3A_115 : memref<1x128xi32, #tpu.memory_space<vmem>> -> memref<128xi32, #tpu.memory_space<vmem>>
    %dma_start3A_117 = arith.constant 0 : i32
    %dma_start3A_118 = arith.constant 0 : i32
    %dma_start3A_119 = tpu.memref_slice %arg3[%dma_start3A_117, %dma_start3A_118] : memref<100000x64xf32, #tpu.memory_space<hbm>> -> memref<100000x64xf32, #tpu.memory_space<hbm>>
    %dma_start3A_120 = tpu.memref_slice %arg7[%dma_start3A_109] : memref<10x!tpu.dma_semaphore, #tpu.memory_space<semaphore_mem>> -> memref<1x!tpu.dma_semaphore, #tpu.memory_space<semaphore_mem>>
    %dma_start3A_121 = tpu.memref_squeeze %dma_start3A_120 : memref<1x!tpu.dma_semaphore, #tpu.memory_space<semaphore_mem>> -> memref<!tpu.dma_semaphore, #tpu.memory_space<semaphore_mem>>
    tpu.enqueue_indirect_dma source(%dma_start3A_119 : memref<100000x64xf32, #tpu.memory_space<hbm>>) target(%dma_start3A_113 : memref<128x64xf32, #tpu.memory_space<vmem>>) offsets(%dma_start3A_116 : memref<128xi32, #tpu.memory_space<vmem>>) semaphore(%dma_start3A_121 : memref<!tpu.dma_semaphore, #tpu.memory_space<semaphore_mem>>)
    %dma_start3A_122 = arith.constant 8 : i32
    %dma_start3A_123 = arith.constant 8 : i32
    %dma_start3A_124 = arith.constant 8 : i32
    %dma_start3A_125 = arith.constant 0 : i32
    %dma_start3A_126 = arith.constant 0 : i32
    %dma_start3A_127 = tpu.memref_slice %arg6[%dma_start3A_123, %dma_start3A_125, %dma_start3A_126] : memref<10x128x64xf32, #tpu.memory_space<vmem>> -> memref<1x128x64xf32, #tpu.memory_space<vmem>>
    %dma_start3A_128 = tpu.memref_squeeze %dma_start3A_127 : memref<1x128x64xf32, #tpu.memory_space<vmem>> -> memref<128x64xf32, #tpu.memory_space<vmem>>
    %dma_start3A_129 = arith.constant 0 : i32
    %dma_start3A_130 = tpu.memref_slice %arg5[%dma_start3A_122, %dma_start3A_129] : memref<50x128xi32, #tpu.memory_space<vmem>> -> memref<1x128xi32, #tpu.memory_space<vmem>>
    %dma_start3A_131 = tpu.memref_squeeze %dma_start3A_130 : memref<1x128xi32, #tpu.memory_space<vmem>> -> memref<128xi32, #tpu.memory_space<vmem>>
    %dma_start3A_132 = arith.constant 0 : i32
    %dma_start3A_133 = arith.constant 0 : i32
    %dma_start3A_134 = tpu.memref_slice %arg3[%dma_start3A_132, %dma_start3A_133] : memref<100000x64xf32, #tpu.memory_space<hbm>> -> memref<100000x64xf32, #tpu.memory_space<hbm>>
    %dma_start3A_135 = tpu.memref_slice %arg7[%dma_start3A_124] : memref<10x!tpu.dma_semaphore, #tpu.memory_space<semaphore_mem>> -> memref<1x!tpu.dma_semaphore, #tpu.memory_space<semaphore_mem>>
    %dma_start3A_136 = tpu.memref_squeeze %dma_start3A_135 : memref<1x!tpu.dma_semaphore, #tpu.memory_space<semaphore_mem>> -> memref<!tpu.dma_semaphore, #tpu.memory_space<semaphore_mem>>
    tpu.enqueue_indirect_dma source(%dma_start3A_134 : memref<100000x64xf32, #tpu.memory_space<hbm>>) target(%dma_start3A_128 : memref<128x64xf32, #tpu.memory_space<vmem>>) offsets(%dma_start3A_131 : memref<128xi32, #tpu.memory_space<vmem>>) semaphore(%dma_start3A_136 : memref<!tpu.dma_semaphore, #tpu.memory_space<semaphore_mem>>)
    %dma_start3A_137 = arith.constant 9 : i32
    %dma_start3A_138 = arith.constant 9 : i32
    %dma_start3A_139 = arith.constant 9 : i32
    %dma_start3A_140 = arith.constant 0 : i32
    %dma_start3A_141 = arith.constant 0 : i32
    %dma_start3A_142 = tpu.memref_slice %arg6[%dma_start3A_138, %dma_start3A_140, %dma_start3A_141] : memref<10x128x64xf32, #tpu.memory_space<vmem>> -> memref<1x128x64xf32, #tpu.memory_space<vmem>>
    %dma_start3A_143 = tpu.memref_squeeze %dma_start3A_142 : memref<1x128x64xf32, #tpu.memory_space<vmem>> -> memref<128x64xf32, #tpu.memory_space<vmem>>
    %dma_start3A_144 = arith.constant 0 : i32
    %dma_start3A_145 = tpu.memref_slice %arg5[%dma_start3A_137, %dma_start3A_144] : memref<50x128xi32, #tpu.memory_space<vmem>> -> memref<1x128xi32, #tpu.memory_space<vmem>>
    %dma_start3A_146 = tpu.memref_squeeze %dma_start3A_145 : memref<1x128xi32, #tpu.memory_space<vmem>> -> memref<128xi32, #tpu.memory_space<vmem>>
    %dma_start3A_147 = arith.constant 0 : i32
    %dma_start3A_148 = arith.constant 0 : i32
    %dma_start3A_149 = tpu.memref_slice %arg3[%dma_start3A_147, %dma_start3A_148] : memref<100000x64xf32, #tpu.memory_space<hbm>> -> memref<100000x64xf32, #tpu.memory_space<hbm>>
    %dma_start3A_150 = tpu.memref_slice %arg7[%dma_start3A_139] : memref<10x!tpu.dma_semaphore, #tpu.memory_space<semaphore_mem>> -> memref<1x!tpu.dma_semaphore, #tpu.memory_space<semaphore_mem>>
    %dma_start3A_151 = tpu.memref_squeeze %dma_start3A_150 : memref<1x!tpu.dma_semaphore, #tpu.memory_space<semaphore_mem>> -> memref<!tpu.dma_semaphore, #tpu.memory_space<semaphore_mem>>
    tpu.enqueue_indirect_dma source(%dma_start3A_149 : memref<100000x64xf32, #tpu.memory_space<hbm>>) target(%dma_start3A_143 : memref<128x64xf32, #tpu.memory_space<vmem>>) offsets(%dma_start3A_146 : memref<128xi32, #tpu.memory_space<vmem>>) semaphore(%dma_start3A_151 : memref<!tpu.dma_semaphore, #tpu.memory_space<semaphore_mem>>)
    %scan3A = arith.constant 0 : i32
    %scan3A_152 = arith.constant 0 : i32
    %scan3A_153 = arith.constant 4 : i32
    %scan3A_154 = arith.addi %scan3A_152, %scan3A_153 : i32
    %scan3A_155 = arith.constant 1 : i32
    scf.for %scan3A_666 = %scan3A_152 to %scan3A_154 step %scan3A_155  : i32 {
      %mul3A_667 = arith.constant 10 : i32
      %mul3A_668 = arith.muli %scan3A_666, %mul3A_667 : i32
      %add3A_669 = arith.constant 0 : i32
      %add3A_670 = arith.addi %mul3A_668, %add3A_669 : i32
      %dma_wait3A_671 = arith.constant 0 : i32
      %dma_wait3A_672 = arith.constant 0 : i32
      %dma_wait3A_673 = arith.constant 0 : i32
      %dma_wait3A_674 = arith.constant 0 : i32
      %dma_wait3A_675 = tpu.memref_slice %arg6[%dma_wait3A_671, %dma_wait3A_673, %dma_wait3A_674] : memref<10x128x64xf32, #tpu.memory_space<vmem>> -> memref<1x128x64xf32, #tpu.memory_space<vmem>>
      %dma_wait3A_676 = tpu.memref_squeeze %dma_wait3A_675 : memref<1x128x64xf32, #tpu.memory_space<vmem>> -> memref<128x64xf32, #tpu.memory_space<vmem>>
      %dma_wait3A_677 = arith.constant 0 : i32
      %dma_wait3A_678 = tpu.memref_slice %arg5[%add3A_670, %dma_wait3A_677] : memref<50x128xi32, #tpu.memory_space<vmem>> -> memref<1x128xi32, #tpu.memory_space<vmem>>
      %dma_wait3A_679 = tpu.memref_squeeze %dma_wait3A_678 : memref<1x128xi32, #tpu.memory_space<vmem>> -> memref<128xi32, #tpu.memory_space<vmem>>
      %dma_wait3A_680 = arith.constant 0 : i32
      %dma_wait3A_681 = arith.constant 0 : i32
      %dma_wait3A_682 = tpu.memref_slice %arg3[%dma_wait3A_680, %dma_wait3A_681] : memref<100000x64xf32, #tpu.memory_space<hbm>> -> memref<100000x64xf32, #tpu.memory_space<hbm>>
      %dma_wait3A_683 = tpu.memref_slice %arg7[%dma_wait3A_672] : memref<10x!tpu.dma_semaphore, #tpu.memory_space<semaphore_mem>> -> memref<1x!tpu.dma_semaphore, #tpu.memory_space<semaphore_mem>>
      %dma_wait3A_684 = tpu.memref_squeeze %dma_wait3A_683 : memref<1x!tpu.dma_semaphore, #tpu.memory_space<semaphore_mem>> -> memref<!tpu.dma_semaphore, #tpu.memory_space<semaphore_mem>>
      tpu.wait_indirect_dma semaphore(%dma_wait3A_684 : memref<!tpu.dma_semaphore, #tpu.memory_space<semaphore_mem>>) src(%dma_wait3A_682 : memref<100000x64xf32, #tpu.memory_space<hbm>>) dst(%dma_wait3A_676 : memref<128x64xf32, #tpu.memory_space<vmem>>)
      %add3A_685 = arith.constant 0 : i32
      %add3A_686 = arith.addi %mul3A_668, %add3A_685 : i32
      %mul3A_687 = arith.constant 128 : i32
      %mul3A_688 = arith.muli %add3A_686, %mul3A_687 : i32
      %add3A_689 = arith.addi %mul3A_2, %mul3A_688 : i32
      %dma_start3A_690 = arith.constant 0 : i32
      %dma_start3A_691 = arith.constant 0 : i32
      %dma_start3A_692 = arith.constant 0 : i32
      %dma_start3A_693 = arith.constant 0 : i32
      %dma_start3A_694 = tpu.memref_slice %arg6[%dma_start3A_690, %dma_start3A_692, %dma_start3A_693] : memref<10x128x64xf32, #tpu.memory_space<vmem>> -> memref<1x128x64xf32, #tpu.memory_space<vmem>>
      %dma_start3A_695 = tpu.memref_squeeze %dma_start3A_694 : memref<1x128x64xf32, #tpu.memory_space<vmem>> -> memref<128x64xf32, #tpu.memory_space<vmem>>
      %dma_start3A_696 = arith.constant 0 : i32
      %dma_start3A_697 = tpu.memref_slice %arg4[%add3A_689, %dma_start3A_696] : memref<204800x64xf32, #tpu.memory_space<hbm>> -> memref<128x64xf32, #tpu.memory_space<hbm>>
      %dma_start3A_698 = tpu.memref_slice %arg8[%dma_start3A_691] : memref<10x!tpu.dma_semaphore, #tpu.memory_space<semaphore_mem>> -> memref<1x!tpu.dma_semaphore, #tpu.memory_space<semaphore_mem>>
      %dma_start3A_699 = tpu.memref_squeeze %dma_start3A_698 : memref<1x!tpu.dma_semaphore, #tpu.memory_space<semaphore_mem>> -> memref<!tpu.dma_semaphore, #tpu.memory_space<semaphore_mem>>
      %dma_start3A_700 = arith.constant 0 : i32
      %dma_start3A_701 = tpu.memref_slice %arg4[%add3A_689, %dma_start3A_700] : memref<204800x64xf32, #tpu.memory_space<hbm>> -> memref<128x64xf32, #tpu.memory_space<hbm>>
      %dma_start3A_702 = arith.constant 0 : i32
      %dma_start3A_703 = arith.constant 0 : i32
      %dma_start3A_704 = tpu.memref_slice %arg6[%dma_start3A_690, %dma_start3A_702, %dma_start3A_703] : memref<10x128x64xf32, #tpu.memory_space<vmem>> -> memref<1x128x64xf32, #tpu.memory_space<vmem>>
      %dma_start3A_705 = tpu.memref_squeeze %dma_start3A_704 : memref<1x128x64xf32, #tpu.memory_space<vmem>> -> memref<128x64xf32, #tpu.memory_space<vmem>>
      tpu.enqueue_dma source(%dma_start3A_705 : memref<128x64xf32, #tpu.memory_space<vmem>>) target(%dma_start3A_701 : memref<128x64xf32, #tpu.memory_space<hbm>>) target_semaphore(%dma_start3A_699 : memref<!tpu.dma_semaphore, #tpu.memory_space<semaphore_mem>>)
      %add3A_706 = arith.constant 1 : i32
      %add3A_707 = arith.addi %mul3A_668, %add3A_706 : i32
      %dma_wait3A_708 = arith.constant 1 : i32
      %dma_wait3A_709 = arith.constant 1 : i32
      %dma_wait3A_710 = arith.constant 0 : i32
      %dma_wait3A_711 = arith.constant 0 : i32
      %dma_wait3A_712 = tpu.memref_slice %arg6[%dma_wait3A_708, %dma_wait3A_710, %dma_wait3A_711] : memref<10x128x64xf32, #tpu.memory_space<vmem>> -> memref<1x128x64xf32, #tpu.memory_space<vmem>>
      %dma_wait3A_713 = tpu.memref_squeeze %dma_wait3A_712 : memref<1x128x64xf32, #tpu.memory_space<vmem>> -> memref<128x64xf32, #tpu.memory_space<vmem>>
      %dma_wait3A_714 = arith.constant 0 : i32
      %dma_wait3A_715 = tpu.memref_slice %arg5[%add3A_707, %dma_wait3A_714] : memref<50x128xi32, #tpu.memory_space<vmem>> -> memref<1x128xi32, #tpu.memory_space<vmem>>
      %dma_wait3A_716 = tpu.memref_squeeze %dma_wait3A_715 : memref<1x128xi32, #tpu.memory_space<vmem>> -> memref<128xi32, #tpu.memory_space<vmem>>
      %dma_wait3A_717 = arith.constant 0 : i32
      %dma_wait3A_718 = arith.constant 0 : i32
      %dma_wait3A_719 = tpu.memref_slice %arg3[%dma_wait3A_717, %dma_wait3A_718] : memref<100000x64xf32, #tpu.memory_space<hbm>> -> memref<100000x64xf32, #tpu.memory_space<hbm>>
      %dma_wait3A_720 = tpu.memref_slice %arg7[%dma_wait3A_709] : memref<10x!tpu.dma_semaphore, #tpu.memory_space<semaphore_mem>> -> memref<1x!tpu.dma_semaphore, #tpu.memory_space<semaphore_mem>>
      %dma_wait3A_721 = tpu.memref_squeeze %dma_wait3A_720 : memref<1x!tpu.dma_semaphore, #tpu.memory_space<semaphore_mem>> -> memref<!tpu.dma_semaphore, #tpu.memory_space<semaphore_mem>>
      tpu.wait_indirect_dma semaphore(%dma_wait3A_721 : memref<!tpu.dma_semaphore, #tpu.memory_space<semaphore_mem>>) src(%dma_wait3A_719 : memref<100000x64xf32, #tpu.memory_space<hbm>>) dst(%dma_wait3A_713 : memref<128x64xf32, #tpu.memory_space<vmem>>)
      %add3A_722 = arith.constant 1 : i32
      %add3A_723 = arith.addi %mul3A_668, %add3A_722 : i32
      %mul3A_724 = arith.constant 128 : i32
      %mul3A_725 = arith.muli %add3A_723, %mul3A_724 : i32
      %add3A_726 = arith.addi %mul3A_2, %mul3A_725 : i32
      %dma_start3A_727 = arith.constant 1 : i32
      %dma_start3A_728 = arith.constant 1 : i32
      %dma_start3A_729 = arith.constant 0 : i32
      %dma_start3A_730 = arith.constant 0 : i32
      %dma_start3A_731 = tpu.memref_slice %arg6[%dma_start3A_727, %dma_start3A_729, %dma_start3A_730] : memref<10x128x64xf32, #tpu.memory_space<vmem>> -> memref<1x128x64xf32, #tpu.memory_space<vmem>>
      %dma_start3A_732 = tpu.memref_squeeze %dma_start3A_731 : memref<1x128x64xf32, #tpu.memory_space<vmem>> -> memref<128x64xf32, #tpu.memory_space<vmem>>
      %dma_start3A_733 = arith.constant 0 : i32
      %dma_start3A_734 = tpu.memref_slice %arg4[%add3A_726, %dma_start3A_733] : memref<204800x64xf32, #tpu.memory_space<hbm>> -> memref<128x64xf32, #tpu.memory_space<hbm>>
      %dma_start3A_735 = tpu.memref_slice %arg8[%dma_start3A_728] : memref<10x!tpu.dma_semaphore, #tpu.memory_space<semaphore_mem>> -> memref<1x!tpu.dma_semaphore, #tpu.memory_space<semaphore_mem>>
      %dma_start3A_736 = tpu.memref_squeeze %dma_start3A_735 : memref<1x!tpu.dma_semaphore, #tpu.memory_space<semaphore_mem>> -> memref<!tpu.dma_semaphore, #tpu.memory_space<semaphore_mem>>
      %dma_start3A_737 = arith.constant 0 : i32
      %dma_start3A_738 = tpu.memref_slice %arg4[%add3A_726, %dma_start3A_737] : memref<204800x64xf32, #tpu.memory_space<hbm>> -> memref<128x64xf32, #tpu.memory_space<hbm>>
      %dma_start3A_739 = arith.constant 0 : i32
      %dma_start3A_740 = arith.constant 0 : i32
      %dma_start3A_741 = tpu.memref_slice %arg6[%dma_start3A_727, %dma_start3A_739, %dma_start3A_740] : memref<10x128x64xf32, #tpu.memory_space<vmem>> -> memref<1x128x64xf32, #tpu.memory_space<vmem>>
      %dma_start3A_742 = tpu.memref_squeeze %dma_start3A_741 : memref<1x128x64xf32, #tpu.memory_space<vmem>> -> memref<128x64xf32, #tpu.memory_space<vmem>>
      tpu.enqueue_dma source(%dma_start3A_742 : memref<128x64xf32, #tpu.memory_space<vmem>>) target(%dma_start3A_738 : memref<128x64xf32, #tpu.memory_space<hbm>>) target_semaphore(%dma_start3A_736 : memref<!tpu.dma_semaphore, #tpu.memory_space<semaphore_mem>>)
      %add3A_743 = arith.constant 2 : i32
      %add3A_744 = arith.addi %mul3A_668, %add3A_743 : i32
      %dma_wait3A_745 = arith.constant 2 : i32
      %dma_wait3A_746 = arith.constant 2 : i32
      %dma_wait3A_747 = arith.constant 0 : i32
      %dma_wait3A_748 = arith.constant 0 : i32
      %dma_wait3A_749 = tpu.memref_slice %arg6[%dma_wait3A_745, %dma_wait3A_747, %dma_wait3A_748] : memref<10x128x64xf32, #tpu.memory_space<vmem>> -> memref<1x128x64xf32, #tpu.memory_space<vmem>>
      %dma_wait3A_750 = tpu.memref_squeeze %dma_wait3A_749 : memref<1x128x64xf32, #tpu.memory_space<vmem>> -> memref<128x64xf32, #tpu.memory_space<vmem>>
      %dma_wait3A_751 = arith.constant 0 : i32
      %dma_wait3A_752 = tpu.memref_slice %arg5[%add3A_744, %dma_wait3A_751] : memref<50x128xi32, #tpu.memory_space<vmem>> -> memref<1x128xi32, #tpu.memory_space<vmem>>
      %dma_wait3A_753 = tpu.memref_squeeze %dma_wait3A_752 : memref<1x128xi32, #tpu.memory_space<vmem>> -> memref<128xi32, #tpu.memory_space<vmem>>
      %dma_wait3A_754 = arith.constant 0 : i32
      %dma_wait3A_755 = arith.constant 0 : i32
      %dma_wait3A_756 = tpu.memref_slice %arg3[%dma_wait3A_754, %dma_wait3A_755] : memref<100000x64xf32, #tpu.memory_space<hbm>> -> memref<100000x64xf32, #tpu.memory_space<hbm>>
      %dma_wait3A_757 = tpu.memref_slice %arg7[%dma_wait3A_746] : memref<10x!tpu.dma_semaphore, #tpu.memory_space<semaphore_mem>> -> memref<1x!tpu.dma_semaphore, #tpu.memory_space<semaphore_mem>>
      %dma_wait3A_758 = tpu.memref_squeeze %dma_wait3A_757 : memref<1x!tpu.dma_semaphore, #tpu.memory_space<semaphore_mem>> -> memref<!tpu.dma_semaphore, #tpu.memory_space<semaphore_mem>>
      tpu.wait_indirect_dma semaphore(%dma_wait3A_758 : memref<!tpu.dma_semaphore, #tpu.memory_space<semaphore_mem>>) src(%dma_wait3A_756 : memref<100000x64xf32, #tpu.memory_space<hbm>>) dst(%dma_wait3A_750 : memref<128x64xf32, #tpu.memory_space<vmem>>)
      %add3A_759 = arith.constant 2 : i32
      %add3A_760 = arith.addi %mul3A_668, %add3A_759 : i32
      %mul3A_761 = arith.constant 128 : i32
      %mul3A_762 = arith.muli %add3A_760, %mul3A_761 : i32
      %add3A_763 = arith.addi %mul3A_2, %mul3A_762 : i32
      %dma_start3A_764 = arith.constant 2 : i32
      %dma_start3A_765 = arith.constant 2 : i32
      %dma_start3A_766 = arith.constant 0 : i32
      %dma_start3A_767 = arith.constant 0 : i32
      %dma_start3A_768 = tpu.memref_slice %arg6[%dma_start3A_764, %dma_start3A_766, %dma_start3A_767] : memref<10x128x64xf32, #tpu.memory_space<vmem>> -> memref<1x128x64xf32, #tpu.memory_space<vmem>>
      %dma_start3A_769 = tpu.memref_squeeze %dma_start3A_768 : memref<1x128x64xf32, #tpu.memory_space<vmem>> -> memref<128x64xf32, #tpu.memory_space<vmem>>
      %dma_start3A_770 = arith.constant 0 : i32
      %dma_start3A_771 = tpu.memref_slice %arg4[%add3A_763, %dma_start3A_770] : memref<204800x64xf32, #tpu.memory_space<hbm>> -> memref<128x64xf32, #tpu.memory_space<hbm>>
      %dma_start3A_772 = tpu.memref_slice %arg8[%dma_start3A_765] : memref<10x!tpu.dma_semaphore, #tpu.memory_space<semaphore_mem>> -> memref<1x!tpu.dma_semaphore, #tpu.memory_space<semaphore_mem>>
      %dma_start3A_773 = tpu.memref_squeeze %dma_start3A_772 : memref<1x!tpu.dma_semaphore, #tpu.memory_space<semaphore_mem>> -> memref<!tpu.dma_semaphore, #tpu.memory_space<semaphore_mem>>
      %dma_start3A_774 = arith.constant 0 : i32
      %dma_start3A_775 = tpu.memref_slice %arg4[%add3A_763, %dma_start3A_774] : memref<204800x64xf32, #tpu.memory_space<hbm>> -> memref<128x64xf32, #tpu.memory_space<hbm>>
      %dma_start3A_776 = arith.constant 0 : i32
      %dma_start3A_777 = arith.constant 0 : i32
      %dma_start3A_778 = tpu.memref_slice %arg6[%dma_start3A_764, %dma_start3A_776, %dma_start3A_777] : memref<10x128x64xf32, #tpu.memory_space<vmem>> -> memref<1x128x64xf32, #tpu.memory_space<vmem>>
      %dma_start3A_779 = tpu.memref_squeeze %dma_start3A_778 : memref<1x128x64xf32, #tpu.memory_space<vmem>> -> memref<128x64xf32, #tpu.memory_space<vmem>>
      tpu.enqueue_dma source(%dma_start3A_779 : memref<128x64xf32, #tpu.memory_space<vmem>>) target(%dma_start3A_775 : memref<128x64xf32, #tpu.memory_space<hbm>>) target_semaphore(%dma_start3A_773 : memref<!tpu.dma_semaphore, #tpu.memory_space<semaphore_mem>>)
      %add3A_780 = arith.constant 3 : i32
      %add3A_781 = arith.addi %mul3A_668, %add3A_780 : i32
      %dma_wait3A_782 = arith.constant 3 : i32
      %dma_wait3A_783 = arith.constant 3 : i32
      %dma_wait3A_784 = arith.constant 0 : i32
      %dma_wait3A_785 = arith.constant 0 : i32
      %dma_wait3A_786 = tpu.memref_slice %arg6[%dma_wait3A_782, %dma_wait3A_784, %dma_wait3A_785] : memref<10x128x64xf32, #tpu.memory_space<vmem>> -> memref<1x128x64xf32, #tpu.memory_space<vmem>>
      %dma_wait3A_787 = tpu.memref_squeeze %dma_wait3A_786 : memref<1x128x64xf32, #tpu.memory_space<vmem>> -> memref<128x64xf32, #tpu.memory_space<vmem>>
      %dma_wait3A_788 = arith.constant 0 : i32
      %dma_wait3A_789 = tpu.memref_slice %arg5[%add3A_781, %dma_wait3A_788] : memref<50x128xi32, #tpu.memory_space<vmem>> -> memref<1x128xi32, #tpu.memory_space<vmem>>
      %dma_wait3A_790 = tpu.memref_squeeze %dma_wait3A_789 : memref<1x128xi32, #tpu.memory_space<vmem>> -> memref<128xi32, #tpu.memory_space<vmem>>
      %dma_wait3A_791 = arith.constant 0 : i32
      %dma_wait3A_792 = arith.constant 0 : i32
      %dma_wait3A_793 = tpu.memref_slice %arg3[%dma_wait3A_791, %dma_wait3A_792] : memref<100000x64xf32, #tpu.memory_space<hbm>> -> memref<100000x64xf32, #tpu.memory_space<hbm>>
      %dma_wait3A_794 = tpu.memref_slice %arg7[%dma_wait3A_783] : memref<10x!tpu.dma_semaphore, #tpu.memory_space<semaphore_mem>> -> memref<1x!tpu.dma_semaphore, #tpu.memory_space<semaphore_mem>>
      %dma_wait3A_795 = tpu.memref_squeeze %dma_wait3A_794 : memref<1x!tpu.dma_semaphore, #tpu.memory_space<semaphore_mem>> -> memref<!tpu.dma_semaphore, #tpu.memory_space<semaphore_mem>>
      tpu.wait_indirect_dma semaphore(%dma_wait3A_795 : memref<!tpu.dma_semaphore, #tpu.memory_space<semaphore_mem>>) src(%dma_wait3A_793 : memref<100000x64xf32, #tpu.memory_space<hbm>>) dst(%dma_wait3A_787 : memref<128x64xf32, #tpu.memory_space<vmem>>)
      %add3A_796 = arith.constant 3 : i32
      %add3A_797 = arith.addi %mul3A_668, %add3A_796 : i32
      %mul3A_798 = arith.constant 128 : i32
      %mul3A_799 = arith.muli %add3A_797, %mul3A_798 : i32
      %add3A_800 = arith.addi %mul3A_2, %mul3A_799 : i32
      %dma_start3A_801 = arith.constant 3 : i32
      %dma_start3A_802 = arith.constant 3 : i32
      %dma_start3A_803 = arith.constant 0 : i32
      %dma_start3A_804 = arith.constant 0 : i32
      %dma_start3A_805 = tpu.memref_slice %arg6[%dma_start3A_801, %dma_start3A_803, %dma_start3A_804] : memref<10x128x64xf32, #tpu.memory_space<vmem>> -> memref<1x128x64xf32, #tpu.memory_space<vmem>>
      %dma_start3A_806 = tpu.memref_squeeze %dma_start3A_805 : memref<1x128x64xf32, #tpu.memory_space<vmem>> -> memref<128x64xf32, #tpu.memory_space<vmem>>
      %dma_start3A_807 = arith.constant 0 : i32
      %dma_start3A_808 = tpu.memref_slice %arg4[%add3A_800, %dma_start3A_807] : memref<204800x64xf32, #tpu.memory_space<hbm>> -> memref<128x64xf32, #tpu.memory_space<hbm>>
      %dma_start3A_809 = tpu.memref_slice %arg8[%dma_start3A_802] : memref<10x!tpu.dma_semaphore, #tpu.memory_space<semaphore_mem>> -> memref<1x!tpu.dma_semaphore, #tpu.memory_space<semaphore_mem>>
      %dma_start3A_810 = tpu.memref_squeeze %dma_start3A_809 : memref<1x!tpu.dma_semaphore, #tpu.memory_space<semaphore_mem>> -> memref<!tpu.dma_semaphore, #tpu.memory_space<semaphore_mem>>
      %dma_start3A_811 = arith.constant 0 : i32
      %dma_start3A_812 = tpu.memref_slice %arg4[%add3A_800, %dma_start3A_811] : memref<204800x64xf32, #tpu.memory_space<hbm>> -> memref<128x64xf32, #tpu.memory_space<hbm>>
      %dma_start3A_813 = arith.constant 0 : i32
      %dma_start3A_814 = arith.constant 0 : i32
      %dma_start3A_815 = tpu.memref_slice %arg6[%dma_start3A_801, %dma_start3A_813, %dma_start3A_814] : memref<10x128x64xf32, #tpu.memory_space<vmem>> -> memref<1x128x64xf32, #tpu.memory_space<vmem>>
      %dma_start3A_816 = tpu.memref_squeeze %dma_start3A_815 : memref<1x128x64xf32, #tpu.memory_space<vmem>> -> memref<128x64xf32, #tpu.memory_space<vmem>>
      tpu.enqueue_dma source(%dma_start3A_816 : memref<128x64xf32, #tpu.memory_space<vmem>>) target(%dma_start3A_812 : memref<128x64xf32, #tpu.memory_space<hbm>>) target_semaphore(%dma_start3A_810 : memref<!tpu.dma_semaphore, #tpu.memory_space<semaphore_mem>>)
      %add3A_817 = arith.constant 4 : i32
      %add3A_818 = arith.addi %mul3A_668, %add3A_817 : i32
      %dma_wait3A_819 = arith.constant 4 : i32
      %dma_wait3A_820 = arith.constant 4 : i32
      %dma_wait3A_821 = arith.constant 0 : i32
      %dma_wait3A_822 = arith.constant 0 : i32
      %dma_wait3A_823 = tpu.memref_slice %arg6[%dma_wait3A_819, %dma_wait3A_821, %dma_wait3A_822] : memref<10x128x64xf32, #tpu.memory_space<vmem>> -> memref<1x128x64xf32, #tpu.memory_space<vmem>>
      %dma_wait3A_824 = tpu.memref_squeeze %dma_wait3A_823 : memref<1x128x64xf32, #tpu.memory_space<vmem>> -> memref<128x64xf32, #tpu.memory_space<vmem>>
      %dma_wait3A_825 = arith.constant 0 : i32
      %dma_wait3A_826 = tpu.memref_slice %arg5[%add3A_818, %dma_wait3A_825] : memref<50x128xi32, #tpu.memory_space<vmem>> -> memref<1x128xi32, #tpu.memory_space<vmem>>
      %dma_wait3A_827 = tpu.memref_squeeze %dma_wait3A_826 : memref<1x128xi32, #tpu.memory_space<vmem>> -> memref<128xi32, #tpu.memory_space<vmem>>
      %dma_wait3A_828 = arith.constant 0 : i32
      %dma_wait3A_829 = arith.constant 0 : i32
      %dma_wait3A_830 = tpu.memref_slice %arg3[%dma_wait3A_828, %dma_wait3A_829] : memref<100000x64xf32, #tpu.memory_space<hbm>> -> memref<100000x64xf32, #tpu.memory_space<hbm>>
      %dma_wait3A_831 = tpu.memref_slice %arg7[%dma_wait3A_820] : memref<10x!tpu.dma_semaphore, #tpu.memory_space<semaphore_mem>> -> memref<1x!tpu.dma_semaphore, #tpu.memory_space<semaphore_mem>>
      %dma_wait3A_832 = tpu.memref_squeeze %dma_wait3A_831 : memref<1x!tpu.dma_semaphore, #tpu.memory_space<semaphore_mem>> -> memref<!tpu.dma_semaphore, #tpu.memory_space<semaphore_mem>>
      tpu.wait_indirect_dma semaphore(%dma_wait3A_832 : memref<!tpu.dma_semaphore, #tpu.memory_space<semaphore_mem>>) src(%dma_wait3A_830 : memref<100000x64xf32, #tpu.memory_space<hbm>>) dst(%dma_wait3A_824 : memref<128x64xf32, #tpu.memory_space<vmem>>)
      %add3A_833 = arith.constant 4 : i32
      %add3A_834 = arith.addi %mul3A_668, %add3A_833 : i32
      %mul3A_835 = arith.constant 128 : i32
      %mul3A_836 = arith.muli %add3A_834, %mul3A_835 : i32
      %add3A_837 = arith.addi %mul3A_2, %mul3A_836 : i32
      %dma_start3A_838 = arith.constant 4 : i32
      %dma_start3A_839 = arith.constant 4 : i32
      %dma_start3A_840 = arith.constant 0 : i32
      %dma_start3A_841 = arith.constant 0 : i32
      %dma_start3A_842 = tpu.memref_slice %arg6[%dma_start3A_838, %dma_start3A_840, %dma_start3A_841] : memref<10x128x64xf32, #tpu.memory_space<vmem>> -> memref<1x128x64xf32, #tpu.memory_space<vmem>>
      %dma_start3A_843 = tpu.memref_squeeze %dma_start3A_842 : memref<1x128x64xf32, #tpu.memory_space<vmem>> -> memref<128x64xf32, #tpu.memory_space<vmem>>
      %dma_start3A_844 = arith.constant 0 : i32
      %dma_start3A_845 = tpu.memref_slice %arg4[%add3A_837, %dma_start3A_844] : memref<204800x64xf32, #tpu.memory_space<hbm>> -> memref<128x64xf32, #tpu.memory_space<hbm>>
      %dma_start3A_846 = tpu.memref_slice %arg8[%dma_start3A_839] : memref<10x!tpu.dma_semaphore, #tpu.memory_space<semaphore_mem>> -> memref<1x!tpu.dma_semaphore, #tpu.memory_space<semaphore_mem>>
      %dma_start3A_847 = tpu.memref_squeeze %dma_start3A_846 : memref<1x!tpu.dma_semaphore, #tpu.memory_space<semaphore_mem>> -> memref<!tpu.dma_semaphore, #tpu.memory_space<semaphore_mem>>
      %dma_start3A_848 = arith.constant 0 : i32
      %dma_start3A_849 = tpu.memref_slice %arg4[%add3A_837, %dma_start3A_848] : memref<204800x64xf32, #tpu.memory_space<hbm>> -> memref<128x64xf32, #tpu.memory_space<hbm>>
      %dma_start3A_850 = arith.constant 0 : i32
      %dma_start3A_851 = arith.constant 0 : i32
      %dma_start3A_852 = tpu.memref_slice %arg6[%dma_start3A_838, %dma_start3A_850, %dma_start3A_851] : memref<10x128x64xf32, #tpu.memory_space<vmem>> -> memref<1x128x64xf32, #tpu.memory_space<vmem>>
      %dma_start3A_853 = tpu.memref_squeeze %dma_start3A_852 : memref<1x128x64xf32, #tpu.memory_space<vmem>> -> memref<128x64xf32, #tpu.memory_space<vmem>>
      tpu.enqueue_dma source(%dma_start3A_853 : memref<128x64xf32, #tpu.memory_space<vmem>>) target(%dma_start3A_849 : memref<128x64xf32, #tpu.memory_space<hbm>>) target_semaphore(%dma_start3A_847 : memref<!tpu.dma_semaphore, #tpu.memory_space<semaphore_mem>>)
      %add3A_854 = arith.constant 5 : i32
      %add3A_855 = arith.addi %mul3A_668, %add3A_854 : i32
      %dma_wait3A_856 = arith.constant 5 : i32
      %dma_wait3A_857 = arith.constant 5 : i32
      %dma_wait3A_858 = arith.constant 0 : i32
      %dma_wait3A_859 = arith.constant 0 : i32
      %dma_wait3A_860 = tpu.memref_slice %arg6[%dma_wait3A_856, %dma_wait3A_858, %dma_wait3A_859] : memref<10x128x64xf32, #tpu.memory_space<vmem>> -> memref<1x128x64xf32, #tpu.memory_space<vmem>>
      %dma_wait3A_861 = tpu.memref_squeeze %dma_wait3A_860 : memref<1x128x64xf32, #tpu.memory_space<vmem>> -> memref<128x64xf32, #tpu.memory_space<vmem>>
      %dma_wait3A_862 = arith.constant 0 : i32
      %dma_wait3A_863 = tpu.memref_slice %arg5[%add3A_855, %dma_wait3A_862] : memref<50x128xi32, #tpu.memory_space<vmem>> -> memref<1x128xi32, #tpu.memory_space<vmem>>
      %dma_wait3A_864 = tpu.memref_squeeze %dma_wait3A_863 : memref<1x128xi32, #tpu.memory_space<vmem>> -> memref<128xi32, #tpu.memory_space<vmem>>
      %dma_wait3A_865 = arith.constant 0 : i32
      %dma_wait3A_866 = arith.constant 0 : i32
      %dma_wait3A_867 = tpu.memref_slice %arg3[%dma_wait3A_865, %dma_wait3A_866] : memref<100000x64xf32, #tpu.memory_space<hbm>> -> memref<100000x64xf32, #tpu.memory_space<hbm>>
      %dma_wait3A_868 = tpu.memref_slice %arg7[%dma_wait3A_857] : memref<10x!tpu.dma_semaphore, #tpu.memory_space<semaphore_mem>> -> memref<1x!tpu.dma_semaphore, #tpu.memory_space<semaphore_mem>>
      %dma_wait3A_869 = tpu.memref_squeeze %dma_wait3A_868 : memref<1x!tpu.dma_semaphore, #tpu.memory_space<semaphore_mem>> -> memref<!tpu.dma_semaphore, #tpu.memory_space<semaphore_mem>>
      tpu.wait_indirect_dma semaphore(%dma_wait3A_869 : memref<!tpu.dma_semaphore, #tpu.memory_space<semaphore_mem>>) src(%dma_wait3A_867 : memref<100000x64xf32, #tpu.memory_space<hbm>>) dst(%dma_wait3A_861 : memref<128x64xf32, #tpu.memory_space<vmem>>)
      %add3A_870 = arith.constant 5 : i32
      %add3A_871 = arith.addi %mul3A_668, %add3A_870 : i32
      %mul3A_872 = arith.constant 128 : i32
      %mul3A_873 = arith.muli %add3A_871, %mul3A_872 : i32
      %add3A_874 = arith.addi %mul3A_2, %mul3A_873 : i32
      %dma_start3A_875 = arith.constant 5 : i32
      %dma_start3A_876 = arith.constant 5 : i32
      %dma_start3A_877 = arith.constant 0 : i32
      %dma_start3A_878 = arith.constant 0 : i32
      %dma_start3A_879 = tpu.memref_slice %arg6[%dma_start3A_875, %dma_start3A_877, %dma_start3A_878] : memref<10x128x64xf32, #tpu.memory_space<vmem>> -> memref<1x128x64xf32, #tpu.memory_space<vmem>>
      %dma_start3A_880 = tpu.memref_squeeze %dma_start3A_879 : memref<1x128x64xf32, #tpu.memory_space<vmem>> -> memref<128x64xf32, #tpu.memory_space<vmem>>
      %dma_start3A_881 = arith.constant 0 : i32
      %dma_start3A_882 = tpu.memref_slice %arg4[%add3A_874, %dma_start3A_881] : memref<204800x64xf32, #tpu.memory_space<hbm>> -> memref<128x64xf32, #tpu.memory_space<hbm>>
      %dma_start3A_883 = tpu.memref_slice %arg8[%dma_start3A_876] : memref<10x!tpu.dma_semaphore, #tpu.memory_space<semaphore_mem>> -> memref<1x!tpu.dma_semaphore, #tpu.memory_space<semaphore_mem>>
      %dma_start3A_884 = tpu.memref_squeeze %dma_start3A_883 : memref<1x!tpu.dma_semaphore, #tpu.memory_space<semaphore_mem>> -> memref<!tpu.dma_semaphore, #tpu.memory_space<semaphore_mem>>
      %dma_start3A_885 = arith.constant 0 : i32
      %dma_start3A_886 = tpu.memref_slice %arg4[%add3A_874, %dma_start3A_885] : memref<204800x64xf32, #tpu.memory_space<hbm>> -> memref<128x64xf32, #tpu.memory_space<hbm>>
      %dma_start3A_887 = arith.constant 0 : i32
      %dma_start3A_888 = arith.constant 0 : i32
      %dma_start3A_889 = tpu.memref_slice %arg6[%dma_start3A_875, %dma_start3A_887, %dma_start3A_888] : memref<10x128x64xf32, #tpu.memory_space<vmem>> -> memref<1x128x64xf32, #tpu.memory_space<vmem>>
      %dma_start3A_890 = tpu.memref_squeeze %dma_start3A_889 : memref<1x128x64xf32, #tpu.memory_space<vmem>> -> memref<128x64xf32, #tpu.memory_space<vmem>>
      tpu.enqueue_dma source(%dma_start3A_890 : memref<128x64xf32, #tpu.memory_space<vmem>>) target(%dma_start3A_886 : memref<128x64xf32, #tpu.memory_space<hbm>>) target_semaphore(%dma_start3A_884 : memref<!tpu.dma_semaphore, #tpu.memory_space<semaphore_mem>>)
      %add3A_891 = arith.constant 6 : i32
      %add3A_892 = arith.addi %mul3A_668, %add3A_891 : i32
      %dma_wait3A_893 = arith.constant 6 : i32
      %dma_wait3A_894 = arith.constant 6 : i32
      %dma_wait3A_895 = arith.constant 0 : i32
      %dma_wait3A_896 = arith.constant 0 : i32
      %dma_wait3A_897 = tpu.memref_slice %arg6[%dma_wait3A_893, %dma_wait3A_895, %dma_wait3A_896] : memref<10x128x64xf32, #tpu.memory_space<vmem>> -> memref<1x128x64xf32, #tpu.memory_space<vmem>>
      %dma_wait3A_898 = tpu.memref_squeeze %dma_wait3A_897 : memref<1x128x64xf32, #tpu.memory_space<vmem>> -> memref<128x64xf32, #tpu.memory_space<vmem>>
      %dma_wait3A_899 = arith.constant 0 : i32
      %dma_wait3A_900 = tpu.memref_slice %arg5[%add3A_892, %dma_wait3A_899] : memref<50x128xi32, #tpu.memory_space<vmem>> -> memref<1x128xi32, #tpu.memory_space<vmem>>
      %dma_wait3A_901 = tpu.memref_squeeze %dma_wait3A_900 : memref<1x128xi32, #tpu.memory_space<vmem>> -> memref<128xi32, #tpu.memory_space<vmem>>
      %dma_wait3A_902 = arith.constant 0 : i32
      %dma_wait3A_903 = arith.constant 0 : i32
      %dma_wait3A_904 = tpu.memref_slice %arg3[%dma_wait3A_902, %dma_wait3A_903] : memref<100000x64xf32, #tpu.memory_space<hbm>> -> memref<100000x64xf32, #tpu.memory_space<hbm>>
      %dma_wait3A_905 = tpu.memref_slice %arg7[%dma_wait3A_894] : memref<10x!tpu.dma_semaphore, #tpu.memory_space<semaphore_mem>> -> memref<1x!tpu.dma_semaphore, #tpu.memory_space<semaphore_mem>>
      %dma_wait3A_906 = tpu.memref_squeeze %dma_wait3A_905 : memref<1x!tpu.dma_semaphore, #tpu.memory_space<semaphore_mem>> -> memref<!tpu.dma_semaphore, #tpu.memory_space<semaphore_mem>>
      tpu.wait_indirect_dma semaphore(%dma_wait3A_906 : memref<!tpu.dma_semaphore, #tpu.memory_space<semaphore_mem>>) src(%dma_wait3A_904 : memref<100000x64xf32, #tpu.memory_space<hbm>>) dst(%dma_wait3A_898 : memref<128x64xf32, #tpu.memory_space<vmem>>)
      %add3A_907 = arith.constant 6 : i32
      %add3A_908 = arith.addi %mul3A_668, %add3A_907 : i32
      %mul3A_909 = arith.constant 128 : i32
      %mul3A_910 = arith.muli %add3A_908, %mul3A_909 : i32
      %add3A_911 = arith.addi %mul3A_2, %mul3A_910 : i32
      %dma_start3A_912 = arith.constant 6 : i32
      %dma_start3A_913 = arith.constant 6 : i32
      %dma_start3A_914 = arith.constant 0 : i32
      %dma_start3A_915 = arith.constant 0 : i32
      %dma_start3A_916 = tpu.memref_slice %arg6[%dma_start3A_912, %dma_start3A_914, %dma_start3A_915] : memref<10x128x64xf32, #tpu.memory_space<vmem>> -> memref<1x128x64xf32, #tpu.memory_space<vmem>>
      %dma_start3A_917 = tpu.memref_squeeze %dma_start3A_916 : memref<1x128x64xf32, #tpu.memory_space<vmem>> -> memref<128x64xf32, #tpu.memory_space<vmem>>
      %dma_start3A_918 = arith.constant 0 : i32
      %dma_start3A_919 = tpu.memref_slice %arg4[%add3A_911, %dma_start3A_918] : memref<204800x64xf32, #tpu.memory_space<hbm>> -> memref<128x64xf32, #tpu.memory_space<hbm>>
      %dma_start3A_920 = tpu.memref_slice %arg8[%dma_start3A_913] : memref<10x!tpu.dma_semaphore, #tpu.memory_space<semaphore_mem>> -> memref<1x!tpu.dma_semaphore, #tpu.memory_space<semaphore_mem>>
      %dma_start3A_921 = tpu.memref_squeeze %dma_start3A_920 : memref<1x!tpu.dma_semaphore, #tpu.memory_space<semaphore_mem>> -> memref<!tpu.dma_semaphore, #tpu.memory_space<semaphore_mem>>
      %dma_start3A_922 = arith.constant 0 : i32
      %dma_start3A_923 = tpu.memref_slice %arg4[%add3A_911, %dma_start3A_922] : memref<204800x64xf32, #tpu.memory_space<hbm>> -> memref<128x64xf32, #tpu.memory_space<hbm>>
      %dma_start3A_924 = arith.constant 0 : i32
      %dma_start3A_925 = arith.constant 0 : i32
      %dma_start3A_926 = tpu.memref_slice %arg6[%dma_start3A_912, %dma_start3A_924, %dma_start3A_925] : memref<10x128x64xf32, #tpu.memory_space<vmem>> -> memref<1x128x64xf32, #tpu.memory_space<vmem>>
      %dma_start3A_927 = tpu.memref_squeeze %dma_start3A_926 : memref<1x128x64xf32, #tpu.memory_space<vmem>> -> memref<128x64xf32, #tpu.memory_space<vmem>>
      tpu.enqueue_dma source(%dma_start3A_927 : memref<128x64xf32, #tpu.memory_space<vmem>>) target(%dma_start3A_923 : memref<128x64xf32, #tpu.memory_space<hbm>>) target_semaphore(%dma_start3A_921 : memref<!tpu.dma_semaphore, #tpu.memory_space<semaphore_mem>>)
      %add3A_928 = arith.constant 7 : i32
      %add3A_929 = arith.addi %mul3A_668, %add3A_928 : i32
      %dma_wait3A_930 = arith.constant 7 : i32
      %dma_wait3A_931 = arith.constant 7 : i32
      %dma_wait3A_932 = arith.constant 0 : i32
      %dma_wait3A_933 = arith.constant 0 : i32
      %dma_wait3A_934 = tpu.memref_slice %arg6[%dma_wait3A_930, %dma_wait3A_932, %dma_wait3A_933] : memref<10x128x64xf32, #tpu.memory_space<vmem>> -> memref<1x128x64xf32, #tpu.memory_space<vmem>>
      %dma_wait3A_935 = tpu.memref_squeeze %dma_wait3A_934 : memref<1x128x64xf32, #tpu.memory_space<vmem>> -> memref<128x64xf32, #tpu.memory_space<vmem>>
      %dma_wait3A_936 = arith.constant 0 : i32
      %dma_wait3A_937 = tpu.memref_slice %arg5[%add3A_929, %dma_wait3A_936] : memref<50x128xi32, #tpu.memory_space<vmem>> -> memref<1x128xi32, #tpu.memory_space<vmem>>
      %dma_wait3A_938 = tpu.memref_squeeze %dma_wait3A_937 : memref<1x128xi32, #tpu.memory_space<vmem>> -> memref<128xi32, #tpu.memory_space<vmem>>
      %dma_wait3A_939 = arith.constant 0 : i32
      %dma_wait3A_940 = arith.constant 0 : i32
      %dma_wait3A_941 = tpu.memref_slice %arg3[%dma_wait3A_939, %dma_wait3A_940] : memref<100000x64xf32, #tpu.memory_space<hbm>> -> memref<100000x64xf32, #tpu.memory_space<hbm>>
      %dma_wait3A_942 = tpu.memref_slice %arg7[%dma_wait3A_931] : memref<10x!tpu.dma_semaphore, #tpu.memory_space<semaphore_mem>> -> memref<1x!tpu.dma_semaphore, #tpu.memory_space<semaphore_mem>>
      %dma_wait3A_943 = tpu.memref_squeeze %dma_wait3A_942 : memref<1x!tpu.dma_semaphore, #tpu.memory_space<semaphore_mem>> -> memref<!tpu.dma_semaphore, #tpu.memory_space<semaphore_mem>>
      tpu.wait_indirect_dma semaphore(%dma_wait3A_943 : memref<!tpu.dma_semaphore, #tpu.memory_space<semaphore_mem>>) src(%dma_wait3A_941 : memref<100000x64xf32, #tpu.memory_space<hbm>>) dst(%dma_wait3A_935 : memref<128x64xf32, #tpu.memory_space<vmem>>)
      %add3A_944 = arith.constant 7 : i32
      %add3A_945 = arith.addi %mul3A_668, %add3A_944 : i32
      %mul3A_946 = arith.constant 128 : i32
      %mul3A_947 = arith.muli %add3A_945, %mul3A_946 : i32
      %add3A_948 = arith.addi %mul3A_2, %mul3A_947 : i32
      %dma_start3A_949 = arith.constant 7 : i32
      %dma_start3A_950 = arith.constant 7 : i32
      %dma_start3A_951 = arith.constant 0 : i32
      %dma_start3A_952 = arith.constant 0 : i32
      %dma_start3A_953 = tpu.memref_slice %arg6[%dma_start3A_949, %dma_start3A_951, %dma_start3A_952] : memref<10x128x64xf32, #tpu.memory_space<vmem>> -> memref<1x128x64xf32, #tpu.memory_space<vmem>>
      %dma_start3A_954 = tpu.memref_squeeze %dma_start3A_953 : memref<1x128x64xf32, #tpu.memory_space<vmem>> -> memref<128x64xf32, #tpu.memory_space<vmem>>
      %dma_start3A_955 = arith.constant 0 : i32
      %dma_start3A_956 = tpu.memref_slice %arg4[%add3A_948, %dma_start3A_955] : memref<204800x64xf32, #tpu.memory_space<hbm>> -> memref<128x64xf32, #tpu.memory_space<hbm>>
      %dma_start3A_957 = tpu.memref_slice %arg8[%dma_start3A_950] : memref<10x!tpu.dma_semaphore, #tpu.memory_space<semaphore_mem>> -> memref<1x!tpu.dma_semaphore, #tpu.memory_space<semaphore_mem>>
      %dma_start3A_958 = tpu.memref_squeeze %dma_start3A_957 : memref<1x!tpu.dma_semaphore, #tpu.memory_space<semaphore_mem>> -> memref<!tpu.dma_semaphore, #tpu.memory_space<semaphore_mem>>
      %dma_start3A_959 = arith.constant 0 : i32
      %dma_start3A_960 = tpu.memref_slice %arg4[%add3A_948, %dma_start3A_959] : memref<204800x64xf32, #tpu.memory_space<hbm>> -> memref<128x64xf32, #tpu.memory_space<hbm>>
      %dma_start3A_961 = arith.constant 0 : i32
      %dma_start3A_962 = arith.constant 0 : i32
      %dma_start3A_963 = tpu.memref_slice %arg6[%dma_start3A_949, %dma_start3A_961, %dma_start3A_962] : memref<10x128x64xf32, #tpu.memory_space<vmem>> -> memref<1x128x64xf32, #tpu.memory_space<vmem>>
      %dma_start3A_964 = tpu.memref_squeeze %dma_start3A_963 : memref<1x128x64xf32, #tpu.memory_space<vmem>> -> memref<128x64xf32, #tpu.memory_space<vmem>>
      tpu.enqueue_dma source(%dma_start3A_964 : memref<128x64xf32, #tpu.memory_space<vmem>>) target(%dma_start3A_960 : memref<128x64xf32, #tpu.memory_space<hbm>>) target_semaphore(%dma_start3A_958 : memref<!tpu.dma_semaphore, #tpu.memory_space<semaphore_mem>>)
      %add3A_965 = arith.constant 8 : i32
      %add3A_966 = arith.addi %mul3A_668, %add3A_965 : i32
      %dma_wait3A_967 = arith.constant 8 : i32
      %dma_wait3A_968 = arith.constant 8 : i32
      %dma_wait3A_969 = arith.constant 0 : i32
      %dma_wait3A_970 = arith.constant 0 : i32
      %dma_wait3A_971 = tpu.memref_slice %arg6[%dma_wait3A_967, %dma_wait3A_969, %dma_wait3A_970] : memref<10x128x64xf32, #tpu.memory_space<vmem>> -> memref<1x128x64xf32, #tpu.memory_space<vmem>>
      %dma_wait3A_972 = tpu.memref_squeeze %dma_wait3A_971 : memref<1x128x64xf32, #tpu.memory_space<vmem>> -> memref<128x64xf32, #tpu.memory_space<vmem>>
      %dma_wait3A_973 = arith.constant 0 : i32
      %dma_wait3A_974 = tpu.memref_slice %arg5[%add3A_966, %dma_wait3A_973] : memref<50x128xi32, #tpu.memory_space<vmem>> -> memref<1x128xi32, #tpu.memory_space<vmem>>
      %dma_wait3A_975 = tpu.memref_squeeze %dma_wait3A_974 : memref<1x128xi32, #tpu.memory_space<vmem>> -> memref<128xi32, #tpu.memory_space<vmem>>
      %dma_wait3A_976 = arith.constant 0 : i32
      %dma_wait3A_977 = arith.constant 0 : i32
      %dma_wait3A_978 = tpu.memref_slice %arg3[%dma_wait3A_976, %dma_wait3A_977] : memref<100000x64xf32, #tpu.memory_space<hbm>> -> memref<100000x64xf32, #tpu.memory_space<hbm>>
      %dma_wait3A_979 = tpu.memref_slice %arg7[%dma_wait3A_968] : memref<10x!tpu.dma_semaphore, #tpu.memory_space<semaphore_mem>> -> memref<1x!tpu.dma_semaphore, #tpu.memory_space<semaphore_mem>>
      %dma_wait3A_980 = tpu.memref_squeeze %dma_wait3A_979 : memref<1x!tpu.dma_semaphore, #tpu.memory_space<semaphore_mem>> -> memref<!tpu.dma_semaphore, #tpu.memory_space<semaphore_mem>>
      tpu.wait_indirect_dma semaphore(%dma_wait3A_980 : memref<!tpu.dma_semaphore, #tpu.memory_space<semaphore_mem>>) src(%dma_wait3A_978 : memref<100000x64xf32, #tpu.memory_space<hbm>>) dst(%dma_wait3A_972 : memref<128x64xf32, #tpu.memory_space<vmem>>)
      %add3A_981 = arith.constant 8 : i32
      %add3A_982 = arith.addi %mul3A_668, %add3A_981 : i32
      %mul3A_983 = arith.constant 128 : i32
      %mul3A_984 = arith.muli %add3A_982, %mul3A_983 : i32
      %add3A_985 = arith.addi %mul3A_2, %mul3A_984 : i32
      %dma_start3A_986 = arith.constant 8 : i32
      %dma_start3A_987 = arith.constant 8 : i32
      %dma_start3A_988 = arith.constant 0 : i32
      %dma_start3A_989 = arith.constant 0 : i32
      %dma_start3A_990 = tpu.memref_slice %arg6[%dma_start3A_986, %dma_start3A_988, %dma_start3A_989] : memref<10x128x64xf32, #tpu.memory_space<vmem>> -> memref<1x128x64xf32, #tpu.memory_space<vmem>>
      %dma_start3A_991 = tpu.memref_squeeze %dma_start3A_990 : memref<1x128x64xf32, #tpu.memory_space<vmem>> -> memref<128x64xf32, #tpu.memory_space<vmem>>
      %dma_start3A_992 = arith.constant 0 : i32
      %dma_start3A_993 = tpu.memref_slice %arg4[%add3A_985, %dma_start3A_992] : memref<204800x64xf32, #tpu.memory_space<hbm>> -> memref<128x64xf32, #tpu.memory_space<hbm>>
      %dma_start3A_994 = tpu.memref_slice %arg8[%dma_start3A_987] : memref<10x!tpu.dma_semaphore, #tpu.memory_space<semaphore_mem>> -> memref<1x!tpu.dma_semaphore, #tpu.memory_space<semaphore_mem>>
      %dma_start3A_995 = tpu.memref_squeeze %dma_start3A_994 : memref<1x!tpu.dma_semaphore, #tpu.memory_space<semaphore_mem>> -> memref<!tpu.dma_semaphore, #tpu.memory_space<semaphore_mem>>
      %dma_start3A_996 = arith.constant 0 : i32
      %dma_start3A_997 = tpu.memref_slice %arg4[%add3A_985, %dma_start3A_996] : memref<204800x64xf32, #tpu.memory_space<hbm>> -> memref<128x64xf32, #tpu.memory_space<hbm>>
      %dma_start3A_998 = arith.constant 0 : i32
      %dma_start3A_999 = arith.constant 0 : i32
      %dma_start3A_1000 = tpu.memref_slice %arg6[%dma_start3A_986, %dma_start3A_998, %dma_start3A_999] : memref<10x128x64xf32, #tpu.memory_space<vmem>> -> memref<1x128x64xf32, #tpu.memory_space<vmem>>
      %dma_start3A_1001 = tpu.memref_squeeze %dma_start3A_1000 : memref<1x128x64xf32, #tpu.memory_space<vmem>> -> memref<128x64xf32, #tpu.memory_space<vmem>>
      tpu.enqueue_dma source(%dma_start3A_1001 : memref<128x64xf32, #tpu.memory_space<vmem>>) target(%dma_start3A_997 : memref<128x64xf32, #tpu.memory_space<hbm>>) target_semaphore(%dma_start3A_995 : memref<!tpu.dma_semaphore, #tpu.memory_space<semaphore_mem>>)
      %add3A_1002 = arith.constant 9 : i32
      %add3A_1003 = arith.addi %mul3A_668, %add3A_1002 : i32
      %dma_wait3A_1004 = arith.constant 9 : i32
      %dma_wait3A_1005 = arith.constant 9 : i32
      %dma_wait3A_1006 = arith.constant 0 : i32
      %dma_wait3A_1007 = arith.constant 0 : i32
      %dma_wait3A_1008 = tpu.memref_slice %arg6[%dma_wait3A_1004, %dma_wait3A_1006, %dma_wait3A_1007] : memref<10x128x64xf32, #tpu.memory_space<vmem>> -> memref<1x128x64xf32, #tpu.memory_space<vmem>>
      %dma_wait3A_1009 = tpu.memref_squeeze %dma_wait3A_1008 : memref<1x128x64xf32, #tpu.memory_space<vmem>> -> memref<128x64xf32, #tpu.memory_space<vmem>>
      %dma_wait3A_1010 = arith.constant 0 : i32
      %dma_wait3A_1011 = tpu.memref_slice %arg5[%add3A_1003, %dma_wait3A_1010] : memref<50x128xi32, #tpu.memory_space<vmem>> -> memref<1x128xi32, #tpu.memory_space<vmem>>
      %dma_wait3A_1012 = tpu.memref_squeeze %dma_wait3A_1011 : memref<1x128xi32, #tpu.memory_space<vmem>> -> memref<128xi32, #tpu.memory_space<vmem>>
      %dma_wait3A_1013 = arith.constant 0 : i32
      %dma_wait3A_1014 = arith.constant 0 : i32
      %dma_wait3A_1015 = tpu.memref_slice %arg3[%dma_wait3A_1013, %dma_wait3A_1014] : memref<100000x64xf32, #tpu.memory_space<hbm>> -> memref<100000x64xf32, #tpu.memory_space<hbm>>
      %dma_wait3A_1016 = tpu.memref_slice %arg7[%dma_wait3A_1005] : memref<10x!tpu.dma_semaphore, #tpu.memory_space<semaphore_mem>> -> memref<1x!tpu.dma_semaphore, #tpu.memory_space<semaphore_mem>>
      %dma_wait3A_1017 = tpu.memref_squeeze %dma_wait3A_1016 : memref<1x!tpu.dma_semaphore, #tpu.memory_space<semaphore_mem>> -> memref<!tpu.dma_semaphore, #tpu.memory_space<semaphore_mem>>
      tpu.wait_indirect_dma semaphore(%dma_wait3A_1017 : memref<!tpu.dma_semaphore, #tpu.memory_space<semaphore_mem>>) src(%dma_wait3A_1015 : memref<100000x64xf32, #tpu.memory_space<hbm>>) dst(%dma_wait3A_1009 : memref<128x64xf32, #tpu.memory_space<vmem>>)
      %add3A_1018 = arith.constant 9 : i32
      %add3A_1019 = arith.addi %mul3A_668, %add3A_1018 : i32
      %mul3A_1020 = arith.constant 128 : i32
      %mul3A_1021 = arith.muli %add3A_1019, %mul3A_1020 : i32
      %add3A_1022 = arith.addi %mul3A_2, %mul3A_1021 : i32
      %dma_start3A_1023 = arith.constant 9 : i32
      %dma_start3A_1024 = arith.constant 9 : i32
      %dma_start3A_1025 = arith.constant 0 : i32
      %dma_start3A_1026 = arith.constant 0 : i32
      %dma_start3A_1027 = tpu.memref_slice %arg6[%dma_start3A_1023, %dma_start3A_1025, %dma_start3A_1026] : memref<10x128x64xf32, #tpu.memory_space<vmem>> -> memref<1x128x64xf32, #tpu.memory_space<vmem>>
      %dma_start3A_1028 = tpu.memref_squeeze %dma_start3A_1027 : memref<1x128x64xf32, #tpu.memory_space<vmem>> -> memref<128x64xf32, #tpu.memory_space<vmem>>
      %dma_start3A_1029 = arith.constant 0 : i32
      %dma_start3A_1030 = tpu.memref_slice %arg4[%add3A_1022, %dma_start3A_1029] : memref<204800x64xf32, #tpu.memory_space<hbm>> -> memref<128x64xf32, #tpu.memory_space<hbm>>
      %dma_start3A_1031 = tpu.memref_slice %arg8[%dma_start3A_1024] : memref<10x!tpu.dma_semaphore, #tpu.memory_space<semaphore_mem>> -> memref<1x!tpu.dma_semaphore, #tpu.memory_space<semaphore_mem>>
      %dma_start3A_1032 = tpu.memref_squeeze %dma_start3A_1031 : memref<1x!tpu.dma_semaphore, #tpu.memory_space<semaphore_mem>> -> memref<!tpu.dma_semaphore, #tpu.memory_space<semaphore_mem>>
      %dma_start3A_1033 = arith.constant 0 : i32
      %dma_start3A_1034 = tpu.memref_slice %arg4[%add3A_1022, %dma_start3A_1033] : memref<204800x64xf32, #tpu.memory_space<hbm>> -> memref<128x64xf32, #tpu.memory_space<hbm>>
      %dma_start3A_1035 = arith.constant 0 : i32
      %dma_start3A_1036 = arith.constant 0 : i32
      %dma_start3A_1037 = tpu.memref_slice %arg6[%dma_start3A_1023, %dma_start3A_1035, %dma_start3A_1036] : memref<10x128x64xf32, #tpu.memory_space<vmem>> -> memref<1x128x64xf32, #tpu.memory_space<vmem>>
      %dma_start3A_1038 = tpu.memref_squeeze %dma_start3A_1037 : memref<1x128x64xf32, #tpu.memory_space<vmem>> -> memref<128x64xf32, #tpu.memory_space<vmem>>
      tpu.enqueue_dma source(%dma_start3A_1038 : memref<128x64xf32, #tpu.memory_space<vmem>>) target(%dma_start3A_1034 : memref<128x64xf32, #tpu.memory_space<hbm>>) target_semaphore(%dma_start3A_1032 : memref<!tpu.dma_semaphore, #tpu.memory_space<semaphore_mem>>)
      %add3A_1039 = arith.constant 0 : i32
      %add3A_1040 = arith.addi %mul3A_668, %add3A_1039 : i32
      %mul3A_1041 = arith.constant 128 : i32
      %mul3A_1042 = arith.muli %add3A_1040, %mul3A_1041 : i32
      %add3A_1043 = arith.addi %mul3A_2, %mul3A_1042 : i32
      %dma_wait3A_1044 = arith.constant 0 : i32
      %dma_wait3A_1045 = arith.constant 0 : i32
      %dma_wait3A_1046 = arith.constant 0 : i32
      %dma_wait3A_1047 = arith.constant 0 : i32
      %dma_wait3A_1048 = tpu.memref_slice %arg6[%dma_wait3A_1044, %dma_wait3A_1046, %dma_wait3A_1047] : memref<10x128x64xf32, #tpu.memory_space<vmem>> -> memref<1x128x64xf32, #tpu.memory_space<vmem>>
      %dma_wait3A_1049 = tpu.memref_squeeze %dma_wait3A_1048 : memref<1x128x64xf32, #tpu.memory_space<vmem>> -> memref<128x64xf32, #tpu.memory_space<vmem>>
      %dma_wait3A_1050 = arith.constant 0 : i32
      %dma_wait3A_1051 = tpu.memref_slice %arg4[%add3A_1043, %dma_wait3A_1050] : memref<204800x64xf32, #tpu.memory_space<hbm>> -> memref<128x64xf32, #tpu.memory_space<hbm>>
      %dma_wait3A_1052 = tpu.memref_slice %arg8[%dma_wait3A_1045] : memref<10x!tpu.dma_semaphore, #tpu.memory_space<semaphore_mem>> -> memref<1x!tpu.dma_semaphore, #tpu.memory_space<semaphore_mem>>
      %dma_wait3A_1053 = tpu.memref_squeeze %dma_wait3A_1052 : memref<1x!tpu.dma_semaphore, #tpu.memory_space<semaphore_mem>> -> memref<!tpu.dma_semaphore, #tpu.memory_space<semaphore_mem>>
      %dma_wait3A_1054 = arith.constant 0 : i32
      %dma_wait3A_1055 = tpu.memref_slice %arg4[%add3A_1043, %dma_wait3A_1054] : memref<204800x64xf32, #tpu.memory_space<hbm>> -> memref<128x64xf32, #tpu.memory_space<hbm>>
      %dma_wait3A_1056 = arith.constant 0 : i32
      %dma_wait3A_1057 = arith.constant 0 : i32
      %dma_wait3A_1058 = tpu.memref_slice %arg6[%dma_wait3A_1044, %dma_wait3A_1056, %dma_wait3A_1057] : memref<10x128x64xf32, #tpu.memory_space<vmem>> -> memref<1x128x64xf32, #tpu.memory_space<vmem>>
      %dma_wait3A_1059 = tpu.memref_squeeze %dma_wait3A_1058 : memref<1x128x64xf32, #tpu.memory_space<vmem>> -> memref<128x64xf32, #tpu.memory_space<vmem>>
      tpu.wait_dma2 semaphore(%dma_wait3A_1053 : memref<!tpu.dma_semaphore, #tpu.memory_space<semaphore_mem>>) src(%dma_wait3A_1059 : memref<128x64xf32, #tpu.memory_space<vmem>>) dst(%dma_wait3A_1055 : memref<128x64xf32, #tpu.memory_space<hbm>>)
      %add3A_1060 = arith.constant 10 : i32
      %add3A_1061 = arith.addi %mul3A_668, %add3A_1060 : i32
      %add3A_1062 = arith.constant 0 : i32
      %add3A_1063 = arith.addi %add3A_1061, %add3A_1062 : i32
      %dma_start3A_1064 = arith.constant 0 : i32
      %dma_start3A_1065 = arith.constant 0 : i32
      %dma_start3A_1066 = arith.constant 0 : i32
      %dma_start3A_1067 = arith.constant 0 : i32
      %dma_start3A_1068 = tpu.memref_slice %arg6[%dma_start3A_1064, %dma_start3A_1066, %dma_start3A_1067] : memref<10x128x64xf32, #tpu.memory_space<vmem>> -> memref<1x128x64xf32, #tpu.memory_space<vmem>>
      %dma_start3A_1069 = tpu.memref_squeeze %dma_start3A_1068 : memref<1x128x64xf32, #tpu.memory_space<vmem>> -> memref<128x64xf32, #tpu.memory_space<vmem>>
      %dma_start3A_1070 = arith.constant 0 : i32
      %dma_start3A_1071 = tpu.memref_slice %arg5[%add3A_1063, %dma_start3A_1070] : memref<50x128xi32, #tpu.memory_space<vmem>> -> memref<1x128xi32, #tpu.memory_space<vmem>>
      %dma_start3A_1072 = tpu.memref_squeeze %dma_start3A_1071 : memref<1x128xi32, #tpu.memory_space<vmem>> -> memref<128xi32, #tpu.memory_space<vmem>>
      %dma_start3A_1073 = arith.constant 0 : i32
      %dma_start3A_1074 = arith.constant 0 : i32
      %dma_start3A_1075 = tpu.memref_slice %arg3[%dma_start3A_1073, %dma_start3A_1074] : memref<100000x64xf32, #tpu.memory_space<hbm>> -> memref<100000x64xf32, #tpu.memory_space<hbm>>
      %dma_start3A_1076 = tpu.memref_slice %arg7[%dma_start3A_1065] : memref<10x!tpu.dma_semaphore, #tpu.memory_space<semaphore_mem>> -> memref<1x!tpu.dma_semaphore, #tpu.memory_space<semaphore_mem>>
      %dma_start3A_1077 = tpu.memref_squeeze %dma_start3A_1076 : memref<1x!tpu.dma_semaphore, #tpu.memory_space<semaphore_mem>> -> memref<!tpu.dma_semaphore, #tpu.memory_space<semaphore_mem>>
      tpu.enqueue_indirect_dma source(%dma_start3A_1075 : memref<100000x64xf32, #tpu.memory_space<hbm>>) target(%dma_start3A_1069 : memref<128x64xf32, #tpu.memory_space<vmem>>) offsets(%dma_start3A_1072 : memref<128xi32, #tpu.memory_space<vmem>>) semaphore(%dma_start3A_1077 : memref<!tpu.dma_semaphore, #tpu.memory_space<semaphore_mem>>)
      %add3A_1078 = arith.constant 1 : i32
      %add3A_1079 = arith.addi %mul3A_668, %add3A_1078 : i32
      %mul3A_1080 = arith.constant 128 : i32
      %mul3A_1081 = arith.muli %add3A_1079, %mul3A_1080 : i32
      %add3A_1082 = arith.addi %mul3A_2, %mul3A_1081 : i32
      %dma_wait3A_1083 = arith.constant 1 : i32
      %dma_wait3A_1084 = arith.constant 1 : i32
      %dma_wait3A_1085 = arith.constant 0 : i32
      %dma_wait3A_1086 = arith.constant 0 : i32
      %dma_wait3A_1087 = tpu.memref_slice %arg6[%dma_wait3A_1083, %dma_wait3A_1085, %dma_wait3A_1086] : memref<10x128x64xf32, #tpu.memory_space<vmem>> -> memref<1x128x64xf32, #tpu.memory_space<vmem>>
      %dma_wait3A_1088 = tpu.memref_squeeze %dma_wait3A_1087 : memref<1x128x64xf32, #tpu.memory_space<vmem>> -> memref<128x64xf32, #tpu.memory_space<vmem>>
      %dma_wait3A_1089 = arith.constant 0 : i32
      %dma_wait3A_1090 = tpu.memref_slice %arg4[%add3A_1082, %dma_wait3A_1089] : memref<204800x64xf32, #tpu.memory_space<hbm>> -> memref<128x64xf32, #tpu.memory_space<hbm>>
      %dma_wait3A_1091 = tpu.memref_slice %arg8[%dma_wait3A_1084] : memref<10x!tpu.dma_semaphore, #tpu.memory_space<semaphore_mem>> -> memref<1x!tpu.dma_semaphore, #tpu.memory_space<semaphore_mem>>
      %dma_wait3A_1092 = tpu.memref_squeeze %dma_wait3A_1091 : memref<1x!tpu.dma_semaphore, #tpu.memory_space<semaphore_mem>> -> memref<!tpu.dma_semaphore, #tpu.memory_space<semaphore_mem>>
      %dma_wait3A_1093 = arith.constant 0 : i32
      %dma_wait3A_1094 = tpu.memref_slice %arg4[%add3A_1082, %dma_wait3A_1093] : memref<204800x64xf32, #tpu.memory_space<hbm>> -> memref<128x64xf32, #tpu.memory_space<hbm>>
      %dma_wait3A_1095 = arith.constant 0 : i32
      %dma_wait3A_1096 = arith.constant 0 : i32
      %dma_wait3A_1097 = tpu.memref_slice %arg6[%dma_wait3A_1083, %dma_wait3A_1095, %dma_wait3A_1096] : memref<10x128x64xf32, #tpu.memory_space<vmem>> -> memref<1x128x64xf32, #tpu.memory_space<vmem>>
      %dma_wait3A_1098 = tpu.memref_squeeze %dma_wait3A_1097 : memref<1x128x64xf32, #tpu.memory_space<vmem>> -> memref<128x64xf32, #tpu.memory_space<vmem>>
      tpu.wait_dma2 semaphore(%dma_wait3A_1092 : memref<!tpu.dma_semaphore, #tpu.memory_space<semaphore_mem>>) src(%dma_wait3A_1098 : memref<128x64xf32, #tpu.memory_space<vmem>>) dst(%dma_wait3A_1094 : memref<128x64xf32, #tpu.memory_space<hbm>>)
      %add3A_1099 = arith.constant 10 : i32
      %add3A_1100 = arith.addi %mul3A_668, %add3A_1099 : i32
      %add3A_1101 = arith.constant 1 : i32
      %add3A_1102 = arith.addi %add3A_1100, %add3A_1101 : i32
      %dma_start3A_1103 = arith.constant 1 : i32
      %dma_start3A_1104 = arith.constant 1 : i32
      %dma_start3A_1105 = arith.constant 0 : i32
      %dma_start3A_1106 = arith.constant 0 : i32
      %dma_start3A_1107 = tpu.memref_slice %arg6[%dma_start3A_1103, %dma_start3A_1105, %dma_start3A_1106] : memref<10x128x64xf32, #tpu.memory_space<vmem>> -> memref<1x128x64xf32, #tpu.memory_space<vmem>>
      %dma_start3A_1108 = tpu.memref_squeeze %dma_start3A_1107 : memref<1x128x64xf32, #tpu.memory_space<vmem>> -> memref<128x64xf32, #tpu.memory_space<vmem>>
      %dma_start3A_1109 = arith.constant 0 : i32
      %dma_start3A_1110 = tpu.memref_slice %arg5[%add3A_1102, %dma_start3A_1109] : memref<50x128xi32, #tpu.memory_space<vmem>> -> memref<1x128xi32, #tpu.memory_space<vmem>>
      %dma_start3A_1111 = tpu.memref_squeeze %dma_start3A_1110 : memref<1x128xi32, #tpu.memory_space<vmem>> -> memref<128xi32, #tpu.memory_space<vmem>>
      %dma_start3A_1112 = arith.constant 0 : i32
      %dma_start3A_1113 = arith.constant 0 : i32
      %dma_start3A_1114 = tpu.memref_slice %arg3[%dma_start3A_1112, %dma_start3A_1113] : memref<100000x64xf32, #tpu.memory_space<hbm>> -> memref<100000x64xf32, #tpu.memory_space<hbm>>
      %dma_start3A_1115 = tpu.memref_slice %arg7[%dma_start3A_1104] : memref<10x!tpu.dma_semaphore, #tpu.memory_space<semaphore_mem>> -> memref<1x!tpu.dma_semaphore, #tpu.memory_space<semaphore_mem>>
      %dma_start3A_1116 = tpu.memref_squeeze %dma_start3A_1115 : memref<1x!tpu.dma_semaphore, #tpu.memory_space<semaphore_mem>> -> memref<!tpu.dma_semaphore, #tpu.memory_space<semaphore_mem>>
      tpu.enqueue_indirect_dma source(%dma_start3A_1114 : memref<100000x64xf32, #tpu.memory_space<hbm>>) target(%dma_start3A_1108 : memref<128x64xf32, #tpu.memory_space<vmem>>) offsets(%dma_start3A_1111 : memref<128xi32, #tpu.memory_space<vmem>>) semaphore(%dma_start3A_1116 : memref<!tpu.dma_semaphore, #tpu.memory_space<semaphore_mem>>)
      %add3A_1117 = arith.constant 2 : i32
      %add3A_1118 = arith.addi %mul3A_668, %add3A_1117 : i32
      %mul3A_1119 = arith.constant 128 : i32
      %mul3A_1120 = arith.muli %add3A_1118, %mul3A_1119 : i32
      %add3A_1121 = arith.addi %mul3A_2, %mul3A_1120 : i32
      %dma_wait3A_1122 = arith.constant 2 : i32
      %dma_wait3A_1123 = arith.constant 2 : i32
      %dma_wait3A_1124 = arith.constant 0 : i32
      %dma_wait3A_1125 = arith.constant 0 : i32
      %dma_wait3A_1126 = tpu.memref_slice %arg6[%dma_wait3A_1122, %dma_wait3A_1124, %dma_wait3A_1125] : memref<10x128x64xf32, #tpu.memory_space<vmem>> -> memref<1x128x64xf32, #tpu.memory_space<vmem>>
      %dma_wait3A_1127 = tpu.memref_squeeze %dma_wait3A_1126 : memref<1x128x64xf32, #tpu.memory_space<vmem>> -> memref<128x64xf32, #tpu.memory_space<vmem>>
      %dma_wait3A_1128 = arith.constant 0 : i32
      %dma_wait3A_1129 = tpu.memref_slice %arg4[%add3A_1121, %dma_wait3A_1128] : memref<204800x64xf32, #tpu.memory_space<hbm>> -> memref<128x64xf32, #tpu.memory_space<hbm>>
      %dma_wait3A_1130 = tpu.memref_slice %arg8[%dma_wait3A_1123] : memref<10x!tpu.dma_semaphore, #tpu.memory_space<semaphore_mem>> -> memref<1x!tpu.dma_semaphore, #tpu.memory_space<semaphore_mem>>
      %dma_wait3A_1131 = tpu.memref_squeeze %dma_wait3A_1130 : memref<1x!tpu.dma_semaphore, #tpu.memory_space<semaphore_mem>> -> memref<!tpu.dma_semaphore, #tpu.memory_space<semaphore_mem>>
      %dma_wait3A_1132 = arith.constant 0 : i32
      %dma_wait3A_1133 = tpu.memref_slice %arg4[%add3A_1121, %dma_wait3A_1132] : memref<204800x64xf32, #tpu.memory_space<hbm>> -> memref<128x64xf32, #tpu.memory_space<hbm>>
      %dma_wait3A_1134 = arith.constant 0 : i32
      %dma_wait3A_1135 = arith.constant 0 : i32
      %dma_wait3A_1136 = tpu.memref_slice %arg6[%dma_wait3A_1122, %dma_wait3A_1134, %dma_wait3A_1135] : memref<10x128x64xf32, #tpu.memory_space<vmem>> -> memref<1x128x64xf32, #tpu.memory_space<vmem>>
      %dma_wait3A_1137 = tpu.memref_squeeze %dma_wait3A_1136 : memref<1x128x64xf32, #tpu.memory_space<vmem>> -> memref<128x64xf32, #tpu.memory_space<vmem>>
      tpu.wait_dma2 semaphore(%dma_wait3A_1131 : memref<!tpu.dma_semaphore, #tpu.memory_space<semaphore_mem>>) src(%dma_wait3A_1137 : memref<128x64xf32, #tpu.memory_space<vmem>>) dst(%dma_wait3A_1133 : memref<128x64xf32, #tpu.memory_space<hbm>>)
      %add3A_1138 = arith.constant 10 : i32
      %add3A_1139 = arith.addi %mul3A_668, %add3A_1138 : i32
      %add3A_1140 = arith.constant 2 : i32
      %add3A_1141 = arith.addi %add3A_1139, %add3A_1140 : i32
      %dma_start3A_1142 = arith.constant 2 : i32
      %dma_start3A_1143 = arith.constant 2 : i32
      %dma_start3A_1144 = arith.constant 0 : i32
      %dma_start3A_1145 = arith.constant 0 : i32
      %dma_start3A_1146 = tpu.memref_slice %arg6[%dma_start3A_1142, %dma_start3A_1144, %dma_start3A_1145] : memref<10x128x64xf32, #tpu.memory_space<vmem>> -> memref<1x128x64xf32, #tpu.memory_space<vmem>>
      %dma_start3A_1147 = tpu.memref_squeeze %dma_start3A_1146 : memref<1x128x64xf32, #tpu.memory_space<vmem>> -> memref<128x64xf32, #tpu.memory_space<vmem>>
      %dma_start3A_1148 = arith.constant 0 : i32
      %dma_start3A_1149 = tpu.memref_slice %arg5[%add3A_1141, %dma_start3A_1148] : memref<50x128xi32, #tpu.memory_space<vmem>> -> memref<1x128xi32, #tpu.memory_space<vmem>>
      %dma_start3A_1150 = tpu.memref_squeeze %dma_start3A_1149 : memref<1x128xi32, #tpu.memory_space<vmem>> -> memref<128xi32, #tpu.memory_space<vmem>>
      %dma_start3A_1151 = arith.constant 0 : i32
      %dma_start3A_1152 = arith.constant 0 : i32
      %dma_start3A_1153 = tpu.memref_slice %arg3[%dma_start3A_1151, %dma_start3A_1152] : memref<100000x64xf32, #tpu.memory_space<hbm>> -> memref<100000x64xf32, #tpu.memory_space<hbm>>
      %dma_start3A_1154 = tpu.memref_slice %arg7[%dma_start3A_1143] : memref<10x!tpu.dma_semaphore, #tpu.memory_space<semaphore_mem>> -> memref<1x!tpu.dma_semaphore, #tpu.memory_space<semaphore_mem>>
      %dma_start3A_1155 = tpu.memref_squeeze %dma_start3A_1154 : memref<1x!tpu.dma_semaphore, #tpu.memory_space<semaphore_mem>> -> memref<!tpu.dma_semaphore, #tpu.memory_space<semaphore_mem>>
      tpu.enqueue_indirect_dma source(%dma_start3A_1153 : memref<100000x64xf32, #tpu.memory_space<hbm>>) target(%dma_start3A_1147 : memref<128x64xf32, #tpu.memory_space<vmem>>) offsets(%dma_start3A_1150 : memref<128xi32, #tpu.memory_space<vmem>>) semaphore(%dma_start3A_1155 : memref<!tpu.dma_semaphore, #tpu.memory_space<semaphore_mem>>)
      %add3A_1156 = arith.constant 3 : i32
      %add3A_1157 = arith.addi %mul3A_668, %add3A_1156 : i32
      %mul3A_1158 = arith.constant 128 : i32
      %mul3A_1159 = arith.muli %add3A_1157, %mul3A_1158 : i32
      %add3A_1160 = arith.addi %mul3A_2, %mul3A_1159 : i32
      %dma_wait3A_1161 = arith.constant 3 : i32
      %dma_wait3A_1162 = arith.constant 3 : i32
      %dma_wait3A_1163 = arith.constant 0 : i32
      %dma_wait3A_1164 = arith.constant 0 : i32
      %dma_wait3A_1165 = tpu.memref_slice %arg6[%dma_wait3A_1161, %dma_wait3A_1163, %dma_wait3A_1164] : memref<10x128x64xf32, #tpu.memory_space<vmem>> -> memref<1x128x64xf32, #tpu.memory_space<vmem>>
      %dma_wait3A_1166 = tpu.memref_squeeze %dma_wait3A_1165 : memref<1x128x64xf32, #tpu.memory_space<vmem>> -> memref<128x64xf32, #tpu.memory_space<vmem>>
      %dma_wait3A_1167 = arith.constant 0 : i32
      %dma_wait3A_1168 = tpu.memref_slice %arg4[%add3A_1160, %dma_wait3A_1167] : memref<204800x64xf32, #tpu.memory_space<hbm>> -> memref<128x64xf32, #tpu.memory_space<hbm>>
      %dma_wait3A_1169 = tpu.memref_slice %arg8[%dma_wait3A_1162] : memref<10x!tpu.dma_semaphore, #tpu.memory_space<semaphore_mem>> -> memref<1x!tpu.dma_semaphore, #tpu.memory_space<semaphore_mem>>
      %dma_wait3A_1170 = tpu.memref_squeeze %dma_wait3A_1169 : memref<1x!tpu.dma_semaphore, #tpu.memory_space<semaphore_mem>> -> memref<!tpu.dma_semaphore, #tpu.memory_space<semaphore_mem>>
      %dma_wait3A_1171 = arith.constant 0 : i32
      %dma_wait3A_1172 = tpu.memref_slice %arg4[%add3A_1160, %dma_wait3A_1171] : memref<204800x64xf32, #tpu.memory_space<hbm>> -> memref<128x64xf32, #tpu.memory_space<hbm>>
      %dma_wait3A_1173 = arith.constant 0 : i32
      %dma_wait3A_1174 = arith.constant 0 : i32
      %dma_wait3A_1175 = tpu.memref_slice %arg6[%dma_wait3A_1161, %dma_wait3A_1173, %dma_wait3A_1174] : memref<10x128x64xf32, #tpu.memory_space<vmem>> -> memref<1x128x64xf32, #tpu.memory_space<vmem>>
      %dma_wait3A_1176 = tpu.memref_squeeze %dma_wait3A_1175 : memref<1x128x64xf32, #tpu.memory_space<vmem>> -> memref<128x64xf32, #tpu.memory_space<vmem>>
      tpu.wait_dma2 semaphore(%dma_wait3A_1170 : memref<!tpu.dma_semaphore, #tpu.memory_space<semaphore_mem>>) src(%dma_wait3A_1176 : memref<128x64xf32, #tpu.memory_space<vmem>>) dst(%dma_wait3A_1172 : memref<128x64xf32, #tpu.memory_space<hbm>>)
      %add3A_1177 = arith.constant 10 : i32
      %add3A_1178 = arith.addi %mul3A_668, %add3A_1177 : i32
      %add3A_1179 = arith.constant 3 : i32
      %add3A_1180 = arith.addi %add3A_1178, %add3A_1179 : i32
      %dma_start3A_1181 = arith.constant 3 : i32
      %dma_start3A_1182 = arith.constant 3 : i32
      %dma_start3A_1183 = arith.constant 0 : i32
      %dma_start3A_1184 = arith.constant 0 : i32
      %dma_start3A_1185 = tpu.memref_slice %arg6[%dma_start3A_1181, %dma_start3A_1183, %dma_start3A_1184] : memref<10x128x64xf32, #tpu.memory_space<vmem>> -> memref<1x128x64xf32, #tpu.memory_space<vmem>>
      %dma_start3A_1186 = tpu.memref_squeeze %dma_start3A_1185 : memref<1x128x64xf32, #tpu.memory_space<vmem>> -> memref<128x64xf32, #tpu.memory_space<vmem>>
      %dma_start3A_1187 = arith.constant 0 : i32
      %dma_start3A_1188 = tpu.memref_slice %arg5[%add3A_1180, %dma_start3A_1187] : memref<50x128xi32, #tpu.memory_space<vmem>> -> memref<1x128xi32, #tpu.memory_space<vmem>>
      %dma_start3A_1189 = tpu.memref_squeeze %dma_start3A_1188 : memref<1x128xi32, #tpu.memory_space<vmem>> -> memref<128xi32, #tpu.memory_space<vmem>>
      %dma_start3A_1190 = arith.constant 0 : i32
      %dma_start3A_1191 = arith.constant 0 : i32
      %dma_start3A_1192 = tpu.memref_slice %arg3[%dma_start3A_1190, %dma_start3A_1191] : memref<100000x64xf32, #tpu.memory_space<hbm>> -> memref<100000x64xf32, #tpu.memory_space<hbm>>
      %dma_start3A_1193 = tpu.memref_slice %arg7[%dma_start3A_1182] : memref<10x!tpu.dma_semaphore, #tpu.memory_space<semaphore_mem>> -> memref<1x!tpu.dma_semaphore, #tpu.memory_space<semaphore_mem>>
      %dma_start3A_1194 = tpu.memref_squeeze %dma_start3A_1193 : memref<1x!tpu.dma_semaphore, #tpu.memory_space<semaphore_mem>> -> memref<!tpu.dma_semaphore, #tpu.memory_space<semaphore_mem>>
      tpu.enqueue_indirect_dma source(%dma_start3A_1192 : memref<100000x64xf32, #tpu.memory_space<hbm>>) target(%dma_start3A_1186 : memref<128x64xf32, #tpu.memory_space<vmem>>) offsets(%dma_start3A_1189 : memref<128xi32, #tpu.memory_space<vmem>>) semaphore(%dma_start3A_1194 : memref<!tpu.dma_semaphore, #tpu.memory_space<semaphore_mem>>)
      %add3A_1195 = arith.constant 4 : i32
      %add3A_1196 = arith.addi %mul3A_668, %add3A_1195 : i32
      %mul3A_1197 = arith.constant 128 : i32
      %mul3A_1198 = arith.muli %add3A_1196, %mul3A_1197 : i32
      %add3A_1199 = arith.addi %mul3A_2, %mul3A_1198 : i32
      %dma_wait3A_1200 = arith.constant 4 : i32
      %dma_wait3A_1201 = arith.constant 4 : i32
      %dma_wait3A_1202 = arith.constant 0 : i32
      %dma_wait3A_1203 = arith.constant 0 : i32
      %dma_wait3A_1204 = tpu.memref_slice %arg6[%dma_wait3A_1200, %dma_wait3A_1202, %dma_wait3A_1203] : memref<10x128x64xf32, #tpu.memory_space<vmem>> -> memref<1x128x64xf32, #tpu.memory_space<vmem>>
      %dma_wait3A_1205 = tpu.memref_squeeze %dma_wait3A_1204 : memref<1x128x64xf32, #tpu.memory_space<vmem>> -> memref<128x64xf32, #tpu.memory_space<vmem>>
      %dma_wait3A_1206 = arith.constant 0 : i32
      %dma_wait3A_1207 = tpu.memref_slice %arg4[%add3A_1199, %dma_wait3A_1206] : memref<204800x64xf32, #tpu.memory_space<hbm>> -> memref<128x64xf32, #tpu.memory_space<hbm>>
      %dma_wait3A_1208 = tpu.memref_slice %arg8[%dma_wait3A_1201] : memref<10x!tpu.dma_semaphore, #tpu.memory_space<semaphore_mem>> -> memref<1x!tpu.dma_semaphore, #tpu.memory_space<semaphore_mem>>
      %dma_wait3A_1209 = tpu.memref_squeeze %dma_wait3A_1208 : memref<1x!tpu.dma_semaphore, #tpu.memory_space<semaphore_mem>> -> memref<!tpu.dma_semaphore, #tpu.memory_space<semaphore_mem>>
      %dma_wait3A_1210 = arith.constant 0 : i32
      %dma_wait3A_1211 = tpu.memref_slice %arg4[%add3A_1199, %dma_wait3A_1210] : memref<204800x64xf32, #tpu.memory_space<hbm>> -> memref<128x64xf32, #tpu.memory_space<hbm>>
      %dma_wait3A_1212 = arith.constant 0 : i32
      %dma_wait3A_1213 = arith.constant 0 : i32
      %dma_wait3A_1214 = tpu.memref_slice %arg6[%dma_wait3A_1200, %dma_wait3A_1212, %dma_wait3A_1213] : memref<10x128x64xf32, #tpu.memory_space<vmem>> -> memref<1x128x64xf32, #tpu.memory_space<vmem>>
      %dma_wait3A_1215 = tpu.memref_squeeze %dma_wait3A_1214 : memref<1x128x64xf32, #tpu.memory_space<vmem>> -> memref<128x64xf32, #tpu.memory_space<vmem>>
      tpu.wait_dma2 semaphore(%dma_wait3A_1209 : memref<!tpu.dma_semaphore, #tpu.memory_space<semaphore_mem>>) src(%dma_wait3A_1215 : memref<128x64xf32, #tpu.memory_space<vmem>>) dst(%dma_wait3A_1211 : memref<128x64xf32, #tpu.memory_space<hbm>>)
      %add3A_1216 = arith.constant 10 : i32
      %add3A_1217 = arith.addi %mul3A_668, %add3A_1216 : i32
      %add3A_1218 = arith.constant 4 : i32
      %add3A_1219 = arith.addi %add3A_1217, %add3A_1218 : i32
      %dma_start3A_1220 = arith.constant 4 : i32
      %dma_start3A_1221 = arith.constant 4 : i32
      %dma_start3A_1222 = arith.constant 0 : i32
      %dma_start3A_1223 = arith.constant 0 : i32
      %dma_start3A_1224 = tpu.memref_slice %arg6[%dma_start3A_1220, %dma_start3A_1222, %dma_start3A_1223] : memref<10x128x64xf32, #tpu.memory_space<vmem>> -> memref<1x128x64xf32, #tpu.memory_space<vmem>>
      %dma_start3A_1225 = tpu.memref_squeeze %dma_start3A_1224 : memref<1x128x64xf32, #tpu.memory_space<vmem>> -> memref<128x64xf32, #tpu.memory_space<vmem>>
      %dma_start3A_1226 = arith.constant 0 : i32
      %dma_start3A_1227 = tpu.memref_slice %arg5[%add3A_1219, %dma_start3A_1226] : memref<50x128xi32, #tpu.memory_space<vmem>> -> memref<1x128xi32, #tpu.memory_space<vmem>>
      %dma_start3A_1228 = tpu.memref_squeeze %dma_start3A_1227 : memref<1x128xi32, #tpu.memory_space<vmem>> -> memref<128xi32, #tpu.memory_space<vmem>>
      %dma_start3A_1229 = arith.constant 0 : i32
      %dma_start3A_1230 = arith.constant 0 : i32
      %dma_start3A_1231 = tpu.memref_slice %arg3[%dma_start3A_1229, %dma_start3A_1230] : memref<100000x64xf32, #tpu.memory_space<hbm>> -> memref<100000x64xf32, #tpu.memory_space<hbm>>
      %dma_start3A_1232 = tpu.memref_slice %arg7[%dma_start3A_1221] : memref<10x!tpu.dma_semaphore, #tpu.memory_space<semaphore_mem>> -> memref<1x!tpu.dma_semaphore, #tpu.memory_space<semaphore_mem>>
      %dma_start3A_1233 = tpu.memref_squeeze %dma_start3A_1232 : memref<1x!tpu.dma_semaphore, #tpu.memory_space<semaphore_mem>> -> memref<!tpu.dma_semaphore, #tpu.memory_space<semaphore_mem>>
      tpu.enqueue_indirect_dma source(%dma_start3A_1231 : memref<100000x64xf32, #tpu.memory_space<hbm>>) target(%dma_start3A_1225 : memref<128x64xf32, #tpu.memory_space<vmem>>) offsets(%dma_start3A_1228 : memref<128xi32, #tpu.memory_space<vmem>>) semaphore(%dma_start3A_1233 : memref<!tpu.dma_semaphore, #tpu.memory_space<semaphore_mem>>)
      %add3A_1234 = arith.constant 5 : i32
      %add3A_1235 = arith.addi %mul3A_668, %add3A_1234 : i32
      %mul3A_1236 = arith.constant 128 : i32
      %mul3A_1237 = arith.muli %add3A_1235, %mul3A_1236 : i32
      %add3A_1238 = arith.addi %mul3A_2, %mul3A_1237 : i32
      %dma_wait3A_1239 = arith.constant 5 : i32
      %dma_wait3A_1240 = arith.constant 5 : i32
      %dma_wait3A_1241 = arith.constant 0 : i32
      %dma_wait3A_1242 = arith.constant 0 : i32
      %dma_wait3A_1243 = tpu.memref_slice %arg6[%dma_wait3A_1239, %dma_wait3A_1241, %dma_wait3A_1242] : memref<10x128x64xf32, #tpu.memory_space<vmem>> -> memref<1x128x64xf32, #tpu.memory_space<vmem>>
      %dma_wait3A_1244 = tpu.memref_squeeze %dma_wait3A_1243 : memref<1x128x64xf32, #tpu.memory_space<vmem>> -> memref<128x64xf32, #tpu.memory_space<vmem>>
      %dma_wait3A_1245 = arith.constant 0 : i32
      %dma_wait3A_1246 = tpu.memref_slice %arg4[%add3A_1238, %dma_wait3A_1245] : memref<204800x64xf32, #tpu.memory_space<hbm>> -> memref<128x64xf32, #tpu.memory_space<hbm>>
      %dma_wait3A_1247 = tpu.memref_slice %arg8[%dma_wait3A_1240] : memref<10x!tpu.dma_semaphore, #tpu.memory_space<semaphore_mem>> -> memref<1x!tpu.dma_semaphore, #tpu.memory_space<semaphore_mem>>
      %dma_wait3A_1248 = tpu.memref_squeeze %dma_wait3A_1247 : memref<1x!tpu.dma_semaphore, #tpu.memory_space<semaphore_mem>> -> memref<!tpu.dma_semaphore, #tpu.memory_space<semaphore_mem>>
      %dma_wait3A_1249 = arith.constant 0 : i32
      %dma_wait3A_1250 = tpu.memref_slice %arg4[%add3A_1238, %dma_wait3A_1249] : memref<204800x64xf32, #tpu.memory_space<hbm>> -> memref<128x64xf32, #tpu.memory_space<hbm>>
      %dma_wait3A_1251 = arith.constant 0 : i32
      %dma_wait3A_1252 = arith.constant 0 : i32
      %dma_wait3A_1253 = tpu.memref_slice %arg6[%dma_wait3A_1239, %dma_wait3A_1251, %dma_wait3A_1252] : memref<10x128x64xf32, #tpu.memory_space<vmem>> -> memref<1x128x64xf32, #tpu.memory_space<vmem>>
      %dma_wait3A_1254 = tpu.memref_squeeze %dma_wait3A_1253 : memref<1x128x64xf32, #tpu.memory_space<vmem>> -> memref<128x64xf32, #tpu.memory_space<vmem>>
      tpu.wait_dma2 semaphore(%dma_wait3A_1248 : memref<!tpu.dma_semaphore, #tpu.memory_space<semaphore_mem>>) src(%dma_wait3A_1254 : memref<128x64xf32, #tpu.memory_space<vmem>>) dst(%dma_wait3A_1250 : memref<128x64xf32, #tpu.memory_space<hbm>>)
      %add3A_1255 = arith.constant 10 : i32
      %add3A_1256 = arith.addi %mul3A_668, %add3A_1255 : i32
      %add3A_1257 = arith.constant 5 : i32
      %add3A_1258 = arith.addi %add3A_1256, %add3A_1257 : i32
      %dma_start3A_1259 = arith.constant 5 : i32
      %dma_start3A_1260 = arith.constant 5 : i32
      %dma_start3A_1261 = arith.constant 0 : i32
      %dma_start3A_1262 = arith.constant 0 : i32
      %dma_start3A_1263 = tpu.memref_slice %arg6[%dma_start3A_1259, %dma_start3A_1261, %dma_start3A_1262] : memref<10x128x64xf32, #tpu.memory_space<vmem>> -> memref<1x128x64xf32, #tpu.memory_space<vmem>>
      %dma_start3A_1264 = tpu.memref_squeeze %dma_start3A_1263 : memref<1x128x64xf32, #tpu.memory_space<vmem>> -> memref<128x64xf32, #tpu.memory_space<vmem>>
      %dma_start3A_1265 = arith.constant 0 : i32
      %dma_start3A_1266 = tpu.memref_slice %arg5[%add3A_1258, %dma_start3A_1265] : memref<50x128xi32, #tpu.memory_space<vmem>> -> memref<1x128xi32, #tpu.memory_space<vmem>>
      %dma_start3A_1267 = tpu.memref_squeeze %dma_start3A_1266 : memref<1x128xi32, #tpu.memory_space<vmem>> -> memref<128xi32, #tpu.memory_space<vmem>>
      %dma_start3A_1268 = arith.constant 0 : i32
      %dma_start3A_1269 = arith.constant 0 : i32
      %dma_start3A_1270 = tpu.memref_slice %arg3[%dma_start3A_1268, %dma_start3A_1269] : memref<100000x64xf32, #tpu.memory_space<hbm>> -> memref<100000x64xf32, #tpu.memory_space<hbm>>
      %dma_start3A_1271 = tpu.memref_slice %arg7[%dma_start3A_1260] : memref<10x!tpu.dma_semaphore, #tpu.memory_space<semaphore_mem>> -> memref<1x!tpu.dma_semaphore, #tpu.memory_space<semaphore_mem>>
      %dma_start3A_1272 = tpu.memref_squeeze %dma_start3A_1271 : memref<1x!tpu.dma_semaphore, #tpu.memory_space<semaphore_mem>> -> memref<!tpu.dma_semaphore, #tpu.memory_space<semaphore_mem>>
      tpu.enqueue_indirect_dma source(%dma_start3A_1270 : memref<100000x64xf32, #tpu.memory_space<hbm>>) target(%dma_start3A_1264 : memref<128x64xf32, #tpu.memory_space<vmem>>) offsets(%dma_start3A_1267 : memref<128xi32, #tpu.memory_space<vmem>>) semaphore(%dma_start3A_1272 : memref<!tpu.dma_semaphore, #tpu.memory_space<semaphore_mem>>)
      %add3A_1273 = arith.constant 6 : i32
      %add3A_1274 = arith.addi %mul3A_668, %add3A_1273 : i32
      %mul3A_1275 = arith.constant 128 : i32
      %mul3A_1276 = arith.muli %add3A_1274, %mul3A_1275 : i32
      %add3A_1277 = arith.addi %mul3A_2, %mul3A_1276 : i32
      %dma_wait3A_1278 = arith.constant 6 : i32
      %dma_wait3A_1279 = arith.constant 6 : i32
      %dma_wait3A_1280 = arith.constant 0 : i32
      %dma_wait3A_1281 = arith.constant 0 : i32
      %dma_wait3A_1282 = tpu.memref_slice %arg6[%dma_wait3A_1278, %dma_wait3A_1280, %dma_wait3A_1281] : memref<10x128x64xf32, #tpu.memory_space<vmem>> -> memref<1x128x64xf32, #tpu.memory_space<vmem>>
      %dma_wait3A_1283 = tpu.memref_squeeze %dma_wait3A_1282 : memref<1x128x64xf32, #tpu.memory_space<vmem>> -> memref<128x64xf32, #tpu.memory_space<vmem>>
      %dma_wait3A_1284 = arith.constant 0 : i32
      %dma_wait3A_1285 = tpu.memref_slice %arg4[%add3A_1277, %dma_wait3A_1284] : memref<204800x64xf32, #tpu.memory_space<hbm>> -> memref<128x64xf32, #tpu.memory_space<hbm>>
      %dma_wait3A_1286 = tpu.memref_slice %arg8[%dma_wait3A_1279] : memref<10x!tpu.dma_semaphore, #tpu.memory_space<semaphore_mem>> -> memref<1x!tpu.dma_semaphore, #tpu.memory_space<semaphore_mem>>
      %dma_wait3A_1287 = tpu.memref_squeeze %dma_wait3A_1286 : memref<1x!tpu.dma_semaphore, #tpu.memory_space<semaphore_mem>> -> memref<!tpu.dma_semaphore, #tpu.memory_space<semaphore_mem>>
      %dma_wait3A_1288 = arith.constant 0 : i32
      %dma_wait3A_1289 = tpu.memref_slice %arg4[%add3A_1277, %dma_wait3A_1288] : memref<204800x64xf32, #tpu.memory_space<hbm>> -> memref<128x64xf32, #tpu.memory_space<hbm>>
      %dma_wait3A_1290 = arith.constant 0 : i32
      %dma_wait3A_1291 = arith.constant 0 : i32
      %dma_wait3A_1292 = tpu.memref_slice %arg6[%dma_wait3A_1278, %dma_wait3A_1290, %dma_wait3A_1291] : memref<10x128x64xf32, #tpu.memory_space<vmem>> -> memref<1x128x64xf32, #tpu.memory_space<vmem>>
      %dma_wait3A_1293 = tpu.memref_squeeze %dma_wait3A_1292 : memref<1x128x64xf32, #tpu.memory_space<vmem>> -> memref<128x64xf32, #tpu.memory_space<vmem>>
      tpu.wait_dma2 semaphore(%dma_wait3A_1287 : memref<!tpu.dma_semaphore, #tpu.memory_space<semaphore_mem>>) src(%dma_wait3A_1293 : memref<128x64xf32, #tpu.memory_space<vmem>>) dst(%dma_wait3A_1289 : memref<128x64xf32, #tpu.memory_space<hbm>>)
      %add3A_1294 = arith.constant 10 : i32
      %add3A_1295 = arith.addi %mul3A_668, %add3A_1294 : i32
      %add3A_1296 = arith.constant 6 : i32
      %add3A_1297 = arith.addi %add3A_1295, %add3A_1296 : i32
      %dma_start3A_1298 = arith.constant 6 : i32
      %dma_start3A_1299 = arith.constant 6 : i32
      %dma_start3A_1300 = arith.constant 0 : i32
      %dma_start3A_1301 = arith.constant 0 : i32
      %dma_start3A_1302 = tpu.memref_slice %arg6[%dma_start3A_1298, %dma_start3A_1300, %dma_start3A_1301] : memref<10x128x64xf32, #tpu.memory_space<vmem>> -> memref<1x128x64xf32, #tpu.memory_space<vmem>>
      %dma_start3A_1303 = tpu.memref_squeeze %dma_start3A_1302 : memref<1x128x64xf32, #tpu.memory_space<vmem>> -> memref<128x64xf32, #tpu.memory_space<vmem>>
      %dma_start3A_1304 = arith.constant 0 : i32
      %dma_start3A_1305 = tpu.memref_slice %arg5[%add3A_1297, %dma_start3A_1304] : memref<50x128xi32, #tpu.memory_space<vmem>> -> memref<1x128xi32, #tpu.memory_space<vmem>>
      %dma_start3A_1306 = tpu.memref_squeeze %dma_start3A_1305 : memref<1x128xi32, #tpu.memory_space<vmem>> -> memref<128xi32, #tpu.memory_space<vmem>>
      %dma_start3A_1307 = arith.constant 0 : i32
      %dma_start3A_1308 = arith.constant 0 : i32
      %dma_start3A_1309 = tpu.memref_slice %arg3[%dma_start3A_1307, %dma_start3A_1308] : memref<100000x64xf32, #tpu.memory_space<hbm>> -> memref<100000x64xf32, #tpu.memory_space<hbm>>
      %dma_start3A_1310 = tpu.memref_slice %arg7[%dma_start3A_1299] : memref<10x!tpu.dma_semaphore, #tpu.memory_space<semaphore_mem>> -> memref<1x!tpu.dma_semaphore, #tpu.memory_space<semaphore_mem>>
      %dma_start3A_1311 = tpu.memref_squeeze %dma_start3A_1310 : memref<1x!tpu.dma_semaphore, #tpu.memory_space<semaphore_mem>> -> memref<!tpu.dma_semaphore, #tpu.memory_space<semaphore_mem>>
      tpu.enqueue_indirect_dma source(%dma_start3A_1309 : memref<100000x64xf32, #tpu.memory_space<hbm>>) target(%dma_start3A_1303 : memref<128x64xf32, #tpu.memory_space<vmem>>) offsets(%dma_start3A_1306 : memref<128xi32, #tpu.memory_space<vmem>>) semaphore(%dma_start3A_1311 : memref<!tpu.dma_semaphore, #tpu.memory_space<semaphore_mem>>)
      %add3A_1312 = arith.constant 7 : i32
      %add3A_1313 = arith.addi %mul3A_668, %add3A_1312 : i32
      %mul3A_1314 = arith.constant 128 : i32
      %mul3A_1315 = arith.muli %add3A_1313, %mul3A_1314 : i32
      %add3A_1316 = arith.addi %mul3A_2, %mul3A_1315 : i32
      %dma_wait3A_1317 = arith.constant 7 : i32
      %dma_wait3A_1318 = arith.constant 7 : i32
      %dma_wait3A_1319 = arith.constant 0 : i32
      %dma_wait3A_1320 = arith.constant 0 : i32
      %dma_wait3A_1321 = tpu.memref_slice %arg6[%dma_wait3A_1317, %dma_wait3A_1319, %dma_wait3A_1320] : memref<10x128x64xf32, #tpu.memory_space<vmem>> -> memref<1x128x64xf32, #tpu.memory_space<vmem>>
      %dma_wait3A_1322 = tpu.memref_squeeze %dma_wait3A_1321 : memref<1x128x64xf32, #tpu.memory_space<vmem>> -> memref<128x64xf32, #tpu.memory_space<vmem>>
      %dma_wait3A_1323 = arith.constant 0 : i32
      %dma_wait3A_1324 = tpu.memref_slice %arg4[%add3A_1316, %dma_wait3A_1323] : memref<204800x64xf32, #tpu.memory_space<hbm>> -> memref<128x64xf32, #tpu.memory_space<hbm>>
      %dma_wait3A_1325 = tpu.memref_slice %arg8[%dma_wait3A_1318] : memref<10x!tpu.dma_semaphore, #tpu.memory_space<semaphore_mem>> -> memref<1x!tpu.dma_semaphore, #tpu.memory_space<semaphore_mem>>
      %dma_wait3A_1326 = tpu.memref_squeeze %dma_wait3A_1325 : memref<1x!tpu.dma_semaphore, #tpu.memory_space<semaphore_mem>> -> memref<!tpu.dma_semaphore, #tpu.memory_space<semaphore_mem>>
      %dma_wait3A_1327 = arith.constant 0 : i32
      %dma_wait3A_1328 = tpu.memref_slice %arg4[%add3A_1316, %dma_wait3A_1327] : memref<204800x64xf32, #tpu.memory_space<hbm>> -> memref<128x64xf32, #tpu.memory_space<hbm>>
      %dma_wait3A_1329 = arith.constant 0 : i32
      %dma_wait3A_1330 = arith.constant 0 : i32
      %dma_wait3A_1331 = tpu.memref_slice %arg6[%dma_wait3A_1317, %dma_wait3A_1329, %dma_wait3A_1330] : memref<10x128x64xf32, #tpu.memory_space<vmem>> -> memref<1x128x64xf32, #tpu.memory_space<vmem>>
      %dma_wait3A_1332 = tpu.memref_squeeze %dma_wait3A_1331 : memref<1x128x64xf32, #tpu.memory_space<vmem>> -> memref<128x64xf32, #tpu.memory_space<vmem>>
      tpu.wait_dma2 semaphore(%dma_wait3A_1326 : memref<!tpu.dma_semaphore, #tpu.memory_space<semaphore_mem>>) src(%dma_wait3A_1332 : memref<128x64xf32, #tpu.memory_space<vmem>>) dst(%dma_wait3A_1328 : memref<128x64xf32, #tpu.memory_space<hbm>>)
      %add3A_1333 = arith.constant 10 : i32
      %add3A_1334 = arith.addi %mul3A_668, %add3A_1333 : i32
      %add3A_1335 = arith.constant 7 : i32
      %add3A_1336 = arith.addi %add3A_1334, %add3A_1335 : i32
      %dma_start3A_1337 = arith.constant 7 : i32
      %dma_start3A_1338 = arith.constant 7 : i32
      %dma_start3A_1339 = arith.constant 0 : i32
      %dma_start3A_1340 = arith.constant 0 : i32
      %dma_start3A_1341 = tpu.memref_slice %arg6[%dma_start3A_1337, %dma_start3A_1339, %dma_start3A_1340] : memref<10x128x64xf32, #tpu.memory_space<vmem>> -> memref<1x128x64xf32, #tpu.memory_space<vmem>>
      %dma_start3A_1342 = tpu.memref_squeeze %dma_start3A_1341 : memref<1x128x64xf32, #tpu.memory_space<vmem>> -> memref<128x64xf32, #tpu.memory_space<vmem>>
      %dma_start3A_1343 = arith.constant 0 : i32
      %dma_start3A_1344 = tpu.memref_slice %arg5[%add3A_1336, %dma_start3A_1343] : memref<50x128xi32, #tpu.memory_space<vmem>> -> memref<1x128xi32, #tpu.memory_space<vmem>>
      %dma_start3A_1345 = tpu.memref_squeeze %dma_start3A_1344 : memref<1x128xi32, #tpu.memory_space<vmem>> -> memref<128xi32, #tpu.memory_space<vmem>>
      %dma_start3A_1346 = arith.constant 0 : i32
      %dma_start3A_1347 = arith.constant 0 : i32
      %dma_start3A_1348 = tpu.memref_slice %arg3[%dma_start3A_1346, %dma_start3A_1347] : memref<100000x64xf32, #tpu.memory_space<hbm>> -> memref<100000x64xf32, #tpu.memory_space<hbm>>
      %dma_start3A_1349 = tpu.memref_slice %arg7[%dma_start3A_1338] : memref<10x!tpu.dma_semaphore, #tpu.memory_space<semaphore_mem>> -> memref<1x!tpu.dma_semaphore, #tpu.memory_space<semaphore_mem>>
      %dma_start3A_1350 = tpu.memref_squeeze %dma_start3A_1349 : memref<1x!tpu.dma_semaphore, #tpu.memory_space<semaphore_mem>> -> memref<!tpu.dma_semaphore, #tpu.memory_space<semaphore_mem>>
      tpu.enqueue_indirect_dma source(%dma_start3A_1348 : memref<100000x64xf32, #tpu.memory_space<hbm>>) target(%dma_start3A_1342 : memref<128x64xf32, #tpu.memory_space<vmem>>) offsets(%dma_start3A_1345 : memref<128xi32, #tpu.memory_space<vmem>>) semaphore(%dma_start3A_1350 : memref<!tpu.dma_semaphore, #tpu.memory_space<semaphore_mem>>)
      %add3A_1351 = arith.constant 8 : i32
      %add3A_1352 = arith.addi %mul3A_668, %add3A_1351 : i32
      %mul3A_1353 = arith.constant 128 : i32
      %mul3A_1354 = arith.muli %add3A_1352, %mul3A_1353 : i32
      %add3A_1355 = arith.addi %mul3A_2, %mul3A_1354 : i32
      %dma_wait3A_1356 = arith.constant 8 : i32
      %dma_wait3A_1357 = arith.constant 8 : i32
      %dma_wait3A_1358 = arith.constant 0 : i32
      %dma_wait3A_1359 = arith.constant 0 : i32
      %dma_wait3A_1360 = tpu.memref_slice %arg6[%dma_wait3A_1356, %dma_wait3A_1358, %dma_wait3A_1359] : memref<10x128x64xf32, #tpu.memory_space<vmem>> -> memref<1x128x64xf32, #tpu.memory_space<vmem>>
      %dma_wait3A_1361 = tpu.memref_squeeze %dma_wait3A_1360 : memref<1x128x64xf32, #tpu.memory_space<vmem>> -> memref<128x64xf32, #tpu.memory_space<vmem>>
      %dma_wait3A_1362 = arith.constant 0 : i32
      %dma_wait3A_1363 = tpu.memref_slice %arg4[%add3A_1355, %dma_wait3A_1362] : memref<204800x64xf32, #tpu.memory_space<hbm>> -> memref<128x64xf32, #tpu.memory_space<hbm>>
      %dma_wait3A_1364 = tpu.memref_slice %arg8[%dma_wait3A_1357] : memref<10x!tpu.dma_semaphore, #tpu.memory_space<semaphore_mem>> -> memref<1x!tpu.dma_semaphore, #tpu.memory_space<semaphore_mem>>
      %dma_wait3A_1365 = tpu.memref_squeeze %dma_wait3A_1364 : memref<1x!tpu.dma_semaphore, #tpu.memory_space<semaphore_mem>> -> memref<!tpu.dma_semaphore, #tpu.memory_space<semaphore_mem>>
      %dma_wait3A_1366 = arith.constant 0 : i32
      %dma_wait3A_1367 = tpu.memref_slice %arg4[%add3A_1355, %dma_wait3A_1366] : memref<204800x64xf32, #tpu.memory_space<hbm>> -> memref<128x64xf32, #tpu.memory_space<hbm>>
      %dma_wait3A_1368 = arith.constant 0 : i32
      %dma_wait3A_1369 = arith.constant 0 : i32
      %dma_wait3A_1370 = tpu.memref_slice %arg6[%dma_wait3A_1356, %dma_wait3A_1368, %dma_wait3A_1369] : memref<10x128x64xf32, #tpu.memory_space<vmem>> -> memref<1x128x64xf32, #tpu.memory_space<vmem>>
      %dma_wait3A_1371 = tpu.memref_squeeze %dma_wait3A_1370 : memref<1x128x64xf32, #tpu.memory_space<vmem>> -> memref<128x64xf32, #tpu.memory_space<vmem>>
      tpu.wait_dma2 semaphore(%dma_wait3A_1365 : memref<!tpu.dma_semaphore, #tpu.memory_space<semaphore_mem>>) src(%dma_wait3A_1371 : memref<128x64xf32, #tpu.memory_space<vmem>>) dst(%dma_wait3A_1367 : memref<128x64xf32, #tpu.memory_space<hbm>>)
      %add3A_1372 = arith.constant 10 : i32
      %add3A_1373 = arith.addi %mul3A_668, %add3A_1372 : i32
      %add3A_1374 = arith.constant 8 : i32
      %add3A_1375 = arith.addi %add3A_1373, %add3A_1374 : i32
      %dma_start3A_1376 = arith.constant 8 : i32
      %dma_start3A_1377 = arith.constant 8 : i32
      %dma_start3A_1378 = arith.constant 0 : i32
      %dma_start3A_1379 = arith.constant 0 : i32
      %dma_start3A_1380 = tpu.memref_slice %arg6[%dma_start3A_1376, %dma_start3A_1378, %dma_start3A_1379] : memref<10x128x64xf32, #tpu.memory_space<vmem>> -> memref<1x128x64xf32, #tpu.memory_space<vmem>>
      %dma_start3A_1381 = tpu.memref_squeeze %dma_start3A_1380 : memref<1x128x64xf32, #tpu.memory_space<vmem>> -> memref<128x64xf32, #tpu.memory_space<vmem>>
      %dma_start3A_1382 = arith.constant 0 : i32
      %dma_start3A_1383 = tpu.memref_slice %arg5[%add3A_1375, %dma_start3A_1382] : memref<50x128xi32, #tpu.memory_space<vmem>> -> memref<1x128xi32, #tpu.memory_space<vmem>>
      %dma_start3A_1384 = tpu.memref_squeeze %dma_start3A_1383 : memref<1x128xi32, #tpu.memory_space<vmem>> -> memref<128xi32, #tpu.memory_space<vmem>>
      %dma_start3A_1385 = arith.constant 0 : i32
      %dma_start3A_1386 = arith.constant 0 : i32
      %dma_start3A_1387 = tpu.memref_slice %arg3[%dma_start3A_1385, %dma_start3A_1386] : memref<100000x64xf32, #tpu.memory_space<hbm>> -> memref<100000x64xf32, #tpu.memory_space<hbm>>
      %dma_start3A_1388 = tpu.memref_slice %arg7[%dma_start3A_1377] : memref<10x!tpu.dma_semaphore, #tpu.memory_space<semaphore_mem>> -> memref<1x!tpu.dma_semaphore, #tpu.memory_space<semaphore_mem>>
      %dma_start3A_1389 = tpu.memref_squeeze %dma_start3A_1388 : memref<1x!tpu.dma_semaphore, #tpu.memory_space<semaphore_mem>> -> memref<!tpu.dma_semaphore, #tpu.memory_space<semaphore_mem>>
      tpu.enqueue_indirect_dma source(%dma_start3A_1387 : memref<100000x64xf32, #tpu.memory_space<hbm>>) target(%dma_start3A_1381 : memref<128x64xf32, #tpu.memory_space<vmem>>) offsets(%dma_start3A_1384 : memref<128xi32, #tpu.memory_space<vmem>>) semaphore(%dma_start3A_1389 : memref<!tpu.dma_semaphore, #tpu.memory_space<semaphore_mem>>)
      %add3A_1390 = arith.constant 9 : i32
      %add3A_1391 = arith.addi %mul3A_668, %add3A_1390 : i32
      %mul3A_1392 = arith.constant 128 : i32
      %mul3A_1393 = arith.muli %add3A_1391, %mul3A_1392 : i32
      %add3A_1394 = arith.addi %mul3A_2, %mul3A_1393 : i32
      %dma_wait3A_1395 = arith.constant 9 : i32
      %dma_wait3A_1396 = arith.constant 9 : i32
      %dma_wait3A_1397 = arith.constant 0 : i32
      %dma_wait3A_1398 = arith.constant 0 : i32
      %dma_wait3A_1399 = tpu.memref_slice %arg6[%dma_wait3A_1395, %dma_wait3A_1397, %dma_wait3A_1398] : memref<10x128x64xf32, #tpu.memory_space<vmem>> -> memref<1x128x64xf32, #tpu.memory_space<vmem>>
      %dma_wait3A_1400 = tpu.memref_squeeze %dma_wait3A_1399 : memref<1x128x64xf32, #tpu.memory_space<vmem>> -> memref<128x64xf32, #tpu.memory_space<vmem>>
      %dma_wait3A_1401 = arith.constant 0 : i32
      %dma_wait3A_1402 = tpu.memref_slice %arg4[%add3A_1394, %dma_wait3A_1401] : memref<204800x64xf32, #tpu.memory_space<hbm>> -> memref<128x64xf32, #tpu.memory_space<hbm>>
      %dma_wait3A_1403 = tpu.memref_slice %arg8[%dma_wait3A_1396] : memref<10x!tpu.dma_semaphore, #tpu.memory_space<semaphore_mem>> -> memref<1x!tpu.dma_semaphore, #tpu.memory_space<semaphore_mem>>
      %dma_wait3A_1404 = tpu.memref_squeeze %dma_wait3A_1403 : memref<1x!tpu.dma_semaphore, #tpu.memory_space<semaphore_mem>> -> memref<!tpu.dma_semaphore, #tpu.memory_space<semaphore_mem>>
      %dma_wait3A_1405 = arith.constant 0 : i32
      %dma_wait3A_1406 = tpu.memref_slice %arg4[%add3A_1394, %dma_wait3A_1405] : memref<204800x64xf32, #tpu.memory_space<hbm>> -> memref<128x64xf32, #tpu.memory_space<hbm>>
      %dma_wait3A_1407 = arith.constant 0 : i32
      %dma_wait3A_1408 = arith.constant 0 : i32
      %dma_wait3A_1409 = tpu.memref_slice %arg6[%dma_wait3A_1395, %dma_wait3A_1407, %dma_wait3A_1408] : memref<10x128x64xf32, #tpu.memory_space<vmem>> -> memref<1x128x64xf32, #tpu.memory_space<vmem>>
      %dma_wait3A_1410 = tpu.memref_squeeze %dma_wait3A_1409 : memref<1x128x64xf32, #tpu.memory_space<vmem>> -> memref<128x64xf32, #tpu.memory_space<vmem>>
      tpu.wait_dma2 semaphore(%dma_wait3A_1404 : memref<!tpu.dma_semaphore, #tpu.memory_space<semaphore_mem>>) src(%dma_wait3A_1410 : memref<128x64xf32, #tpu.memory_space<vmem>>) dst(%dma_wait3A_1406 : memref<128x64xf32, #tpu.memory_space<hbm>>)
      %add3A_1411 = arith.constant 10 : i32
      %add3A_1412 = arith.addi %mul3A_668, %add3A_1411 : i32
      %add3A_1413 = arith.constant 9 : i32
      %add3A_1414 = arith.addi %add3A_1412, %add3A_1413 : i32
      %dma_start3A_1415 = arith.constant 9 : i32
      %dma_start3A_1416 = arith.constant 9 : i32
      %dma_start3A_1417 = arith.constant 0 : i32
      %dma_start3A_1418 = arith.constant 0 : i32
      %dma_start3A_1419 = tpu.memref_slice %arg6[%dma_start3A_1415, %dma_start3A_1417, %dma_start3A_1418] : memref<10x128x64xf32, #tpu.memory_space<vmem>> -> memref<1x128x64xf32, #tpu.memory_space<vmem>>
      %dma_start3A_1420 = tpu.memref_squeeze %dma_start3A_1419 : memref<1x128x64xf32, #tpu.memory_space<vmem>> -> memref<128x64xf32, #tpu.memory_space<vmem>>
      %dma_start3A_1421 = arith.constant 0 : i32
      %dma_start3A_1422 = tpu.memref_slice %arg5[%add3A_1414, %dma_start3A_1421] : memref<50x128xi32, #tpu.memory_space<vmem>> -> memref<1x128xi32, #tpu.memory_space<vmem>>
      %dma_start3A_1423 = tpu.memref_squeeze %dma_start3A_1422 : memref<1x128xi32, #tpu.memory_space<vmem>> -> memref<128xi32, #tpu.memory_space<vmem>>
      %dma_start3A_1424 = arith.constant 0 : i32
      %dma_start3A_1425 = arith.constant 0 : i32
      %dma_start3A_1426 = tpu.memref_slice %arg3[%dma_start3A_1424, %dma_start3A_1425] : memref<100000x64xf32, #tpu.memory_space<hbm>> -> memref<100000x64xf32, #tpu.memory_space<hbm>>
      %dma_start3A_1427 = tpu.memref_slice %arg7[%dma_start3A_1416] : memref<10x!tpu.dma_semaphore, #tpu.memory_space<semaphore_mem>> -> memref<1x!tpu.dma_semaphore, #tpu.memory_space<semaphore_mem>>
      %dma_start3A_1428 = tpu.memref_squeeze %dma_start3A_1427 : memref<1x!tpu.dma_semaphore, #tpu.memory_space<semaphore_mem>> -> memref<!tpu.dma_semaphore, #tpu.memory_space<semaphore_mem>>
      tpu.enqueue_indirect_dma source(%dma_start3A_1426 : memref<100000x64xf32, #tpu.memory_space<hbm>>) target(%dma_start3A_1420 : memref<128x64xf32, #tpu.memory_space<vmem>>) offsets(%dma_start3A_1423 : memref<128xi32, #tpu.memory_space<vmem>>) semaphore(%dma_start3A_1428 : memref<!tpu.dma_semaphore, #tpu.memory_space<semaphore_mem>>)
    }
    %scan3A_156 = arith.constant 4 : i32
    %dma_wait3A = arith.constant 40 : i32
    %dma_wait3A_157 = arith.constant 0 : i32
    %dma_wait3A_158 = arith.constant 0 : i32
    %dma_wait3A_159 = arith.constant 0 : i32
    %dma_wait3A_160 = arith.constant 0 : i32
    %dma_wait3A_161 = tpu.memref_slice %arg6[%dma_wait3A_157, %dma_wait3A_159, %dma_wait3A_160] : memref<10x128x64xf32, #tpu.memory_space<vmem>> -> memref<1x128x64xf32, #tpu.memory_space<vmem>>
    %dma_wait3A_162 = tpu.memref_squeeze %dma_wait3A_161 : memref<1x128x64xf32, #tpu.memory_space<vmem>> -> memref<128x64xf32, #tpu.memory_space<vmem>>
    %dma_wait3A_163 = arith.constant 0 : i32
    %dma_wait3A_164 = tpu.memref_slice %arg5[%dma_wait3A, %dma_wait3A_163] : memref<50x128xi32, #tpu.memory_space<vmem>> -> memref<1x128xi32, #tpu.memory_space<vmem>>
    %dma_wait3A_165 = tpu.memref_squeeze %dma_wait3A_164 : memref<1x128xi32, #tpu.memory_space<vmem>> -> memref<128xi32, #tpu.memory_space<vmem>>
    %dma_wait3A_166 = arith.constant 0 : i32
    %dma_wait3A_167 = arith.constant 0 : i32
    %dma_wait3A_168 = tpu.memref_slice %arg3[%dma_wait3A_166, %dma_wait3A_167] : memref<100000x64xf32, #tpu.memory_space<hbm>> -> memref<100000x64xf32, #tpu.memory_space<hbm>>
    %dma_wait3A_169 = tpu.memref_slice %arg7[%dma_wait3A_158] : memref<10x!tpu.dma_semaphore, #tpu.memory_space<semaphore_mem>> -> memref<1x!tpu.dma_semaphore, #tpu.memory_space<semaphore_mem>>
    %dma_wait3A_170 = tpu.memref_squeeze %dma_wait3A_169 : memref<1x!tpu.dma_semaphore, #tpu.memory_space<semaphore_mem>> -> memref<!tpu.dma_semaphore, #tpu.memory_space<semaphore_mem>>
    tpu.wait_indirect_dma semaphore(%dma_wait3A_170 : memref<!tpu.dma_semaphore, #tpu.memory_space<semaphore_mem>>) src(%dma_wait3A_168 : memref<100000x64xf32, #tpu.memory_space<hbm>>) dst(%dma_wait3A_162 : memref<128x64xf32, #tpu.memory_space<vmem>>)
    %add3A_171 = arith.constant 5120 : i32
    %add3A_172 = arith.addi %mul3A_2, %add3A_171 : i32
    %dma_start3A_173 = arith.constant 0 : i32
    %dma_start3A_174 = arith.constant 0 : i32
    %dma_start3A_175 = arith.constant 0 : i32
    %dma_start3A_176 = arith.constant 0 : i32
    %dma_start3A_177 = tpu.memref_slice %arg6[%dma_start3A_173, %dma_start3A_175, %dma_start3A_176] : memref<10x128x64xf32, #tpu.memory_space<vmem>> -> memref<1x128x64xf32, #tpu.memory_space<vmem>>
    %dma_start3A_178 = tpu.memref_squeeze %dma_start3A_177 : memref<1x128x64xf32, #tpu.memory_space<vmem>> -> memref<128x64xf32, #tpu.memory_space<vmem>>
    %dma_start3A_179 = arith.constant 0 : i32
    %dma_start3A_180 = tpu.memref_slice %arg4[%add3A_172, %dma_start3A_179] : memref<204800x64xf32, #tpu.memory_space<hbm>> -> memref<128x64xf32, #tpu.memory_space<hbm>>
    %dma_start3A_181 = tpu.memref_slice %arg8[%dma_start3A_174] : memref<10x!tpu.dma_semaphore, #tpu.memory_space<semaphore_mem>> -> memref<1x!tpu.dma_semaphore, #tpu.memory_space<semaphore_mem>>
    %dma_start3A_182 = tpu.memref_squeeze %dma_start3A_181 : memref<1x!tpu.dma_semaphore, #tpu.memory_space<semaphore_mem>> -> memref<!tpu.dma_semaphore, #tpu.memory_space<semaphore_mem>>
    %dma_start3A_183 = arith.constant 0 : i32
    %dma_start3A_184 = tpu.memref_slice %arg4[%add3A_172, %dma_start3A_183] : memref<204800x64xf32, #tpu.memory_space<hbm>> -> memref<128x64xf32, #tpu.memory_space<hbm>>
    %dma_start3A_185 = arith.constant 0 : i32
    %dma_start3A_186 = arith.constant 0 : i32
    %dma_start3A_187 = tpu.memref_slice %arg6[%dma_start3A_173, %dma_start3A_185, %dma_start3A_186] : memref<10x128x64xf32, #tpu.memory_space<vmem>> -> memref<1x128x64xf32, #tpu.memory_space<vmem>>
    %dma_start3A_188 = tpu.memref_squeeze %dma_start3A_187 : memref<1x128x64xf32, #tpu.memory_space<vmem>> -> memref<128x64xf32, #tpu.memory_space<vmem>>
    tpu.enqueue_dma source(%dma_start3A_188 : memref<128x64xf32, #tpu.memory_space<vmem>>) target(%dma_start3A_184 : memref<128x64xf32, #tpu.memory_space<hbm>>) target_semaphore(%dma_start3A_182 : memref<!tpu.dma_semaphore, #tpu.memory_space<semaphore_mem>>)
    %dma_wait3A_189 = arith.constant 41 : i32
    %dma_wait3A_190 = arith.constant 1 : i32
    %dma_wait3A_191 = arith.constant 1 : i32
    %dma_wait3A_192 = arith.constant 0 : i32
    %dma_wait3A_193 = arith.constant 0 : i32
    %dma_wait3A_194 = tpu.memref_slice %arg6[%dma_wait3A_190, %dma_wait3A_192, %dma_wait3A_193] : memref<10x128x64xf32, #tpu.memory_space<vmem>> -> memref<1x128x64xf32, #tpu.memory_space<vmem>>
    %dma_wait3A_195 = tpu.memref_squeeze %dma_wait3A_194 : memref<1x128x64xf32, #tpu.memory_space<vmem>> -> memref<128x64xf32, #tpu.memory_space<vmem>>
    %dma_wait3A_196 = arith.constant 0 : i32
    %dma_wait3A_197 = tpu.memref_slice %arg5[%dma_wait3A_189, %dma_wait3A_196] : memref<50x128xi32, #tpu.memory_space<vmem>> -> memref<1x128xi32, #tpu.memory_space<vmem>>
    %dma_wait3A_198 = tpu.memref_squeeze %dma_wait3A_197 : memref<1x128xi32, #tpu.memory_space<vmem>> -> memref<128xi32, #tpu.memory_space<vmem>>
    %dma_wait3A_199 = arith.constant 0 : i32
    %dma_wait3A_200 = arith.constant 0 : i32
    %dma_wait3A_201 = tpu.memref_slice %arg3[%dma_wait3A_199, %dma_wait3A_200] : memref<100000x64xf32, #tpu.memory_space<hbm>> -> memref<100000x64xf32, #tpu.memory_space<hbm>>
    %dma_wait3A_202 = tpu.memref_slice %arg7[%dma_wait3A_191] : memref<10x!tpu.dma_semaphore, #tpu.memory_space<semaphore_mem>> -> memref<1x!tpu.dma_semaphore, #tpu.memory_space<semaphore_mem>>
    %dma_wait3A_203 = tpu.memref_squeeze %dma_wait3A_202 : memref<1x!tpu.dma_semaphore, #tpu.memory_space<semaphore_mem>> -> memref<!tpu.dma_semaphore, #tpu.memory_space<semaphore_mem>>
    tpu.wait_indirect_dma semaphore(%dma_wait3A_203 : memref<!tpu.dma_semaphore, #tpu.memory_space<semaphore_mem>>) src(%dma_wait3A_201 : memref<100000x64xf32, #tpu.memory_space<hbm>>) dst(%dma_wait3A_195 : memref<128x64xf32, #tpu.memory_space<vmem>>)
    %add3A_204 = arith.constant 5248 : i32
    %add3A_205 = arith.addi %mul3A_2, %add3A_204 : i32
    %dma_start3A_206 = arith.constant 1 : i32
    %dma_start3A_207 = arith.constant 1 : i32
    %dma_start3A_208 = arith.constant 0 : i32
    %dma_start3A_209 = arith.constant 0 : i32
    %dma_start3A_210 = tpu.memref_slice %arg6[%dma_start3A_206, %dma_start3A_208, %dma_start3A_209] : memref<10x128x64xf32, #tpu.memory_space<vmem>> -> memref<1x128x64xf32, #tpu.memory_space<vmem>>
    %dma_start3A_211 = tpu.memref_squeeze %dma_start3A_210 : memref<1x128x64xf32, #tpu.memory_space<vmem>> -> memref<128x64xf32, #tpu.memory_space<vmem>>
    %dma_start3A_212 = arith.constant 0 : i32
    %dma_start3A_213 = tpu.memref_slice %arg4[%add3A_205, %dma_start3A_212] : memref<204800x64xf32, #tpu.memory_space<hbm>> -> memref<128x64xf32, #tpu.memory_space<hbm>>
    %dma_start3A_214 = tpu.memref_slice %arg8[%dma_start3A_207] : memref<10x!tpu.dma_semaphore, #tpu.memory_space<semaphore_mem>> -> memref<1x!tpu.dma_semaphore, #tpu.memory_space<semaphore_mem>>
    %dma_start3A_215 = tpu.memref_squeeze %dma_start3A_214 : memref<1x!tpu.dma_semaphore, #tpu.memory_space<semaphore_mem>> -> memref<!tpu.dma_semaphore, #tpu.memory_space<semaphore_mem>>
    %dma_start3A_216 = arith.constant 0 : i32
    %dma_start3A_217 = tpu.memref_slice %arg4[%add3A_205, %dma_start3A_216] : memref<204800x64xf32, #tpu.memory_space<hbm>> -> memref<128x64xf32, #tpu.memory_space<hbm>>
    %dma_start3A_218 = arith.constant 0 : i32
    %dma_start3A_219 = arith.constant 0 : i32
    %dma_start3A_220 = tpu.memref_slice %arg6[%dma_start3A_206, %dma_start3A_218, %dma_start3A_219] : memref<10x128x64xf32, #tpu.memory_space<vmem>> -> memref<1x128x64xf32, #tpu.memory_space<vmem>>
    %dma_start3A_221 = tpu.memref_squeeze %dma_start3A_220 : memref<1x128x64xf32, #tpu.memory_space<vmem>> -> memref<128x64xf32, #tpu.memory_space<vmem>>
    tpu.enqueue_dma source(%dma_start3A_221 : memref<128x64xf32, #tpu.memory_space<vmem>>) target(%dma_start3A_217 : memref<128x64xf32, #tpu.memory_space<hbm>>) target_semaphore(%dma_start3A_215 : memref<!tpu.dma_semaphore, #tpu.memory_space<semaphore_mem>>)
    %dma_wait3A_222 = arith.constant 42 : i32
    %dma_wait3A_223 = arith.constant 2 : i32
    %dma_wait3A_224 = arith.constant 2 : i32
    %dma_wait3A_225 = arith.constant 0 : i32
    %dma_wait3A_226 = arith.constant 0 : i32
    %dma_wait3A_227 = tpu.memref_slice %arg6[%dma_wait3A_223, %dma_wait3A_225, %dma_wait3A_226] : memref<10x128x64xf32, #tpu.memory_space<vmem>> -> memref<1x128x64xf32, #tpu.memory_space<vmem>>
    %dma_wait3A_228 = tpu.memref_squeeze %dma_wait3A_227 : memref<1x128x64xf32, #tpu.memory_space<vmem>> -> memref<128x64xf32, #tpu.memory_space<vmem>>
    %dma_wait3A_229 = arith.constant 0 : i32
    %dma_wait3A_230 = tpu.memref_slice %arg5[%dma_wait3A_222, %dma_wait3A_229] : memref<50x128xi32, #tpu.memory_space<vmem>> -> memref<1x128xi32, #tpu.memory_space<vmem>>
    %dma_wait3A_231 = tpu.memref_squeeze %dma_wait3A_230 : memref<1x128xi32, #tpu.memory_space<vmem>> -> memref<128xi32, #tpu.memory_space<vmem>>
    %dma_wait3A_232 = arith.constant 0 : i32
    %dma_wait3A_233 = arith.constant 0 : i32
    %dma_wait3A_234 = tpu.memref_slice %arg3[%dma_wait3A_232, %dma_wait3A_233] : memref<100000x64xf32, #tpu.memory_space<hbm>> -> memref<100000x64xf32, #tpu.memory_space<hbm>>
    %dma_wait3A_235 = tpu.memref_slice %arg7[%dma_wait3A_224] : memref<10x!tpu.dma_semaphore, #tpu.memory_space<semaphore_mem>> -> memref<1x!tpu.dma_semaphore, #tpu.memory_space<semaphore_mem>>
    %dma_wait3A_236 = tpu.memref_squeeze %dma_wait3A_235 : memref<1x!tpu.dma_semaphore, #tpu.memory_space<semaphore_mem>> -> memref<!tpu.dma_semaphore, #tpu.memory_space<semaphore_mem>>
    tpu.wait_indirect_dma semaphore(%dma_wait3A_236 : memref<!tpu.dma_semaphore, #tpu.memory_space<semaphore_mem>>) src(%dma_wait3A_234 : memref<100000x64xf32, #tpu.memory_space<hbm>>) dst(%dma_wait3A_228 : memref<128x64xf32, #tpu.memory_space<vmem>>)
    %add3A_237 = arith.constant 5376 : i32
    %add3A_238 = arith.addi %mul3A_2, %add3A_237 : i32
    %dma_start3A_239 = arith.constant 2 : i32
    %dma_start3A_240 = arith.constant 2 : i32
    %dma_start3A_241 = arith.constant 0 : i32
    %dma_start3A_242 = arith.constant 0 : i32
    %dma_start3A_243 = tpu.memref_slice %arg6[%dma_start3A_239, %dma_start3A_241, %dma_start3A_242] : memref<10x128x64xf32, #tpu.memory_space<vmem>> -> memref<1x128x64xf32, #tpu.memory_space<vmem>>
    %dma_start3A_244 = tpu.memref_squeeze %dma_start3A_243 : memref<1x128x64xf32, #tpu.memory_space<vmem>> -> memref<128x64xf32, #tpu.memory_space<vmem>>
    %dma_start3A_245 = arith.constant 0 : i32
    %dma_start3A_246 = tpu.memref_slice %arg4[%add3A_238, %dma_start3A_245] : memref<204800x64xf32, #tpu.memory_space<hbm>> -> memref<128x64xf32, #tpu.memory_space<hbm>>
    %dma_start3A_247 = tpu.memref_slice %arg8[%dma_start3A_240] : memref<10x!tpu.dma_semaphore, #tpu.memory_space<semaphore_mem>> -> memref<1x!tpu.dma_semaphore, #tpu.memory_space<semaphore_mem>>
    %dma_start3A_248 = tpu.memref_squeeze %dma_start3A_247 : memref<1x!tpu.dma_semaphore, #tpu.memory_space<semaphore_mem>> -> memref<!tpu.dma_semaphore, #tpu.memory_space<semaphore_mem>>
    %dma_start3A_249 = arith.constant 0 : i32
    %dma_start3A_250 = tpu.memref_slice %arg4[%add3A_238, %dma_start3A_249] : memref<204800x64xf32, #tpu.memory_space<hbm>> -> memref<128x64xf32, #tpu.memory_space<hbm>>
    %dma_start3A_251 = arith.constant 0 : i32
    %dma_start3A_252 = arith.constant 0 : i32
    %dma_start3A_253 = tpu.memref_slice %arg6[%dma_start3A_239, %dma_start3A_251, %dma_start3A_252] : memref<10x128x64xf32, #tpu.memory_space<vmem>> -> memref<1x128x64xf32, #tpu.memory_space<vmem>>
    %dma_start3A_254 = tpu.memref_squeeze %dma_start3A_253 : memref<1x128x64xf32, #tpu.memory_space<vmem>> -> memref<128x64xf32, #tpu.memory_space<vmem>>
    tpu.enqueue_dma source(%dma_start3A_254 : memref<128x64xf32, #tpu.memory_space<vmem>>) target(%dma_start3A_250 : memref<128x64xf32, #tpu.memory_space<hbm>>) target_semaphore(%dma_start3A_248 : memref<!tpu.dma_semaphore, #tpu.memory_space<semaphore_mem>>)
    %dma_wait3A_255 = arith.constant 43 : i32
    %dma_wait3A_256 = arith.constant 3 : i32
    %dma_wait3A_257 = arith.constant 3 : i32
    %dma_wait3A_258 = arith.constant 0 : i32
    %dma_wait3A_259 = arith.constant 0 : i32
    %dma_wait3A_260 = tpu.memref_slice %arg6[%dma_wait3A_256, %dma_wait3A_258, %dma_wait3A_259] : memref<10x128x64xf32, #tpu.memory_space<vmem>> -> memref<1x128x64xf32, #tpu.memory_space<vmem>>
    %dma_wait3A_261 = tpu.memref_squeeze %dma_wait3A_260 : memref<1x128x64xf32, #tpu.memory_space<vmem>> -> memref<128x64xf32, #tpu.memory_space<vmem>>
    %dma_wait3A_262 = arith.constant 0 : i32
    %dma_wait3A_263 = tpu.memref_slice %arg5[%dma_wait3A_255, %dma_wait3A_262] : memref<50x128xi32, #tpu.memory_space<vmem>> -> memref<1x128xi32, #tpu.memory_space<vmem>>
    %dma_wait3A_264 = tpu.memref_squeeze %dma_wait3A_263 : memref<1x128xi32, #tpu.memory_space<vmem>> -> memref<128xi32, #tpu.memory_space<vmem>>
    %dma_wait3A_265 = arith.constant 0 : i32
    %dma_wait3A_266 = arith.constant 0 : i32
    %dma_wait3A_267 = tpu.memref_slice %arg3[%dma_wait3A_265, %dma_wait3A_266] : memref<100000x64xf32, #tpu.memory_space<hbm>> -> memref<100000x64xf32, #tpu.memory_space<hbm>>
    %dma_wait3A_268 = tpu.memref_slice %arg7[%dma_wait3A_257] : memref<10x!tpu.dma_semaphore, #tpu.memory_space<semaphore_mem>> -> memref<1x!tpu.dma_semaphore, #tpu.memory_space<semaphore_mem>>
    %dma_wait3A_269 = tpu.memref_squeeze %dma_wait3A_268 : memref<1x!tpu.dma_semaphore, #tpu.memory_space<semaphore_mem>> -> memref<!tpu.dma_semaphore, #tpu.memory_space<semaphore_mem>>
    tpu.wait_indirect_dma semaphore(%dma_wait3A_269 : memref<!tpu.dma_semaphore, #tpu.memory_space<semaphore_mem>>) src(%dma_wait3A_267 : memref<100000x64xf32, #tpu.memory_space<hbm>>) dst(%dma_wait3A_261 : memref<128x64xf32, #tpu.memory_space<vmem>>)
    %add3A_270 = arith.constant 5504 : i32
    %add3A_271 = arith.addi %mul3A_2, %add3A_270 : i32
    %dma_start3A_272 = arith.constant 3 : i32
    %dma_start3A_273 = arith.constant 3 : i32
    %dma_start3A_274 = arith.constant 0 : i32
    %dma_start3A_275 = arith.constant 0 : i32
    %dma_start3A_276 = tpu.memref_slice %arg6[%dma_start3A_272, %dma_start3A_274, %dma_start3A_275] : memref<10x128x64xf32, #tpu.memory_space<vmem>> -> memref<1x128x64xf32, #tpu.memory_space<vmem>>
    %dma_start3A_277 = tpu.memref_squeeze %dma_start3A_276 : memref<1x128x64xf32, #tpu.memory_space<vmem>> -> memref<128x64xf32, #tpu.memory_space<vmem>>
    %dma_start3A_278 = arith.constant 0 : i32
    %dma_start3A_279 = tpu.memref_slice %arg4[%add3A_271, %dma_start3A_278] : memref<204800x64xf32, #tpu.memory_space<hbm>> -> memref<128x64xf32, #tpu.memory_space<hbm>>
    %dma_start3A_280 = tpu.memref_slice %arg8[%dma_start3A_273] : memref<10x!tpu.dma_semaphore, #tpu.memory_space<semaphore_mem>> -> memref<1x!tpu.dma_semaphore, #tpu.memory_space<semaphore_mem>>
    %dma_start3A_281 = tpu.memref_squeeze %dma_start3A_280 : memref<1x!tpu.dma_semaphore, #tpu.memory_space<semaphore_mem>> -> memref<!tpu.dma_semaphore, #tpu.memory_space<semaphore_mem>>
    %dma_start3A_282 = arith.constant 0 : i32
    %dma_start3A_283 = tpu.memref_slice %arg4[%add3A_271, %dma_start3A_282] : memref<204800x64xf32, #tpu.memory_space<hbm>> -> memref<128x64xf32, #tpu.memory_space<hbm>>
    %dma_start3A_284 = arith.constant 0 : i32
    %dma_start3A_285 = arith.constant 0 : i32
    %dma_start3A_286 = tpu.memref_slice %arg6[%dma_start3A_272, %dma_start3A_284, %dma_start3A_285] : memref<10x128x64xf32, #tpu.memory_space<vmem>> -> memref<1x128x64xf32, #tpu.memory_space<vmem>>
    %dma_start3A_287 = tpu.memref_squeeze %dma_start3A_286 : memref<1x128x64xf32, #tpu.memory_space<vmem>> -> memref<128x64xf32, #tpu.memory_space<vmem>>
    tpu.enqueue_dma source(%dma_start3A_287 : memref<128x64xf32, #tpu.memory_space<vmem>>) target(%dma_start3A_283 : memref<128x64xf32, #tpu.memory_space<hbm>>) target_semaphore(%dma_start3A_281 : memref<!tpu.dma_semaphore, #tpu.memory_space<semaphore_mem>>)
    %dma_wait3A_288 = arith.constant 44 : i32
    %dma_wait3A_289 = arith.constant 4 : i32
    %dma_wait3A_290 = arith.constant 4 : i32
    %dma_wait3A_291 = arith.constant 0 : i32
    %dma_wait3A_292 = arith.constant 0 : i32
    %dma_wait3A_293 = tpu.memref_slice %arg6[%dma_wait3A_289, %dma_wait3A_291, %dma_wait3A_292] : memref<10x128x64xf32, #tpu.memory_space<vmem>> -> memref<1x128x64xf32, #tpu.memory_space<vmem>>
    %dma_wait3A_294 = tpu.memref_squeeze %dma_wait3A_293 : memref<1x128x64xf32, #tpu.memory_space<vmem>> -> memref<128x64xf32, #tpu.memory_space<vmem>>
    %dma_wait3A_295 = arith.constant 0 : i32
    %dma_wait3A_296 = tpu.memref_slice %arg5[%dma_wait3A_288, %dma_wait3A_295] : memref<50x128xi32, #tpu.memory_space<vmem>> -> memref<1x128xi32, #tpu.memory_space<vmem>>
    %dma_wait3A_297 = tpu.memref_squeeze %dma_wait3A_296 : memref<1x128xi32, #tpu.memory_space<vmem>> -> memref<128xi32, #tpu.memory_space<vmem>>
    %dma_wait3A_298 = arith.constant 0 : i32
    %dma_wait3A_299 = arith.constant 0 : i32
    %dma_wait3A_300 = tpu.memref_slice %arg3[%dma_wait3A_298, %dma_wait3A_299] : memref<100000x64xf32, #tpu.memory_space<hbm>> -> memref<100000x64xf32, #tpu.memory_space<hbm>>
    %dma_wait3A_301 = tpu.memref_slice %arg7[%dma_wait3A_290] : memref<10x!tpu.dma_semaphore, #tpu.memory_space<semaphore_mem>> -> memref<1x!tpu.dma_semaphore, #tpu.memory_space<semaphore_mem>>
    %dma_wait3A_302 = tpu.memref_squeeze %dma_wait3A_301 : memref<1x!tpu.dma_semaphore, #tpu.memory_space<semaphore_mem>> -> memref<!tpu.dma_semaphore, #tpu.memory_space<semaphore_mem>>
    tpu.wait_indirect_dma semaphore(%dma_wait3A_302 : memref<!tpu.dma_semaphore, #tpu.memory_space<semaphore_mem>>) src(%dma_wait3A_300 : memref<100000x64xf32, #tpu.memory_space<hbm>>) dst(%dma_wait3A_294 : memref<128x64xf32, #tpu.memory_space<vmem>>)
    %add3A_303 = arith.constant 5632 : i32
    %add3A_304 = arith.addi %mul3A_2, %add3A_303 : i32
    %dma_start3A_305 = arith.constant 4 : i32
    %dma_start3A_306 = arith.constant 4 : i32
    %dma_start3A_307 = arith.constant 0 : i32
    %dma_start3A_308 = arith.constant 0 : i32
    %dma_start3A_309 = tpu.memref_slice %arg6[%dma_start3A_305, %dma_start3A_307, %dma_start3A_308] : memref<10x128x64xf32, #tpu.memory_space<vmem>> -> memref<1x128x64xf32, #tpu.memory_space<vmem>>
    %dma_start3A_310 = tpu.memref_squeeze %dma_start3A_309 : memref<1x128x64xf32, #tpu.memory_space<vmem>> -> memref<128x64xf32, #tpu.memory_space<vmem>>
    %dma_start3A_311 = arith.constant 0 : i32
    %dma_start3A_312 = tpu.memref_slice %arg4[%add3A_304, %dma_start3A_311] : memref<204800x64xf32, #tpu.memory_space<hbm>> -> memref<128x64xf32, #tpu.memory_space<hbm>>
    %dma_start3A_313 = tpu.memref_slice %arg8[%dma_start3A_306] : memref<10x!tpu.dma_semaphore, #tpu.memory_space<semaphore_mem>> -> memref<1x!tpu.dma_semaphore, #tpu.memory_space<semaphore_mem>>
    %dma_start3A_314 = tpu.memref_squeeze %dma_start3A_313 : memref<1x!tpu.dma_semaphore, #tpu.memory_space<semaphore_mem>> -> memref<!tpu.dma_semaphore, #tpu.memory_space<semaphore_mem>>
    %dma_start3A_315 = arith.constant 0 : i32
    %dma_start3A_316 = tpu.memref_slice %arg4[%add3A_304, %dma_start3A_315] : memref<204800x64xf32, #tpu.memory_space<hbm>> -> memref<128x64xf32, #tpu.memory_space<hbm>>
    %dma_start3A_317 = arith.constant 0 : i32
    %dma_start3A_318 = arith.constant 0 : i32
    %dma_start3A_319 = tpu.memref_slice %arg6[%dma_start3A_305, %dma_start3A_317, %dma_start3A_318] : memref<10x128x64xf32, #tpu.memory_space<vmem>> -> memref<1x128x64xf32, #tpu.memory_space<vmem>>
    %dma_start3A_320 = tpu.memref_squeeze %dma_start3A_319 : memref<1x128x64xf32, #tpu.memory_space<vmem>> -> memref<128x64xf32, #tpu.memory_space<vmem>>
    tpu.enqueue_dma source(%dma_start3A_320 : memref<128x64xf32, #tpu.memory_space<vmem>>) target(%dma_start3A_316 : memref<128x64xf32, #tpu.memory_space<hbm>>) target_semaphore(%dma_start3A_314 : memref<!tpu.dma_semaphore, #tpu.memory_space<semaphore_mem>>)
    %dma_wait3A_321 = arith.constant 45 : i32
    %dma_wait3A_322 = arith.constant 5 : i32
    %dma_wait3A_323 = arith.constant 5 : i32
    %dma_wait3A_324 = arith.constant 0 : i32
    %dma_wait3A_325 = arith.constant 0 : i32
    %dma_wait3A_326 = tpu.memref_slice %arg6[%dma_wait3A_322, %dma_wait3A_324, %dma_wait3A_325] : memref<10x128x64xf32, #tpu.memory_space<vmem>> -> memref<1x128x64xf32, #tpu.memory_space<vmem>>
    %dma_wait3A_327 = tpu.memref_squeeze %dma_wait3A_326 : memref<1x128x64xf32, #tpu.memory_space<vmem>> -> memref<128x64xf32, #tpu.memory_space<vmem>>
    %dma_wait3A_328 = arith.constant 0 : i32
    %dma_wait3A_329 = tpu.memref_slice %arg5[%dma_wait3A_321, %dma_wait3A_328] : memref<50x128xi32, #tpu.memory_space<vmem>> -> memref<1x128xi32, #tpu.memory_space<vmem>>
    %dma_wait3A_330 = tpu.memref_squeeze %dma_wait3A_329 : memref<1x128xi32, #tpu.memory_space<vmem>> -> memref<128xi32, #tpu.memory_space<vmem>>
    %dma_wait3A_331 = arith.constant 0 : i32
    %dma_wait3A_332 = arith.constant 0 : i32
    %dma_wait3A_333 = tpu.memref_slice %arg3[%dma_wait3A_331, %dma_wait3A_332] : memref<100000x64xf32, #tpu.memory_space<hbm>> -> memref<100000x64xf32, #tpu.memory_space<hbm>>
    %dma_wait3A_334 = tpu.memref_slice %arg7[%dma_wait3A_323] : memref<10x!tpu.dma_semaphore, #tpu.memory_space<semaphore_mem>> -> memref<1x!tpu.dma_semaphore, #tpu.memory_space<semaphore_mem>>
    %dma_wait3A_335 = tpu.memref_squeeze %dma_wait3A_334 : memref<1x!tpu.dma_semaphore, #tpu.memory_space<semaphore_mem>> -> memref<!tpu.dma_semaphore, #tpu.memory_space<semaphore_mem>>
    tpu.wait_indirect_dma semaphore(%dma_wait3A_335 : memref<!tpu.dma_semaphore, #tpu.memory_space<semaphore_mem>>) src(%dma_wait3A_333 : memref<100000x64xf32, #tpu.memory_space<hbm>>) dst(%dma_wait3A_327 : memref<128x64xf32, #tpu.memory_space<vmem>>)
    %add3A_336 = arith.constant 5760 : i32
    %add3A_337 = arith.addi %mul3A_2, %add3A_336 : i32
    %dma_start3A_338 = arith.constant 5 : i32
    %dma_start3A_339 = arith.constant 5 : i32
    %dma_start3A_340 = arith.constant 0 : i32
    %dma_start3A_341 = arith.constant 0 : i32
    %dma_start3A_342 = tpu.memref_slice %arg6[%dma_start3A_338, %dma_start3A_340, %dma_start3A_341] : memref<10x128x64xf32, #tpu.memory_space<vmem>> -> memref<1x128x64xf32, #tpu.memory_space<vmem>>
    %dma_start3A_343 = tpu.memref_squeeze %dma_start3A_342 : memref<1x128x64xf32, #tpu.memory_space<vmem>> -> memref<128x64xf32, #tpu.memory_space<vmem>>
    %dma_start3A_344 = arith.constant 0 : i32
    %dma_start3A_345 = tpu.memref_slice %arg4[%add3A_337, %dma_start3A_344] : memref<204800x64xf32, #tpu.memory_space<hbm>> -> memref<128x64xf32, #tpu.memory_space<hbm>>
    %dma_start3A_346 = tpu.memref_slice %arg8[%dma_start3A_339] : memref<10x!tpu.dma_semaphore, #tpu.memory_space<semaphore_mem>> -> memref<1x!tpu.dma_semaphore, #tpu.memory_space<semaphore_mem>>
    %dma_start3A_347 = tpu.memref_squeeze %dma_start3A_346 : memref<1x!tpu.dma_semaphore, #tpu.memory_space<semaphore_mem>> -> memref<!tpu.dma_semaphore, #tpu.memory_space<semaphore_mem>>
    %dma_start3A_348 = arith.constant 0 : i32
    %dma_start3A_349 = tpu.memref_slice %arg4[%add3A_337, %dma_start3A_348] : memref<204800x64xf32, #tpu.memory_space<hbm>> -> memref<128x64xf32, #tpu.memory_space<hbm>>
    %dma_start3A_350 = arith.constant 0 : i32
    %dma_start3A_351 = arith.constant 0 : i32
    %dma_start3A_352 = tpu.memref_slice %arg6[%dma_start3A_338, %dma_start3A_350, %dma_start3A_351] : memref<10x128x64xf32, #tpu.memory_space<vmem>> -> memref<1x128x64xf32, #tpu.memory_space<vmem>>
    %dma_start3A_353 = tpu.memref_squeeze %dma_start3A_352 : memref<1x128x64xf32, #tpu.memory_space<vmem>> -> memref<128x64xf32, #tpu.memory_space<vmem>>
    tpu.enqueue_dma source(%dma_start3A_353 : memref<128x64xf32, #tpu.memory_space<vmem>>) target(%dma_start3A_349 : memref<128x64xf32, #tpu.memory_space<hbm>>) target_semaphore(%dma_start3A_347 : memref<!tpu.dma_semaphore, #tpu.memory_space<semaphore_mem>>)
    %dma_wait3A_354 = arith.constant 46 : i32
    %dma_wait3A_355 = arith.constant 6 : i32
    %dma_wait3A_356 = arith.constant 6 : i32
    %dma_wait3A_357 = arith.constant 0 : i32
    %dma_wait3A_358 = arith.constant 0 : i32
    %dma_wait3A_359 = tpu.memref_slice %arg6[%dma_wait3A_355, %dma_wait3A_357, %dma_wait3A_358] : memref<10x128x64xf32, #tpu.memory_space<vmem>> -> memref<1x128x64xf32, #tpu.memory_space<vmem>>
    %dma_wait3A_360 = tpu.memref_squeeze %dma_wait3A_359 : memref<1x128x64xf32, #tpu.memory_space<vmem>> -> memref<128x64xf32, #tpu.memory_space<vmem>>
    %dma_wait3A_361 = arith.constant 0 : i32
    %dma_wait3A_362 = tpu.memref_slice %arg5[%dma_wait3A_354, %dma_wait3A_361] : memref<50x128xi32, #tpu.memory_space<vmem>> -> memref<1x128xi32, #tpu.memory_space<vmem>>
    %dma_wait3A_363 = tpu.memref_squeeze %dma_wait3A_362 : memref<1x128xi32, #tpu.memory_space<vmem>> -> memref<128xi32, #tpu.memory_space<vmem>>
    %dma_wait3A_364 = arith.constant 0 : i32
    %dma_wait3A_365 = arith.constant 0 : i32
    %dma_wait3A_366 = tpu.memref_slice %arg3[%dma_wait3A_364, %dma_wait3A_365] : memref<100000x64xf32, #tpu.memory_space<hbm>> -> memref<100000x64xf32, #tpu.memory_space<hbm>>
    %dma_wait3A_367 = tpu.memref_slice %arg7[%dma_wait3A_356] : memref<10x!tpu.dma_semaphore, #tpu.memory_space<semaphore_mem>> -> memref<1x!tpu.dma_semaphore, #tpu.memory_space<semaphore_mem>>
    %dma_wait3A_368 = tpu.memref_squeeze %dma_wait3A_367 : memref<1x!tpu.dma_semaphore, #tpu.memory_space<semaphore_mem>> -> memref<!tpu.dma_semaphore, #tpu.memory_space<semaphore_mem>>
    tpu.wait_indirect_dma semaphore(%dma_wait3A_368 : memref<!tpu.dma_semaphore, #tpu.memory_space<semaphore_mem>>) src(%dma_wait3A_366 : memref<100000x64xf32, #tpu.memory_space<hbm>>) dst(%dma_wait3A_360 : memref<128x64xf32, #tpu.memory_space<vmem>>)
    %add3A_369 = arith.constant 5888 : i32
    %add3A_370 = arith.addi %mul3A_2, %add3A_369 : i32
    %dma_start3A_371 = arith.constant 6 : i32
    %dma_start3A_372 = arith.constant 6 : i32
    %dma_start3A_373 = arith.constant 0 : i32
    %dma_start3A_374 = arith.constant 0 : i32
    %dma_start3A_375 = tpu.memref_slice %arg6[%dma_start3A_371, %dma_start3A_373, %dma_start3A_374] : memref<10x128x64xf32, #tpu.memory_space<vmem>> -> memref<1x128x64xf32, #tpu.memory_space<vmem>>
    %dma_start3A_376 = tpu.memref_squeeze %dma_start3A_375 : memref<1x128x64xf32, #tpu.memory_space<vmem>> -> memref<128x64xf32, #tpu.memory_space<vmem>>
    %dma_start3A_377 = arith.constant 0 : i32
    %dma_start3A_378 = tpu.memref_slice %arg4[%add3A_370, %dma_start3A_377] : memref<204800x64xf32, #tpu.memory_space<hbm>> -> memref<128x64xf32, #tpu.memory_space<hbm>>
    %dma_start3A_379 = tpu.memref_slice %arg8[%dma_start3A_372] : memref<10x!tpu.dma_semaphore, #tpu.memory_space<semaphore_mem>> -> memref<1x!tpu.dma_semaphore, #tpu.memory_space<semaphore_mem>>
    %dma_start3A_380 = tpu.memref_squeeze %dma_start3A_379 : memref<1x!tpu.dma_semaphore, #tpu.memory_space<semaphore_mem>> -> memref<!tpu.dma_semaphore, #tpu.memory_space<semaphore_mem>>
    %dma_start3A_381 = arith.constant 0 : i32
    %dma_start3A_382 = tpu.memref_slice %arg4[%add3A_370, %dma_start3A_381] : memref<204800x64xf32, #tpu.memory_space<hbm>> -> memref<128x64xf32, #tpu.memory_space<hbm>>
    %dma_start3A_383 = arith.constant 0 : i32
    %dma_start3A_384 = arith.constant 0 : i32
    %dma_start3A_385 = tpu.memref_slice %arg6[%dma_start3A_371, %dma_start3A_383, %dma_start3A_384] : memref<10x128x64xf32, #tpu.memory_space<vmem>> -> memref<1x128x64xf32, #tpu.memory_space<vmem>>
    %dma_start3A_386 = tpu.memref_squeeze %dma_start3A_385 : memref<1x128x64xf32, #tpu.memory_space<vmem>> -> memref<128x64xf32, #tpu.memory_space<vmem>>
    tpu.enqueue_dma source(%dma_start3A_386 : memref<128x64xf32, #tpu.memory_space<vmem>>) target(%dma_start3A_382 : memref<128x64xf32, #tpu.memory_space<hbm>>) target_semaphore(%dma_start3A_380 : memref<!tpu.dma_semaphore, #tpu.memory_space<semaphore_mem>>)
    %dma_wait3A_387 = arith.constant 47 : i32
    %dma_wait3A_388 = arith.constant 7 : i32
    %dma_wait3A_389 = arith.constant 7 : i32
    %dma_wait3A_390 = arith.constant 0 : i32
    %dma_wait3A_391 = arith.constant 0 : i32
    %dma_wait3A_392 = tpu.memref_slice %arg6[%dma_wait3A_388, %dma_wait3A_390, %dma_wait3A_391] : memref<10x128x64xf32, #tpu.memory_space<vmem>> -> memref<1x128x64xf32, #tpu.memory_space<vmem>>
    %dma_wait3A_393 = tpu.memref_squeeze %dma_wait3A_392 : memref<1x128x64xf32, #tpu.memory_space<vmem>> -> memref<128x64xf32, #tpu.memory_space<vmem>>
    %dma_wait3A_394 = arith.constant 0 : i32
    %dma_wait3A_395 = tpu.memref_slice %arg5[%dma_wait3A_387, %dma_wait3A_394] : memref<50x128xi32, #tpu.memory_space<vmem>> -> memref<1x128xi32, #tpu.memory_space<vmem>>
    %dma_wait3A_396 = tpu.memref_squeeze %dma_wait3A_395 : memref<1x128xi32, #tpu.memory_space<vmem>> -> memref<128xi32, #tpu.memory_space<vmem>>
    %dma_wait3A_397 = arith.constant 0 : i32
    %dma_wait3A_398 = arith.constant 0 : i32
    %dma_wait3A_399 = tpu.memref_slice %arg3[%dma_wait3A_397, %dma_wait3A_398] : memref<100000x64xf32, #tpu.memory_space<hbm>> -> memref<100000x64xf32, #tpu.memory_space<hbm>>
    %dma_wait3A_400 = tpu.memref_slice %arg7[%dma_wait3A_389] : memref<10x!tpu.dma_semaphore, #tpu.memory_space<semaphore_mem>> -> memref<1x!tpu.dma_semaphore, #tpu.memory_space<semaphore_mem>>
    %dma_wait3A_401 = tpu.memref_squeeze %dma_wait3A_400 : memref<1x!tpu.dma_semaphore, #tpu.memory_space<semaphore_mem>> -> memref<!tpu.dma_semaphore, #tpu.memory_space<semaphore_mem>>
    tpu.wait_indirect_dma semaphore(%dma_wait3A_401 : memref<!tpu.dma_semaphore, #tpu.memory_space<semaphore_mem>>) src(%dma_wait3A_399 : memref<100000x64xf32, #tpu.memory_space<hbm>>) dst(%dma_wait3A_393 : memref<128x64xf32, #tpu.memory_space<vmem>>)
    %add3A_402 = arith.constant 6016 : i32
    %add3A_403 = arith.addi %mul3A_2, %add3A_402 : i32
    %dma_start3A_404 = arith.constant 7 : i32
    %dma_start3A_405 = arith.constant 7 : i32
    %dma_start3A_406 = arith.constant 0 : i32
    %dma_start3A_407 = arith.constant 0 : i32
    %dma_start3A_408 = tpu.memref_slice %arg6[%dma_start3A_404, %dma_start3A_406, %dma_start3A_407] : memref<10x128x64xf32, #tpu.memory_space<vmem>> -> memref<1x128x64xf32, #tpu.memory_space<vmem>>
    %dma_start3A_409 = tpu.memref_squeeze %dma_start3A_408 : memref<1x128x64xf32, #tpu.memory_space<vmem>> -> memref<128x64xf32, #tpu.memory_space<vmem>>
    %dma_start3A_410 = arith.constant 0 : i32
    %dma_start3A_411 = tpu.memref_slice %arg4[%add3A_403, %dma_start3A_410] : memref<204800x64xf32, #tpu.memory_space<hbm>> -> memref<128x64xf32, #tpu.memory_space<hbm>>
    %dma_start3A_412 = tpu.memref_slice %arg8[%dma_start3A_405] : memref<10x!tpu.dma_semaphore, #tpu.memory_space<semaphore_mem>> -> memref<1x!tpu.dma_semaphore, #tpu.memory_space<semaphore_mem>>
    %dma_start3A_413 = tpu.memref_squeeze %dma_start3A_412 : memref<1x!tpu.dma_semaphore, #tpu.memory_space<semaphore_mem>> -> memref<!tpu.dma_semaphore, #tpu.memory_space<semaphore_mem>>
    %dma_start3A_414 = arith.constant 0 : i32
    %dma_start3A_415 = tpu.memref_slice %arg4[%add3A_403, %dma_start3A_414] : memref<204800x64xf32, #tpu.memory_space<hbm>> -> memref<128x64xf32, #tpu.memory_space<hbm>>
    %dma_start3A_416 = arith.constant 0 : i32
    %dma_start3A_417 = arith.constant 0 : i32
    %dma_start3A_418 = tpu.memref_slice %arg6[%dma_start3A_404, %dma_start3A_416, %dma_start3A_417] : memref<10x128x64xf32, #tpu.memory_space<vmem>> -> memref<1x128x64xf32, #tpu.memory_space<vmem>>
    %dma_start3A_419 = tpu.memref_squeeze %dma_start3A_418 : memref<1x128x64xf32, #tpu.memory_space<vmem>> -> memref<128x64xf32, #tpu.memory_space<vmem>>
    tpu.enqueue_dma source(%dma_start3A_419 : memref<128x64xf32, #tpu.memory_space<vmem>>) target(%dma_start3A_415 : memref<128x64xf32, #tpu.memory_space<hbm>>) target_semaphore(%dma_start3A_413 : memref<!tpu.dma_semaphore, #tpu.memory_space<semaphore_mem>>)
    %dma_wait3A_420 = arith.constant 48 : i32
    %dma_wait3A_421 = arith.constant 8 : i32
    %dma_wait3A_422 = arith.constant 8 : i32
    %dma_wait3A_423 = arith.constant 0 : i32
    %dma_wait3A_424 = arith.constant 0 : i32
    %dma_wait3A_425 = tpu.memref_slice %arg6[%dma_wait3A_421, %dma_wait3A_423, %dma_wait3A_424] : memref<10x128x64xf32, #tpu.memory_space<vmem>> -> memref<1x128x64xf32, #tpu.memory_space<vmem>>
    %dma_wait3A_426 = tpu.memref_squeeze %dma_wait3A_425 : memref<1x128x64xf32, #tpu.memory_space<vmem>> -> memref<128x64xf32, #tpu.memory_space<vmem>>
    %dma_wait3A_427 = arith.constant 0 : i32
    %dma_wait3A_428 = tpu.memref_slice %arg5[%dma_wait3A_420, %dma_wait3A_427] : memref<50x128xi32, #tpu.memory_space<vmem>> -> memref<1x128xi32, #tpu.memory_space<vmem>>
    %dma_wait3A_429 = tpu.memref_squeeze %dma_wait3A_428 : memref<1x128xi32, #tpu.memory_space<vmem>> -> memref<128xi32, #tpu.memory_space<vmem>>
    %dma_wait3A_430 = arith.constant 0 : i32
    %dma_wait3A_431 = arith.constant 0 : i32
    %dma_wait3A_432 = tpu.memref_slice %arg3[%dma_wait3A_430, %dma_wait3A_431] : memref<100000x64xf32, #tpu.memory_space<hbm>> -> memref<100000x64xf32, #tpu.memory_space<hbm>>
    %dma_wait3A_433 = tpu.memref_slice %arg7[%dma_wait3A_422] : memref<10x!tpu.dma_semaphore, #tpu.memory_space<semaphore_mem>> -> memref<1x!tpu.dma_semaphore, #tpu.memory_space<semaphore_mem>>
    %dma_wait3A_434 = tpu.memref_squeeze %dma_wait3A_433 : memref<1x!tpu.dma_semaphore, #tpu.memory_space<semaphore_mem>> -> memref<!tpu.dma_semaphore, #tpu.memory_space<semaphore_mem>>
    tpu.wait_indirect_dma semaphore(%dma_wait3A_434 : memref<!tpu.dma_semaphore, #tpu.memory_space<semaphore_mem>>) src(%dma_wait3A_432 : memref<100000x64xf32, #tpu.memory_space<hbm>>) dst(%dma_wait3A_426 : memref<128x64xf32, #tpu.memory_space<vmem>>)
    %add3A_435 = arith.constant 6144 : i32
    %add3A_436 = arith.addi %mul3A_2, %add3A_435 : i32
    %dma_start3A_437 = arith.constant 8 : i32
    %dma_start3A_438 = arith.constant 8 : i32
    %dma_start3A_439 = arith.constant 0 : i32
    %dma_start3A_440 = arith.constant 0 : i32
    %dma_start3A_441 = tpu.memref_slice %arg6[%dma_start3A_437, %dma_start3A_439, %dma_start3A_440] : memref<10x128x64xf32, #tpu.memory_space<vmem>> -> memref<1x128x64xf32, #tpu.memory_space<vmem>>
    %dma_start3A_442 = tpu.memref_squeeze %dma_start3A_441 : memref<1x128x64xf32, #tpu.memory_space<vmem>> -> memref<128x64xf32, #tpu.memory_space<vmem>>
    %dma_start3A_443 = arith.constant 0 : i32
    %dma_start3A_444 = tpu.memref_slice %arg4[%add3A_436, %dma_start3A_443] : memref<204800x64xf32, #tpu.memory_space<hbm>> -> memref<128x64xf32, #tpu.memory_space<hbm>>
    %dma_start3A_445 = tpu.memref_slice %arg8[%dma_start3A_438] : memref<10x!tpu.dma_semaphore, #tpu.memory_space<semaphore_mem>> -> memref<1x!tpu.dma_semaphore, #tpu.memory_space<semaphore_mem>>
    %dma_start3A_446 = tpu.memref_squeeze %dma_start3A_445 : memref<1x!tpu.dma_semaphore, #tpu.memory_space<semaphore_mem>> -> memref<!tpu.dma_semaphore, #tpu.memory_space<semaphore_mem>>
    %dma_start3A_447 = arith.constant 0 : i32
    %dma_start3A_448 = tpu.memref_slice %arg4[%add3A_436, %dma_start3A_447] : memref<204800x64xf32, #tpu.memory_space<hbm>> -> memref<128x64xf32, #tpu.memory_space<hbm>>
    %dma_start3A_449 = arith.constant 0 : i32
    %dma_start3A_450 = arith.constant 0 : i32
    %dma_start3A_451 = tpu.memref_slice %arg6[%dma_start3A_437, %dma_start3A_449, %dma_start3A_450] : memref<10x128x64xf32, #tpu.memory_space<vmem>> -> memref<1x128x64xf32, #tpu.memory_space<vmem>>
    %dma_start3A_452 = tpu.memref_squeeze %dma_start3A_451 : memref<1x128x64xf32, #tpu.memory_space<vmem>> -> memref<128x64xf32, #tpu.memory_space<vmem>>
    tpu.enqueue_dma source(%dma_start3A_452 : memref<128x64xf32, #tpu.memory_space<vmem>>) target(%dma_start3A_448 : memref<128x64xf32, #tpu.memory_space<hbm>>) target_semaphore(%dma_start3A_446 : memref<!tpu.dma_semaphore, #tpu.memory_space<semaphore_mem>>)
    %dma_wait3A_453 = arith.constant 49 : i32
    %dma_wait3A_454 = arith.constant 9 : i32
    %dma_wait3A_455 = arith.constant 9 : i32
    %dma_wait3A_456 = arith.constant 0 : i32
    %dma_wait3A_457 = arith.constant 0 : i32
    %dma_wait3A_458 = tpu.memref_slice %arg6[%dma_wait3A_454, %dma_wait3A_456, %dma_wait3A_457] : memref<10x128x64xf32, #tpu.memory_space<vmem>> -> memref<1x128x64xf32, #tpu.memory_space<vmem>>
    %dma_wait3A_459 = tpu.memref_squeeze %dma_wait3A_458 : memref<1x128x64xf32, #tpu.memory_space<vmem>> -> memref<128x64xf32, #tpu.memory_space<vmem>>
    %dma_wait3A_460 = arith.constant 0 : i32
    %dma_wait3A_461 = tpu.memref_slice %arg5[%dma_wait3A_453, %dma_wait3A_460] : memref<50x128xi32, #tpu.memory_space<vmem>> -> memref<1x128xi32, #tpu.memory_space<vmem>>
    %dma_wait3A_462 = tpu.memref_squeeze %dma_wait3A_461 : memref<1x128xi32, #tpu.memory_space<vmem>> -> memref<128xi32, #tpu.memory_space<vmem>>
    %dma_wait3A_463 = arith.constant 0 : i32
    %dma_wait3A_464 = arith.constant 0 : i32
    %dma_wait3A_465 = tpu.memref_slice %arg3[%dma_wait3A_463, %dma_wait3A_464] : memref<100000x64xf32, #tpu.memory_space<hbm>> -> memref<100000x64xf32, #tpu.memory_space<hbm>>
    %dma_wait3A_466 = tpu.memref_slice %arg7[%dma_wait3A_455] : memref<10x!tpu.dma_semaphore, #tpu.memory_space<semaphore_mem>> -> memref<1x!tpu.dma_semaphore, #tpu.memory_space<semaphore_mem>>
    %dma_wait3A_467 = tpu.memref_squeeze %dma_wait3A_466 : memref<1x!tpu.dma_semaphore, #tpu.memory_space<semaphore_mem>> -> memref<!tpu.dma_semaphore, #tpu.memory_space<semaphore_mem>>
    tpu.wait_indirect_dma semaphore(%dma_wait3A_467 : memref<!tpu.dma_semaphore, #tpu.memory_space<semaphore_mem>>) src(%dma_wait3A_465 : memref<100000x64xf32, #tpu.memory_space<hbm>>) dst(%dma_wait3A_459 : memref<128x64xf32, #tpu.memory_space<vmem>>)
    %add3A_468 = arith.constant 6272 : i32
    %add3A_469 = arith.addi %mul3A_2, %add3A_468 : i32
    %dma_start3A_470 = arith.constant 9 : i32
    %dma_start3A_471 = arith.constant 9 : i32
    %dma_start3A_472 = arith.constant 0 : i32
    %dma_start3A_473 = arith.constant 0 : i32
    %dma_start3A_474 = tpu.memref_slice %arg6[%dma_start3A_470, %dma_start3A_472, %dma_start3A_473] : memref<10x128x64xf32, #tpu.memory_space<vmem>> -> memref<1x128x64xf32, #tpu.memory_space<vmem>>
    %dma_start3A_475 = tpu.memref_squeeze %dma_start3A_474 : memref<1x128x64xf32, #tpu.memory_space<vmem>> -> memref<128x64xf32, #tpu.memory_space<vmem>>
    %dma_start3A_476 = arith.constant 0 : i32
    %dma_start3A_477 = tpu.memref_slice %arg4[%add3A_469, %dma_start3A_476] : memref<204800x64xf32, #tpu.memory_space<hbm>> -> memref<128x64xf32, #tpu.memory_space<hbm>>
    %dma_start3A_478 = tpu.memref_slice %arg8[%dma_start3A_471] : memref<10x!tpu.dma_semaphore, #tpu.memory_space<semaphore_mem>> -> memref<1x!tpu.dma_semaphore, #tpu.memory_space<semaphore_mem>>
    %dma_start3A_479 = tpu.memref_squeeze %dma_start3A_478 : memref<1x!tpu.dma_semaphore, #tpu.memory_space<semaphore_mem>> -> memref<!tpu.dma_semaphore, #tpu.memory_space<semaphore_mem>>
    %dma_start3A_480 = arith.constant 0 : i32
    %dma_start3A_481 = tpu.memref_slice %arg4[%add3A_469, %dma_start3A_480] : memref<204800x64xf32, #tpu.memory_space<hbm>> -> memref<128x64xf32, #tpu.memory_space<hbm>>
    %dma_start3A_482 = arith.constant 0 : i32
    %dma_start3A_483 = arith.constant 0 : i32
    %dma_start3A_484 = tpu.memref_slice %arg6[%dma_start3A_470, %dma_start3A_482, %dma_start3A_483] : memref<10x128x64xf32, #tpu.memory_space<vmem>> -> memref<1x128x64xf32, #tpu.memory_space<vmem>>
    %dma_start3A_485 = tpu.memref_squeeze %dma_start3A_484 : memref<1x128x64xf32, #tpu.memory_space<vmem>> -> memref<128x64xf32, #tpu.memory_space<vmem>>
    tpu.enqueue_dma source(%dma_start3A_485 : memref<128x64xf32, #tpu.memory_space<vmem>>) target(%dma_start3A_481 : memref<128x64xf32, #tpu.memory_space<hbm>>) target_semaphore(%dma_start3A_479 : memref<!tpu.dma_semaphore, #tpu.memory_space<semaphore_mem>>)
    %add3A_486 = arith.constant 5120 : i32
    %add3A_487 = arith.addi %mul3A_2, %add3A_486 : i32
    %dma_wait3A_488 = arith.constant 0 : i32
    %dma_wait3A_489 = arith.constant 0 : i32
    %dma_wait3A_490 = arith.constant 0 : i32
    %dma_wait3A_491 = arith.constant 0 : i32
    %dma_wait3A_492 = tpu.memref_slice %arg6[%dma_wait3A_488, %dma_wait3A_490, %dma_wait3A_491] : memref<10x128x64xf32, #tpu.memory_space<vmem>> -> memref<1x128x64xf32, #tpu.memory_space<vmem>>
    %dma_wait3A_493 = tpu.memref_squeeze %dma_wait3A_492 : memref<1x128x64xf32, #tpu.memory_space<vmem>> -> memref<128x64xf32, #tpu.memory_space<vmem>>
    %dma_wait3A_494 = arith.constant 0 : i32
    %dma_wait3A_495 = tpu.memref_slice %arg4[%add3A_487, %dma_wait3A_494] : memref<204800x64xf32, #tpu.memory_space<hbm>> -> memref<128x64xf32, #tpu.memory_space<hbm>>
    %dma_wait3A_496 = tpu.memref_slice %arg8[%dma_wait3A_489] : memref<10x!tpu.dma_semaphore, #tpu.memory_space<semaphore_mem>> -> memref<1x!tpu.dma_semaphore, #tpu.memory_space<semaphore_mem>>
    %dma_wait3A_497 = tpu.memref_squeeze %dma_wait3A_496 : memref<1x!tpu.dma_semaphore, #tpu.memory_space<semaphore_mem>> -> memref<!tpu.dma_semaphore, #tpu.memory_space<semaphore_mem>>
    %dma_wait3A_498 = arith.constant 0 : i32
    %dma_wait3A_499 = tpu.memref_slice %arg4[%add3A_487, %dma_wait3A_498] : memref<204800x64xf32, #tpu.memory_space<hbm>> -> memref<128x64xf32, #tpu.memory_space<hbm>>
    %dma_wait3A_500 = arith.constant 0 : i32
    %dma_wait3A_501 = arith.constant 0 : i32
    %dma_wait3A_502 = tpu.memref_slice %arg6[%dma_wait3A_488, %dma_wait3A_500, %dma_wait3A_501] : memref<10x128x64xf32, #tpu.memory_space<vmem>> -> memref<1x128x64xf32, #tpu.memory_space<vmem>>
    %dma_wait3A_503 = tpu.memref_squeeze %dma_wait3A_502 : memref<1x128x64xf32, #tpu.memory_space<vmem>> -> memref<128x64xf32, #tpu.memory_space<vmem>>
    tpu.wait_dma2 semaphore(%dma_wait3A_497 : memref<!tpu.dma_semaphore, #tpu.memory_space<semaphore_mem>>) src(%dma_wait3A_503 : memref<128x64xf32, #tpu.memory_space<vmem>>) dst(%dma_wait3A_499 : memref<128x64xf32, #tpu.memory_space<hbm>>)
    %add3A_504 = arith.constant 5248 : i32
    %add3A_505 = arith.addi %mul3A_2, %add3A_504 : i32
    %dma_wait3A_506 = arith.constant 1 : i32
    %dma_wait3A_507 = arith.constant 1 : i32
    %dma_wait3A_508 = arith.constant 0 : i32
    %dma_wait3A_509 = arith.constant 0 : i32
    %dma_wait3A_510 = tpu.memref_slice %arg6[%dma_wait3A_506, %dma_wait3A_508, %dma_wait3A_509] : memref<10x128x64xf32, #tpu.memory_space<vmem>> -> memref<1x128x64xf32, #tpu.memory_space<vmem>>
    %dma_wait3A_511 = tpu.memref_squeeze %dma_wait3A_510 : memref<1x128x64xf32, #tpu.memory_space<vmem>> -> memref<128x64xf32, #tpu.memory_space<vmem>>
    %dma_wait3A_512 = arith.constant 0 : i32
    %dma_wait3A_513 = tpu.memref_slice %arg4[%add3A_505, %dma_wait3A_512] : memref<204800x64xf32, #tpu.memory_space<hbm>> -> memref<128x64xf32, #tpu.memory_space<hbm>>
    %dma_wait3A_514 = tpu.memref_slice %arg8[%dma_wait3A_507] : memref<10x!tpu.dma_semaphore, #tpu.memory_space<semaphore_mem>> -> memref<1x!tpu.dma_semaphore, #tpu.memory_space<semaphore_mem>>
    %dma_wait3A_515 = tpu.memref_squeeze %dma_wait3A_514 : memref<1x!tpu.dma_semaphore, #tpu.memory_space<semaphore_mem>> -> memref<!tpu.dma_semaphore, #tpu.memory_space<semaphore_mem>>
    %dma_wait3A_516 = arith.constant 0 : i32
    %dma_wait3A_517 = tpu.memref_slice %arg4[%add3A_505, %dma_wait3A_516] : memref<204800x64xf32, #tpu.memory_space<hbm>> -> memref<128x64xf32, #tpu.memory_space<hbm>>
    %dma_wait3A_518 = arith.constant 0 : i32
    %dma_wait3A_519 = arith.constant 0 : i32
    %dma_wait3A_520 = tpu.memref_slice %arg6[%dma_wait3A_506, %dma_wait3A_518, %dma_wait3A_519] : memref<10x128x64xf32, #tpu.memory_space<vmem>> -> memref<1x128x64xf32, #tpu.memory_space<vmem>>
    %dma_wait3A_521 = tpu.memref_squeeze %dma_wait3A_520 : memref<1x128x64xf32, #tpu.memory_space<vmem>> -> memref<128x64xf32, #tpu.memory_space<vmem>>
    tpu.wait_dma2 semaphore(%dma_wait3A_515 : memref<!tpu.dma_semaphore, #tpu.memory_space<semaphore_mem>>) src(%dma_wait3A_521 : memref<128x64xf32, #tpu.memory_space<vmem>>) dst(%dma_wait3A_517 : memref<128x64xf32, #tpu.memory_space<hbm>>)
    %add3A_522 = arith.constant 5376 : i32
    %add3A_523 = arith.addi %mul3A_2, %add3A_522 : i32
    %dma_wait3A_524 = arith.constant 2 : i32
    %dma_wait3A_525 = arith.constant 2 : i32
    %dma_wait3A_526 = arith.constant 0 : i32
    %dma_wait3A_527 = arith.constant 0 : i32
    %dma_wait3A_528 = tpu.memref_slice %arg6[%dma_wait3A_524, %dma_wait3A_526, %dma_wait3A_527] : memref<10x128x64xf32, #tpu.memory_space<vmem>> -> memref<1x128x64xf32, #tpu.memory_space<vmem>>
    %dma_wait3A_529 = tpu.memref_squeeze %dma_wait3A_528 : memref<1x128x64xf32, #tpu.memory_space<vmem>> -> memref<128x64xf32, #tpu.memory_space<vmem>>
    %dma_wait3A_530 = arith.constant 0 : i32
    %dma_wait3A_531 = tpu.memref_slice %arg4[%add3A_523, %dma_wait3A_530] : memref<204800x64xf32, #tpu.memory_space<hbm>> -> memref<128x64xf32, #tpu.memory_space<hbm>>
    %dma_wait3A_532 = tpu.memref_slice %arg8[%dma_wait3A_525] : memref<10x!tpu.dma_semaphore, #tpu.memory_space<semaphore_mem>> -> memref<1x!tpu.dma_semaphore, #tpu.memory_space<semaphore_mem>>
    %dma_wait3A_533 = tpu.memref_squeeze %dma_wait3A_532 : memref<1x!tpu.dma_semaphore, #tpu.memory_space<semaphore_mem>> -> memref<!tpu.dma_semaphore, #tpu.memory_space<semaphore_mem>>
    %dma_wait3A_534 = arith.constant 0 : i32
    %dma_wait3A_535 = tpu.memref_slice %arg4[%add3A_523, %dma_wait3A_534] : memref<204800x64xf32, #tpu.memory_space<hbm>> -> memref<128x64xf32, #tpu.memory_space<hbm>>
    %dma_wait3A_536 = arith.constant 0 : i32
    %dma_wait3A_537 = arith.constant 0 : i32
    %dma_wait3A_538 = tpu.memref_slice %arg6[%dma_wait3A_524, %dma_wait3A_536, %dma_wait3A_537] : memref<10x128x64xf32, #tpu.memory_space<vmem>> -> memref<1x128x64xf32, #tpu.memory_space<vmem>>
    %dma_wait3A_539 = tpu.memref_squeeze %dma_wait3A_538 : memref<1x128x64xf32, #tpu.memory_space<vmem>> -> memref<128x64xf32, #tpu.memory_space<vmem>>
    tpu.wait_dma2 semaphore(%dma_wait3A_533 : memref<!tpu.dma_semaphore, #tpu.memory_space<semaphore_mem>>) src(%dma_wait3A_539 : memref<128x64xf32, #tpu.memory_space<vmem>>) dst(%dma_wait3A_535 : memref<128x64xf32, #tpu.memory_space<hbm>>)
    %add3A_540 = arith.constant 5504 : i32
    %add3A_541 = arith.addi %mul3A_2, %add3A_540 : i32
    %dma_wait3A_542 = arith.constant 3 : i32
    %dma_wait3A_543 = arith.constant 3 : i32
    %dma_wait3A_544 = arith.constant 0 : i32
    %dma_wait3A_545 = arith.constant 0 : i32
    %dma_wait3A_546 = tpu.memref_slice %arg6[%dma_wait3A_542, %dma_wait3A_544, %dma_wait3A_545] : memref<10x128x64xf32, #tpu.memory_space<vmem>> -> memref<1x128x64xf32, #tpu.memory_space<vmem>>
    %dma_wait3A_547 = tpu.memref_squeeze %dma_wait3A_546 : memref<1x128x64xf32, #tpu.memory_space<vmem>> -> memref<128x64xf32, #tpu.memory_space<vmem>>
    %dma_wait3A_548 = arith.constant 0 : i32
    %dma_wait3A_549 = tpu.memref_slice %arg4[%add3A_541, %dma_wait3A_548] : memref<204800x64xf32, #tpu.memory_space<hbm>> -> memref<128x64xf32, #tpu.memory_space<hbm>>
    %dma_wait3A_550 = tpu.memref_slice %arg8[%dma_wait3A_543] : memref<10x!tpu.dma_semaphore, #tpu.memory_space<semaphore_mem>> -> memref<1x!tpu.dma_semaphore, #tpu.memory_space<semaphore_mem>>
    %dma_wait3A_551 = tpu.memref_squeeze %dma_wait3A_550 : memref<1x!tpu.dma_semaphore, #tpu.memory_space<semaphore_mem>> -> memref<!tpu.dma_semaphore, #tpu.memory_space<semaphore_mem>>
    %dma_wait3A_552 = arith.constant 0 : i32
    %dma_wait3A_553 = tpu.memref_slice %arg4[%add3A_541, %dma_wait3A_552] : memref<204800x64xf32, #tpu.memory_space<hbm>> -> memref<128x64xf32, #tpu.memory_space<hbm>>
    %dma_wait3A_554 = arith.constant 0 : i32
    %dma_wait3A_555 = arith.constant 0 : i32
    %dma_wait3A_556 = tpu.memref_slice %arg6[%dma_wait3A_542, %dma_wait3A_554, %dma_wait3A_555] : memref<10x128x64xf32, #tpu.memory_space<vmem>> -> memref<1x128x64xf32, #tpu.memory_space<vmem>>
    %dma_wait3A_557 = tpu.memref_squeeze %dma_wait3A_556 : memref<1x128x64xf32, #tpu.memory_space<vmem>> -> memref<128x64xf32, #tpu.memory_space<vmem>>
    tpu.wait_dma2 semaphore(%dma_wait3A_551 : memref<!tpu.dma_semaphore, #tpu.memory_space<semaphore_mem>>) src(%dma_wait3A_557 : memref<128x64xf32, #tpu.memory_space<vmem>>) dst(%dma_wait3A_553 : memref<128x64xf32, #tpu.memory_space<hbm>>)
    %add3A_558 = arith.constant 5632 : i32
    %add3A_559 = arith.addi %mul3A_2, %add3A_558 : i32
    %dma_wait3A_560 = arith.constant 4 : i32
    %dma_wait3A_561 = arith.constant 4 : i32
    %dma_wait3A_562 = arith.constant 0 : i32
    %dma_wait3A_563 = arith.constant 0 : i32
    %dma_wait3A_564 = tpu.memref_slice %arg6[%dma_wait3A_560, %dma_wait3A_562, %dma_wait3A_563] : memref<10x128x64xf32, #tpu.memory_space<vmem>> -> memref<1x128x64xf32, #tpu.memory_space<vmem>>
    %dma_wait3A_565 = tpu.memref_squeeze %dma_wait3A_564 : memref<1x128x64xf32, #tpu.memory_space<vmem>> -> memref<128x64xf32, #tpu.memory_space<vmem>>
    %dma_wait3A_566 = arith.constant 0 : i32
    %dma_wait3A_567 = tpu.memref_slice %arg4[%add3A_559, %dma_wait3A_566] : memref<204800x64xf32, #tpu.memory_space<hbm>> -> memref<128x64xf32, #tpu.memory_space<hbm>>
    %dma_wait3A_568 = tpu.memref_slice %arg8[%dma_wait3A_561] : memref<10x!tpu.dma_semaphore, #tpu.memory_space<semaphore_mem>> -> memref<1x!tpu.dma_semaphore, #tpu.memory_space<semaphore_mem>>
    %dma_wait3A_569 = tpu.memref_squeeze %dma_wait3A_568 : memref<1x!tpu.dma_semaphore, #tpu.memory_space<semaphore_mem>> -> memref<!tpu.dma_semaphore, #tpu.memory_space<semaphore_mem>>
    %dma_wait3A_570 = arith.constant 0 : i32
    %dma_wait3A_571 = tpu.memref_slice %arg4[%add3A_559, %dma_wait3A_570] : memref<204800x64xf32, #tpu.memory_space<hbm>> -> memref<128x64xf32, #tpu.memory_space<hbm>>
    %dma_wait3A_572 = arith.constant 0 : i32
    %dma_wait3A_573 = arith.constant 0 : i32
    %dma_wait3A_574 = tpu.memref_slice %arg6[%dma_wait3A_560, %dma_wait3A_572, %dma_wait3A_573] : memref<10x128x64xf32, #tpu.memory_space<vmem>> -> memref<1x128x64xf32, #tpu.memory_space<vmem>>
    %dma_wait3A_575 = tpu.memref_squeeze %dma_wait3A_574 : memref<1x128x64xf32, #tpu.memory_space<vmem>> -> memref<128x64xf32, #tpu.memory_space<vmem>>
    tpu.wait_dma2 semaphore(%dma_wait3A_569 : memref<!tpu.dma_semaphore, #tpu.memory_space<semaphore_mem>>) src(%dma_wait3A_575 : memref<128x64xf32, #tpu.memory_space<vmem>>) dst(%dma_wait3A_571 : memref<128x64xf32, #tpu.memory_space<hbm>>)
    %add3A_576 = arith.constant 5760 : i32
    %add3A_577 = arith.addi %mul3A_2, %add3A_576 : i32
    %dma_wait3A_578 = arith.constant 5 : i32
    %dma_wait3A_579 = arith.constant 5 : i32
    %dma_wait3A_580 = arith.constant 0 : i32
    %dma_wait3A_581 = arith.constant 0 : i32
    %dma_wait3A_582 = tpu.memref_slice %arg6[%dma_wait3A_578, %dma_wait3A_580, %dma_wait3A_581] : memref<10x128x64xf32, #tpu.memory_space<vmem>> -> memref<1x128x64xf32, #tpu.memory_space<vmem>>
    %dma_wait3A_583 = tpu.memref_squeeze %dma_wait3A_582 : memref<1x128x64xf32, #tpu.memory_space<vmem>> -> memref<128x64xf32, #tpu.memory_space<vmem>>
    %dma_wait3A_584 = arith.constant 0 : i32
    %dma_wait3A_585 = tpu.memref_slice %arg4[%add3A_577, %dma_wait3A_584] : memref<204800x64xf32, #tpu.memory_space<hbm>> -> memref<128x64xf32, #tpu.memory_space<hbm>>
    %dma_wait3A_586 = tpu.memref_slice %arg8[%dma_wait3A_579] : memref<10x!tpu.dma_semaphore, #tpu.memory_space<semaphore_mem>> -> memref<1x!tpu.dma_semaphore, #tpu.memory_space<semaphore_mem>>
    %dma_wait3A_587 = tpu.memref_squeeze %dma_wait3A_586 : memref<1x!tpu.dma_semaphore, #tpu.memory_space<semaphore_mem>> -> memref<!tpu.dma_semaphore, #tpu.memory_space<semaphore_mem>>
    %dma_wait3A_588 = arith.constant 0 : i32
    %dma_wait3A_589 = tpu.memref_slice %arg4[%add3A_577, %dma_wait3A_588] : memref<204800x64xf32, #tpu.memory_space<hbm>> -> memref<128x64xf32, #tpu.memory_space<hbm>>
    %dma_wait3A_590 = arith.constant 0 : i32
    %dma_wait3A_591 = arith.constant 0 : i32
    %dma_wait3A_592 = tpu.memref_slice %arg6[%dma_wait3A_578, %dma_wait3A_590, %dma_wait3A_591] : memref<10x128x64xf32, #tpu.memory_space<vmem>> -> memref<1x128x64xf32, #tpu.memory_space<vmem>>
    %dma_wait3A_593 = tpu.memref_squeeze %dma_wait3A_592 : memref<1x128x64xf32, #tpu.memory_space<vmem>> -> memref<128x64xf32, #tpu.memory_space<vmem>>
    tpu.wait_dma2 semaphore(%dma_wait3A_587 : memref<!tpu.dma_semaphore, #tpu.memory_space<semaphore_mem>>) src(%dma_wait3A_593 : memref<128x64xf32, #tpu.memory_space<vmem>>) dst(%dma_wait3A_589 : memref<128x64xf32, #tpu.memory_space<hbm>>)
    %add3A_594 = arith.constant 5888 : i32
    %add3A_595 = arith.addi %mul3A_2, %add3A_594 : i32
    %dma_wait3A_596 = arith.constant 6 : i32
    %dma_wait3A_597 = arith.constant 6 : i32
    %dma_wait3A_598 = arith.constant 0 : i32
    %dma_wait3A_599 = arith.constant 0 : i32
    %dma_wait3A_600 = tpu.memref_slice %arg6[%dma_wait3A_596, %dma_wait3A_598, %dma_wait3A_599] : memref<10x128x64xf32, #tpu.memory_space<vmem>> -> memref<1x128x64xf32, #tpu.memory_space<vmem>>
    %dma_wait3A_601 = tpu.memref_squeeze %dma_wait3A_600 : memref<1x128x64xf32, #tpu.memory_space<vmem>> -> memref<128x64xf32, #tpu.memory_space<vmem>>
    %dma_wait3A_602 = arith.constant 0 : i32
    %dma_wait3A_603 = tpu.memref_slice %arg4[%add3A_595, %dma_wait3A_602] : memref<204800x64xf32, #tpu.memory_space<hbm>> -> memref<128x64xf32, #tpu.memory_space<hbm>>
    %dma_wait3A_604 = tpu.memref_slice %arg8[%dma_wait3A_597] : memref<10x!tpu.dma_semaphore, #tpu.memory_space<semaphore_mem>> -> memref<1x!tpu.dma_semaphore, #tpu.memory_space<semaphore_mem>>
    %dma_wait3A_605 = tpu.memref_squeeze %dma_wait3A_604 : memref<1x!tpu.dma_semaphore, #tpu.memory_space<semaphore_mem>> -> memref<!tpu.dma_semaphore, #tpu.memory_space<semaphore_mem>>
    %dma_wait3A_606 = arith.constant 0 : i32
    %dma_wait3A_607 = tpu.memref_slice %arg4[%add3A_595, %dma_wait3A_606] : memref<204800x64xf32, #tpu.memory_space<hbm>> -> memref<128x64xf32, #tpu.memory_space<hbm>>
    %dma_wait3A_608 = arith.constant 0 : i32
    %dma_wait3A_609 = arith.constant 0 : i32
    %dma_wait3A_610 = tpu.memref_slice %arg6[%dma_wait3A_596, %dma_wait3A_608, %dma_wait3A_609] : memref<10x128x64xf32, #tpu.memory_space<vmem>> -> memref<1x128x64xf32, #tpu.memory_space<vmem>>
    %dma_wait3A_611 = tpu.memref_squeeze %dma_wait3A_610 : memref<1x128x64xf32, #tpu.memory_space<vmem>> -> memref<128x64xf32, #tpu.memory_space<vmem>>
    tpu.wait_dma2 semaphore(%dma_wait3A_605 : memref<!tpu.dma_semaphore, #tpu.memory_space<semaphore_mem>>) src(%dma_wait3A_611 : memref<128x64xf32, #tpu.memory_space<vmem>>) dst(%dma_wait3A_607 : memref<128x64xf32, #tpu.memory_space<hbm>>)
    %add3A_612 = arith.constant 6016 : i32
    %add3A_613 = arith.addi %mul3A_2, %add3A_612 : i32
    %dma_wait3A_614 = arith.constant 7 : i32
    %dma_wait3A_615 = arith.constant 7 : i32
    %dma_wait3A_616 = arith.constant 0 : i32
    %dma_wait3A_617 = arith.constant 0 : i32
    %dma_wait3A_618 = tpu.memref_slice %arg6[%dma_wait3A_614, %dma_wait3A_616, %dma_wait3A_617] : memref<10x128x64xf32, #tpu.memory_space<vmem>> -> memref<1x128x64xf32, #tpu.memory_space<vmem>>
    %dma_wait3A_619 = tpu.memref_squeeze %dma_wait3A_618 : memref<1x128x64xf32, #tpu.memory_space<vmem>> -> memref<128x64xf32, #tpu.memory_space<vmem>>
    %dma_wait3A_620 = arith.constant 0 : i32
    %dma_wait3A_621 = tpu.memref_slice %arg4[%add3A_613, %dma_wait3A_620] : memref<204800x64xf32, #tpu.memory_space<hbm>> -> memref<128x64xf32, #tpu.memory_space<hbm>>
    %dma_wait3A_622 = tpu.memref_slice %arg8[%dma_wait3A_615] : memref<10x!tpu.dma_semaphore, #tpu.memory_space<semaphore_mem>> -> memref<1x!tpu.dma_semaphore, #tpu.memory_space<semaphore_mem>>
    %dma_wait3A_623 = tpu.memref_squeeze %dma_wait3A_622 : memref<1x!tpu.dma_semaphore, #tpu.memory_space<semaphore_mem>> -> memref<!tpu.dma_semaphore, #tpu.memory_space<semaphore_mem>>
    %dma_wait3A_624 = arith.constant 0 : i32
    %dma_wait3A_625 = tpu.memref_slice %arg4[%add3A_613, %dma_wait3A_624] : memref<204800x64xf32, #tpu.memory_space<hbm>> -> memref<128x64xf32, #tpu.memory_space<hbm>>
    %dma_wait3A_626 = arith.constant 0 : i32
    %dma_wait3A_627 = arith.constant 0 : i32
    %dma_wait3A_628 = tpu.memref_slice %arg6[%dma_wait3A_614, %dma_wait3A_626, %dma_wait3A_627] : memref<10x128x64xf32, #tpu.memory_space<vmem>> -> memref<1x128x64xf32, #tpu.memory_space<vmem>>
    %dma_wait3A_629 = tpu.memref_squeeze %dma_wait3A_628 : memref<1x128x64xf32, #tpu.memory_space<vmem>> -> memref<128x64xf32, #tpu.memory_space<vmem>>
    tpu.wait_dma2 semaphore(%dma_wait3A_623 : memref<!tpu.dma_semaphore, #tpu.memory_space<semaphore_mem>>) src(%dma_wait3A_629 : memref<128x64xf32, #tpu.memory_space<vmem>>) dst(%dma_wait3A_625 : memref<128x64xf32, #tpu.memory_space<hbm>>)
    %add3A_630 = arith.constant 6144 : i32
    %add3A_631 = arith.addi %mul3A_2, %add3A_630 : i32
    %dma_wait3A_632 = arith.constant 8 : i32
    %dma_wait3A_633 = arith.constant 8 : i32
    %dma_wait3A_634 = arith.constant 0 : i32
    %dma_wait3A_635 = arith.constant 0 : i32
    %dma_wait3A_636 = tpu.memref_slice %arg6[%dma_wait3A_632, %dma_wait3A_634, %dma_wait3A_635] : memref<10x128x64xf32, #tpu.memory_space<vmem>> -> memref<1x128x64xf32, #tpu.memory_space<vmem>>
    %dma_wait3A_637 = tpu.memref_squeeze %dma_wait3A_636 : memref<1x128x64xf32, #tpu.memory_space<vmem>> -> memref<128x64xf32, #tpu.memory_space<vmem>>
    %dma_wait3A_638 = arith.constant 0 : i32
    %dma_wait3A_639 = tpu.memref_slice %arg4[%add3A_631, %dma_wait3A_638] : memref<204800x64xf32, #tpu.memory_space<hbm>> -> memref<128x64xf32, #tpu.memory_space<hbm>>
    %dma_wait3A_640 = tpu.memref_slice %arg8[%dma_wait3A_633] : memref<10x!tpu.dma_semaphore, #tpu.memory_space<semaphore_mem>> -> memref<1x!tpu.dma_semaphore, #tpu.memory_space<semaphore_mem>>
    %dma_wait3A_641 = tpu.memref_squeeze %dma_wait3A_640 : memref<1x!tpu.dma_semaphore, #tpu.memory_space<semaphore_mem>> -> memref<!tpu.dma_semaphore, #tpu.memory_space<semaphore_mem>>
    %dma_wait3A_642 = arith.constant 0 : i32
    %dma_wait3A_643 = tpu.memref_slice %arg4[%add3A_631, %dma_wait3A_642] : memref<204800x64xf32, #tpu.memory_space<hbm>> -> memref<128x64xf32, #tpu.memory_space<hbm>>
    %dma_wait3A_644 = arith.constant 0 : i32
    %dma_wait3A_645 = arith.constant 0 : i32
    %dma_wait3A_646 = tpu.memref_slice %arg6[%dma_wait3A_632, %dma_wait3A_644, %dma_wait3A_645] : memref<10x128x64xf32, #tpu.memory_space<vmem>> -> memref<1x128x64xf32, #tpu.memory_space<vmem>>
    %dma_wait3A_647 = tpu.memref_squeeze %dma_wait3A_646 : memref<1x128x64xf32, #tpu.memory_space<vmem>> -> memref<128x64xf32, #tpu.memory_space<vmem>>
    tpu.wait_dma2 semaphore(%dma_wait3A_641 : memref<!tpu.dma_semaphore, #tpu.memory_space<semaphore_mem>>) src(%dma_wait3A_647 : memref<128x64xf32, #tpu.memory_space<vmem>>) dst(%dma_wait3A_643 : memref<128x64xf32, #tpu.memory_space<hbm>>)
    %add3A_648 = arith.constant 6272 : i32
    %add3A_649 = arith.addi %mul3A_2, %add3A_648 : i32
    %dma_wait3A_650 = arith.constant 9 : i32
    %dma_wait3A_651 = arith.constant 9 : i32
    %dma_wait3A_652 = arith.constant 0 : i32
    %dma_wait3A_653 = arith.constant 0 : i32
    %dma_wait3A_654 = tpu.memref_slice %arg6[%dma_wait3A_650, %dma_wait3A_652, %dma_wait3A_653] : memref<10x128x64xf32, #tpu.memory_space<vmem>> -> memref<1x128x64xf32, #tpu.memory_space<vmem>>
    %dma_wait3A_655 = tpu.memref_squeeze %dma_wait3A_654 : memref<1x128x64xf32, #tpu.memory_space<vmem>> -> memref<128x64xf32, #tpu.memory_space<vmem>>
    %dma_wait3A_656 = arith.constant 0 : i32
    %dma_wait3A_657 = tpu.memref_slice %arg4[%add3A_649, %dma_wait3A_656] : memref<204800x64xf32, #tpu.memory_space<hbm>> -> memref<128x64xf32, #tpu.memory_space<hbm>>
    %dma_wait3A_658 = tpu.memref_slice %arg8[%dma_wait3A_651] : memref<10x!tpu.dma_semaphore, #tpu.memory_space<semaphore_mem>> -> memref<1x!tpu.dma_semaphore, #tpu.memory_space<semaphore_mem>>
    %dma_wait3A_659 = tpu.memref_squeeze %dma_wait3A_658 : memref<1x!tpu.dma_semaphore, #tpu.memory_space<semaphore_mem>> -> memref<!tpu.dma_semaphore, #tpu.memory_space<semaphore_mem>>
    %dma_wait3A_660 = arith.constant 0 : i32
    %dma_wait3A_661 = tpu.memref_slice %arg4[%add3A_649, %dma_wait3A_660] : memref<204800x64xf32, #tpu.memory_space<hbm>> -> memref<128x64xf32, #tpu.memory_space<hbm>>
    %dma_wait3A_662 = arith.constant 0 : i32
    %dma_wait3A_663 = arith.constant 0 : i32
    %dma_wait3A_664 = tpu.memref_slice %arg6[%dma_wait3A_650, %dma_wait3A_662, %dma_wait3A_663] : memref<10x128x64xf32, #tpu.memory_space<vmem>> -> memref<1x128x64xf32, #tpu.memory_space<vmem>>
    %dma_wait3A_665 = tpu.memref_squeeze %dma_wait3A_664 : memref<1x128x64xf32, #tpu.memory_space<vmem>> -> memref<128x64xf32, #tpu.memory_space<vmem>>
    tpu.wait_dma2 semaphore(%dma_wait3A_659 : memref<!tpu.dma_semaphore, #tpu.memory_space<semaphore_mem>>) src(%dma_wait3A_665 : memref<128x64xf32, #tpu.memory_space<vmem>>) dst(%dma_wait3A_661 : memref<128x64xf32, #tpu.memory_space<hbm>>)
    return
  }
}

</mosaic_0001>

<sc_bundles>
// kernel: kernel.3.cloned.1.call-start
scs
__scs_entry_jumppad:
0x0: {  	(pc) =	sbr.rel $0x88, $3  }
0x1: {  	(tag) =	ssettag $0x0;
	lr =	simm.s32 $0x1  }
0x2: {  	[smem:$0x3F9F] =	sst lr;
	_ =	strace $0xD0000000  }
0x3: {  	_ = 	snop  }
0x4: {  	_ = 	snop  }
0x5: {  	_ = 	snop  }
0x6: {  	_ = 	snop  }
0x7: {  	_ = 	snop  }
__scs_overlays_trampoline_lowered:
0x8: {  	[smem:$0x3FAE] =	sst s0  }
0x9: {  	[smem:$0x3FAF] =	sst s1  }
0xa: {  	[smem:$0x3FB0] =	sst s2  }
0xb: {  	[smem:$0x3FB1] =	sst s3  }
0xc: {  	[smem:$0x3FB2] =	sst s4  }
0xd: {  	[smem:$0x3FB3] =	sst s5  }
0xe: {  	[smem:$0x3FB4] =	sst s6  }
0xf: {  	[smem:$0x3FB5] =	sst s7  }
0x10: {  	[smem:$0x3FB6] =	sst s8  }
0x11: {  	[smem:$0x3FB7] =	sst s9;
	s0 =	simm.s32 @!p0 $0x0  }
0x12: {  	s1 =	sld [smem:$0x3F9D];
	s0 =	simm.s32 @p0 $0x1  }
0x13: {  	[smem:$0x3FB8] =	sst s0;
	s0 =	simm.s32 @!p1 $0x0  }
0x14: {  	s2 =	sld [smem:$0x3F9C];
	s0 =	simm.s32 @p1 $0x1  }
0x15: {  	[smem:$0x3FB9] =	sst s0;
	s0 =	simm.s32 @!p2 $0x0  }
0x16: {  	s3 =	sld [smem:$0x3FDB];
	s0 =	simm.s32 @p2 $0x1  }
0x17: {  	s4 =	simm.s32 $0x1BF5;
	[smem:$0x3FBB] =	sst s0  }
0x18: {  	s0 =	sld [smem:$0x3F9E];
	_ =	swait.ge [sflag:s4], $0x0  }
0x19: {  	s7 =	sld [smem:$0x3F9F]  }
0x1a: {  	s8 =	sadd.s32 $0xFFFFE003, lr  }
0x1b: {  	s9 =	sadd.s32 $0xFFFFFEF7, lr;
	s5 =	simm.s32 $0xFFFFFFFF;
	p2 =	slt.u32 s8, $0xFFFFF086  }
0x1c: {  	p1 =	slt.u32 s9, $0xF7A;
	s5 =	simm.s32 @!p2 $0x0  }
0x1d: {  	s5 =	simm.s32 @p1 $0x1;
	p0 =	seq.s32 s7, s2  }
0x1e: {  	s7 =	smul.u32 @!p0 $0xF7A, s2;
	p2 =	seq.s32 @!p0 s5, $0x0  }
0x1f: {  	s9 =	smul.u32 $0xF7A, s1;
	s8 =	simm.s32 @!p0 $0x1BF5;
	p2 =	por !p2, p0  }
0x20: {  	[sflag:s8] =	ssyncset.s32 @!p0 $0xFFFFF086;
	s6 =	sadd.s32 @!p0 s3, s7;
	s7 =	simm.s32 @!p0 $0x108  }
0x21: {  	s3 =	sadd.s32 s3, s9;
	s6 =	sadd.s32 @!p0 $0x88, s6;
	s7 =	simm.s32 @p2 $0x1082  }
0x22: {  	[simem:s7], [sflag:s8] =	dma.local @!p0 [hbm:s6], $0xF7A  }
0x23: {  	s9 =	sor.u32 $0xD0000000, s2;
	s6 =	simm.s32 $0x108;
	_ =	swait.ge @!p0 [sflag:s8], $0x0  }
0x24: {  	s3 =	sadd.s32 $0x88, s3;
	s6 =	simm.s32 @!p1 $0x1082;
	[sflag:s4] =	ssyncset.s32 $0xFFFFF086  }
0x25: {  	[simem:s6], [sflag:s4] =	dma.local [hbm:s3], $0xF7A  }
0x26: {  	[smem:$0x3F9F] =	sst s1;
	(tag) =	ssettag s2;
	_ =	strace s9  }
0x27: {  	s1 =	sld [smem:$0x3FAF]  }
0x28: {  	s2 =	sld [smem:$0x3FB0]  }
0x29: {  	s4 =	sld [smem:$0x3FB2]  }
0x2a: {  	p0 =	seq.s32 s5, $0x0;
	s5 =	sld [smem:$0x3FB3]  }
0x2b: {  	s6 =	sld [smem:$0x3FB4]  }
0x2c: {  	s7 =	sld [smem:$0x3FB5]  }
0x2d: {  	s3 =	simm.s32 $0x108;
	s8 =	sld [smem:$0x3FB6]  }
0x2e: {  	s3 =	simm.s32 @!p0 $0x1082;
	s9 =	sld [smem:$0x3FB7]  }
0x2f: {  	lr =	sadd.s32 s0, s3;
	s0 =	sld [smem:$0x3FAE]  }
0x30: {  	s3 =	sld [smem:$0x3FB1]  }
0x31: {  	[smem:$0x3FBA] =	sst s10  }
0x32: {  	s10 =	sld [smem:$0x3FB8];
	_ =	sdelay $0x3  }
0x33: {  	p0 =	seq.s32 s10, $0x1;
	s10 =	sld [smem:$0x3FBA];
	_ =	sdelay $0x3  }
0x34: {  	[smem:$0x3FBA] =	sst s10  }
0x35: {  	s10 =	sld [smem:$0x3FB9];
	_ =	sdelay $0x3  }
0x36: {  	p1 =	seq.s32 s10, $0x1;
	s10 =	sld [smem:$0x3FBA];
	_ =	sdelay $0x3  }
0x37: {  	[smem:$0x3FBA] =	sst s10  }
0x38: {  	s10 =	sld [smem:$0x3FBB]  }
0x39: {  	_ = 	snop;
	(pc) =	sbr.ind lr, $3  }
0x3a: {  	_ = 	snop  }
0x3b: {  	_ = 	snop  }
0x3c: {  	p2 =	seq.s32 s10, $0x1;
	s10 =	sld [smem:$0x3FBA]  }
0x3d: {  	_ =	shalt  }
0x3e: {  	_ =	shalt  }
0x3f: {  	_ =	shalt  }
0x40: {  	_ =	shalt  }
0x41: {  	_ =	shalt  }
0x42: {  	_ =	shalt  }
0x43: {  	_ =	shalt  }
0x44: {  	_ =	shalt  }
0x45: {  	_ =	shalt  }
0x46: {  	_ =	shalt  }
0x47: {  	_ =	shalt  }
0x48: {  	_ =	shalt  }
0x49: {  	_ =	shalt  }
0x4a: {  	_ =	shalt  }
0x4b: {  	_ =	shalt  }
0x4c: {  	_ =	shalt  }
0x4d: {  	_ =	shalt  }
0x4e: {  	_ =	shalt  }
0x4f: {  	_ =	shalt  }
0x50: {  	_ =	shalt  }
0x51: {  	_ =	shalt  }
0x52: {  	_ =	shalt  }
0x53: {  	_ =	shalt  }
0x54: {  	_ =	shalt  }
0x55: {  	_ =	shalt  }
0x56: {  	_ =	shalt  }
0x57: {  	_ =	shalt  }
0x58: {  	_ =	shalt  }
0x59: {  	_ =	shalt  }
0x5a: {  	_ =	shalt  }
0x5b: {  	_ =	shalt  }
0x5c: {  	_ =	shalt  }
0x5d: {  	_ =	shalt  }
0x5e: {  	_ =	shalt  }
0x5f: {  	_ =	shalt  }
0x60: {  	_ =	shalt  }
0x61: {  	_ =	shalt  }
0x62: {  	_ =	shalt  }
0x63: {  	_ =	shalt  }
0x64: {  	_ =	shalt  }
0x65: {  	_ =	shalt  }
0x66: {  	_ =	shalt  }
0x67: {  	_ =	shalt  }
0x68: {  	_ =	shalt  }
0x69: {  	_ =	shalt  }
0x6a: {  	_ =	shalt  }
0x6b: {  	_ =	shalt  }
0x6c: {  	_ =	shalt  }
0x6d: {  	_ =	shalt  }
0x6e: {  	_ =	shalt  }
0x6f: {  	_ =	shalt  }
0x70: {  	_ =	shalt  }
0x71: {  	_ =	shalt  }
0x72: {  	_ =	shalt  }
0x73: {  	_ =	shalt  }
0x74: {  	_ =	shalt  }
0x75: {  	_ =	shalt  }
0x76: {  	_ =	shalt  }
0x77: {  	_ =	shalt  }
0x78: {  	_ =	shalt  }
0x79: {  	_ =	shalt  }
0x7a: {  	_ =	shalt  }
0x7b: {  	_ =	shalt  }
0x7c: {  	_ =	shalt  }
0x7d: {  	_ =	shalt  }
0x7e: {  	_ =	shalt  }
0x7f: {  	_ =	shalt  }
0x80: {  	_ =	shalt  }
0x81: {  	_ =	shalt  }
0x82: {  	_ =	shalt  }
0x83: {  	_ =	shalt  }
0x84: {  	_ =	shalt  }
0x85: {  	_ =	shalt  }
0x86: {  	_ =	shalt  }
0x87: {  	_ =	shalt  }
.Lfunc_end0:
.L_simem_size_0:
called_computation.1_lowered:
.L_overlay_start_0:
0x88: {  	s2 =	sld [smem:$0x3FD9]  }
0x89: {  	s3 =	sld [smem:$0x3FFE];
	_ =	sdelay $0x1  }
0x8a: {  	s1 =	srdreg.scid  }
0x8b: {  	s0 =	sand.u32 $0x1, s1  }
0x8c: {  	s17 =	sshll.u32 s0, $0xA;
	s2 =	sadd.s32 s3, s2  }
0x8d: {  	s2 =	sadd.s32 s2, s17  }
0x8e: {  	[smem:$0x3FC6] =	sst s2  }
0x8f: {  	_ = 	snop  }
0x90: {  	s2 =	sld [smem:$0x3FD0];
	(tm) =	ssettm $0x1  }
0x91: {  	s18 =	sld [smem:$0x3FFB];
	_ =	sdelay $0x3  }
0x92: {  	_ =	strace s18  }
0x93: {  	s3 =	sld [smem:$0x3FFC];
	_ =	sdelay $0x3  }
0x94: {  	_ =	strace s3  }
0x95: {  	s3 =	sld [smem:$0x3FFD];
	_ =	sdelay $0x3  }
0x96: {  	_ =	strace s3  }
0x97: {  	_ =	strace $0x8FFFFFFF  }
0x98: {  	s19 =	sld [smem:$0x3FDB];
	_ =	sdelay $0x1  }
0x99: {  	s4 =	simm.s32 $_scs_section_size  }
0x9a: {  	s5 =	simm.s32 $_size__tile_overlayer_lowered;
	s6 =	simm.s32 $_tile_overlayer_lowered  }
0x9b: {  	s22 =	simm.s32 $0x1BFF;
	s21 =	sshll.u32 s6, $0x1;
	s3 =	sadd.s32 s4, s19  }
0x9c: {  	s7 =	simm.s32 $0x0;
	s20 =	sshll.u32 s5, $0x1;
	s5 =	sadd.s32 s21, s3  }
0x9d: {  	[timem:s7], [sflag:s22] =	dma.local [hbm:s5], s20  }
0x9e: {  	_ =	swait.ge [sflag:s22], s20  }
0x9f: {  	s4 =	ssub.s32 $0x0, s20;
	[sflag:s22] =	ssyncset.done $0x0  }
0xa0: {  	[sflag:s22] =	ssyncadd.s32 s4;
	_ =	sdelay $0x1  }
0xa1: {  	s23 =	simm.s32 $0x1B8B  }
0xa2: {  	_ =	swait.ge [sflag:s23], $0x1  }
0xa3: {  	[sflag:s23] =	ssyncset.done $0x0  }
0xa4: {  	s25 =	simm.s32 $0x1B8E;
	s24 =	sld [smem:$0x3FFE];
	[sflag:s23] =	ssyncadd.s32 $0xFFFFFFFF  }
0xa5: {  	s26 =	simm.s32 $execute0_lowered;
	[smem:$0x3FD2] =	sst s25  }
0xa6: {  	s5 =	sshll.u32 s26, $0x1;
	_ =	strace $0x80000046;
	[dreg:$0x1] =	wrdreg $0xFFFFFFFF  }
0xa7: {  	s28 =	simm.s32 $_size_execute0_lowered;
	s3 =	sadd.s32 s3, s5;
	[dreg:$0x0] =	wrdreg $0x0  }
0xa8: {  	s5 =	sshll.u32 s28, $0x1;
	[dreg:$0x2] =	wrdreg s3  }
0xa9: {  	[dreg:$0x3] =	wrdreg s5  }
0xaa: {  	[dreg:$0x4] =	wrdreg $0xC0  }
0xab: {  	_ =	task [dreg:s7], $0x5FFFF  }
0xac: {  	[dreg:$0x1] =	wrdreg $0xFFFFFFFF  }
0xad: {  	[dreg:$0x0] =	wrdreg $0x60  }
0xae: {  	[dreg:$0x2] =	wrdreg s24  }
0xaf: {  	[dreg:$0x3] =	wrdreg s2  }
0xb0: {  	[dreg:$0x4] =	wrdreg $0x9  }
0xb1: {  	_ =	task.clear_ibuf [dreg:s7], $0x5FFFF;
	_ =	strace $0x90000046  }
0xb2: {  	s29 =	simm.s32 $0x9;
	_ =	strace $0x80000048  }
0xb3: {  	_ =	swait.ge [sflag:s29], $0x1  }
0xb4: {  	[sflag:s29] =	ssyncadd.s32 $0xFFFFFFFF  }
0xb5: {  	_ =	strace $0x90000048  }
0xb6: {  	_ =	sfence  }
0xb7: {  	s30 =	sld [smem:$0x0];
	_ =	sdelay $0x2  }
0xb8: {  	s31 =	sshll.u32 s1, $0xD;
	s1 =	sshrl.u32 s1, $0x2  }
0xb9: {  	s3 =	sand.u32 $0x4000, s31;
	s1 =	sadd.s32 s1, s30  }
0xba: {  	s0 =	sor.u32 s3, s0;
	s1 =	sshll.u32 s1, $0x11  }
0xbb: {  	s0 =	sor.u32 s1, s0  }
0xbc: {  	s0 =	sadd.s32 $0x8F2B, s0  }
0xbd: {  	[sflag:s0] =	ssyncadd.remote.s32 $0x1  }
0xbe: {  	_ =	sfence.sel $0xFFFF  }
0xbf: {  	[dreg:$0x0] =	wrdreg $0xFFFFFFFF;
	(pc) =	sbr.abs _section_cstart, $3  }
0xc0: {  	[dreg:$0x1] =	wrdreg $0xFFFFFFFF  }
0xc1: {  	_ =	task.clear_ibuf [dreg:s7], $0x2FFFF;
	_ =	strace $0x9FFFFFFF  }
0xc2: {  	(tm) =	ssettm $0x7FFFFFFF  }
0xc3: {  	_ =	shalt  }
tec
execute0_lowered:
.L_overlay_start_1:
0x0: {  	(tag) =	ssettag $0x1  }
0x1: {  	s1 =	srdreg.scid;
	s10 =	stileid.u32  }
0x2: {  	s1 =	sand.u32 $0x1, s1;
	s6 =	smul.u32 $0x3200, s10  }
0x3: {  	s0 =	rddreg [dreg:$0x0];
	s9 =	smul.u32 $0x1900, s1  }
0x4: {  	s11 =	rddreg [dreg:$0x1];
	s5 =	ssub.s32 $0x2, s1  }
0x5: {  	s3 =	simm.s32 $0x0;
	s8 =	sshrl.u32 s5, $0x1;
	s9 =	sadd.s32 s9, s6  }
0x6: {  	s2 =	sshll.u32 s10, $0x1;
	s31 =	ssub.s32 s5, s8;
	s5 =	sshll.u32 s9, $0x3  }
0x7: {  	[smem:$0x7FF] =	sst s3;
	s28 =	smul.u32 $0x19000, s10;
	s15 =	sadd.s32 $0x2400, s5  }
0x8: {  	_ =	strace $0x80000047;
	s17 =	sadd.s32 $0x2000, s5;
	[dreg:$0x3] =	wrdreg s15  }
0x9: {  	s2 =	sor.u32 s1, s2;
	s19 =	sadd.s32 $0x1C00, s5;
	[dreg:$0x4] =	wrdreg s17  }
0xa: {  	s1 =	smul.u32 $0xC800, s1;
	s21 =	sadd.s32 $0x1800, s5;
	[dreg:$0x5] =	wrdreg s19  }
0xb: {  	s4 =	smul.u32 $0x1900, s2;
	s23 =	sadd.s32 $0x1400, s5;
	[dreg:$0x6] =	wrdreg s21  }
0xc: {  	s2 =	smul.u32 $0x64000, s2;
	s25 =	sadd.s32 $0x1000, s5;
	[dreg:$0x7] =	wrdreg s23  }
0xd: {  	s4 =	sshrl.u32 s4, $0x3;
	s26 =	sadd.s32 $0xC00, s5;
	[dreg:$0x8] =	wrdreg s25  }
0xe: {  	s7 =	sadd.s32 s4, s0;
	s29 =	sadd.s32 $0x800, s5;
	[dreg:$0x9] =	wrdreg s26  }
0xf: {  	s4 =	sadd.s32 $0x6C00, s0;
	s0 =	smax.u32 s31, $0x1;
	[dreg:$0xa] =	wrdreg s29  }
0x10: {  	s30 =	sor.u32 $0x400, s5;
	[dreg:$0x18] =	wrdreg s0  }
0x11: {  	s2 =	sshrl.u32 s2, $0x3;
	s31 =	sadd.s32 s1, s28;
	[dreg:$0xb] =	wrdreg s30  }
0x12: {  	s2 =	sadd.s32 s11, s2;
	s8 =	sadd.s32 $0x800, s7;
	[dreg:$0xc] =	wrdreg s31  }
0x13: {  	s11 =	sadd.s32 $0xA000, s2;
	[dreg:$0xd] =	wrdreg s8  }
0x14: {  	s12 =	sadd.s32 $0xA400, s2;
	[dreg:$0xe] =	wrdreg s11  }
0x15: {  	s13 =	sadd.s32 $0xA800, s2;
	[dreg:$0xf] =	wrdreg s12  }
0x16: {  	s14 =	sadd.s32 $0xAC00, s2;
	[dreg:$0x10] =	wrdreg s13  }
0x17: {  	s16 =	sadd.s32 $0xB000, s2;
	[dreg:$0x11] =	wrdreg s14  }
0x18: {  	s10 =	simm.s32 $0xA;
	s18 =	sadd.s32 $0xB400, s2;
	[dreg:$0x12] =	wrdreg s16  }
0x19: {  	s9 =	simm.s32 $0x9;
	s20 =	sadd.s32 $0xB800, s2;
	[dreg:$0x13] =	wrdreg s18  }
0x1a: {  	s22 =	sadd.s32 $0xBC00, s2;
	s24 =	sadd.s32 $0xC000, s2;
	[dreg:$0x14] =	wrdreg s20  }
0x1b: {  	s2 =	sadd.s32 $0xC400, s2;
	s7 =	simm.s32 $0x7;
	[dreg:$0x15] =	wrdreg s22  }
0x1c: {  	s15 =	simm.s32 $0xF;
	s17 =	simm.s32 $0x11;
	[dreg:$0x16] =	wrdreg s24  }
0x1d: {  	s19 =	simm.s32 $0x13;
	s0 =	simm.s32 $0x0;
	[dreg:$0x17] =	wrdreg s2  }
0x1e: {  	s18 =	simm.s32 $0x80;
	s8 =	simm.s32 $0x8;
	s11 =	simm.s32 $0xB  }
0x1f: {  	s12 =	simm.s32 $0xC;
	s13 =	simm.s32 $0xD;
	s14 =	simm.s32 $0xE  }
0x20: {  	s16 =	simm.s32 $0x10;
	s2 =	simm.s32 $0x12;
	s20 =	simm.s32 $0x14  }
.LBB2_1:
0x21: {  	[dreg:$0x19] =	wrdreg s0  }
0x22: {  	s22 =	rddreg [dreg:$0xd];
	s26 =	simm.s32 $0x15  }
0x23: {  	[tilespmem:s3], [sflag:$0x15] =	stream.linear.gather [hbm4b:s22+s3], $0x1900, $0x38;
	[tilespmem:$0x15900] =	vst v63  }
0x24: {  	_ =	swait.ge [sflag:s26], $0x1900  }
0x25: {  	[sflag:s26] =	ssyncset.done $0x0  }
0x26: {  	s0 =	simm.s32 $0x1900;
	[sflag:s26] =	ssyncadd.s32 $0xFFFFE700  }
0x27: {  	[tilespmem:s0], [sflag:$0x1] =	stream.indirect.gather [hbm4b:s4+s18], $0x40, s3, s18, $0xb8;
	[tilespmem:$0x15900] =	vst v63  }
0x28: {  	s23 =	simm.s32 $0x3900  }
0x29: {  	[tilespmem:s23], [sflag:$0x2] =	stream.indirect.gather [hbm4b:s4+s18], $0x40, s18, s18, $0xb8;
	[tilespmem:$0x15900] =	vst v63  }
0x2a: {  	s28 =	simm.s32 $0x100;
	s26 =	simm.s32 $0x5900  }
0x2b: {  	[tilespmem:s26], [sflag:$0x3] =	stream.indirect.gather [hbm4b:s4+s18], $0x40, s28, s18, $0xb8;
	[tilespmem:$0x15900] =	vst v63  }
0x2c: {  	s29 =	simm.s32 $0x180;
	s28 =	simm.s32 $0x7900  }
0x2d: {  	[tilespmem:s28], [sflag:$0x4] =	stream.indirect.gather [hbm4b:s4+s18], $0x40, s29, s18, $0xb8;
	[tilespmem:$0x15900] =	vst v63  }
0x2e: {  	s30 =	simm.s32 $0x200;
	s1 =	simm.s32 $0x9900  }
0x2f: {  	[tilespmem:s1], [sflag:$0x5] =	stream.indirect.gather [hbm4b:s4+s18], $0x40, s30, s18, $0xb8;
	[tilespmem:$0x15900] =	vst v63  }
0x30: {  	s31 =	simm.s32 $0x280;
	s21 =	simm.s32 $0xB900  }
0x31: {  	[tilespmem:s21], [sflag:$0x6] =	stream.indirect.gather [hbm4b:s4+s18], $0x40, s31, s18, $0xb8;
	[tilespmem:$0x15900] =	vst v63  }
0x32: {  	s5 =	simm.s32 $0x300;
	s25 =	simm.s32 $0xD900  }
0x33: {  	[tilespmem:s25], [sflag:$0x7] =	stream.indirect.gather [hbm4b:s4+s18], $0x40, s5, s18, $0xb8;
	[tilespmem:$0x15900] =	vst v63  }
0x34: {  	s6 =	simm.s32 $0x380;
	s29 =	simm.s32 $0xF900  }
0x35: {  	[tilespmem:s29], [sflag:$0x8] =	stream.indirect.gather [hbm4b:s4+s18], $0x40, s6, s18, $0xb8;
	[tilespmem:$0x15900] =	vst v63  }
0x36: {  	s30 =	simm.s32 $0x11900;
	s5 =	simm.s32 $0x400  }
0x37: {  	[tilespmem:s30], [sflag:$0x9] =	stream.indirect.gather [hbm4b:s4+s18], $0x40, s5, s18, $0xb8;
	[tilespmem:$0x15900] =	vst v63  }
0x38: {  	s24 =	simm.s32 $0x1;
	s22 =	simm.s32 $0x480;
	s6 =	simm.s32 $0x13900  }
0x39: {  	[tilespmem:s6], [sflag:$0xA] =	stream.indirect.gather [hbm4b:s4+s18], $0x40, s22, s18, $0xb8;
	[tilespmem:$0x15900] =	vst v63  }
0x3a: {  	_ =	swait.ge [sflag:s24], $0x2000  }
0x3b: {  	[sflag:s24] =	ssyncset.done $0x0  }
0x3c: {  	s31 =	rddreg [dreg:$0xc];
	[sflag:s24] =	ssyncadd.s32 $0xFFFFE000  }
0x3d: {  	s24 =	rddreg [dreg:$0x1]  }
0x3e: {  	s22 =	sadd.s32 s24, s31  }
0x3f: {  	[hbm4b:s22+s3] =	stream.linear.scatter [tilespmem:s0], [sflag:$0xB], $0x2000, $0x38;
	[tilespmem:$0x15900] =	vst v63  }
0x40: {  	s22 =	simm.s32 $0x2  }
0x41: {  	_ =	swait.ge [sflag:s22], $0x2000  }
0x42: {  	s31 =	rddreg [dreg:$0xb];
	[sflag:s22] =	ssyncset.done $0x0  }
0x43: {  	[sflag:s22] =	ssyncadd.s32 $0xFFFFE000;
	s22 =	sadd.s32 s24, s31  }
0x44: {  	[hbm4b:s22+s3] =	stream.linear.scatter [tilespmem:s23], [sflag:$0xC], $0x2000, $0x38;
	[tilespmem:$0x15900] =	vst v63  }
0x45: {  	s22 =	simm.s32 $0x3  }
0x46: {  	_ =	swait.ge [sflag:s22], $0x2000  }
0x47: {  	s31 =	rddreg [dreg:$0xa];
	[sflag:s22] =	ssyncset.done $0x0  }
0x48: {  	[sflag:s22] =	ssyncadd.s32 $0xFFFFE000;
	s22 =	sadd.s32 s24, s31  }
0x49: {  	[hbm4b:s22+s3] =	stream.linear.scatter [tilespmem:s26], [sflag:$0xD], $0x2000, $0x38;
	[tilespmem:$0x15900] =	vst v63  }
0x4a: {  	s22 =	simm.s32 $0x4  }
0x4b: {  	_ =	swait.ge [sflag:s22], $0x2000  }
0x4c: {  	s31 =	rddreg [dreg:$0x9];
	[sflag:s22] =	ssyncset.done $0x0  }
0x4d: {  	[sflag:s22] =	ssyncadd.s32 $0xFFFFE000;
	s22 =	sadd.s32 s24, s31  }
0x4e: {  	[hbm4b:s22+s3] =	stream.linear.scatter [tilespmem:s28], [sflag:$0xE], $0x2000, $0x38;
	[tilespmem:$0x15900] =	vst v63  }
0x4f: {  	s22 =	simm.s32 $0x5  }
0x50: {  	_ =	swait.ge [sflag:s22], $0x2000  }
0x51: {  	s31 =	rddreg [dreg:$0x8];
	[sflag:s22] =	ssyncset.done $0x0  }
0x52: {  	[sflag:s22] =	ssyncadd.s32 $0xFFFFE000;
	s22 =	sadd.s32 s24, s31  }
0x53: {  	[hbm4b:s22+s3] =	stream.linear.scatter [tilespmem:s1], [sflag:$0xF], $0x2000, $0x38;
	[tilespmem:$0x15900] =	vst v63  }
0x54: {  	s22 =	simm.s32 $0x6  }
0x55: {  	_ =	swait.ge [sflag:s22], $0x2000  }
0x56: {  	s31 =	rddreg [dreg:$0x7];
	[sflag:s22] =	ssyncset.done $0x0  }
0x57: {  	[sflag:s22] =	ssyncadd.s32 $0xFFFFE000;
	s22 =	sadd.s32 s24, s31  }
0x58: {  	[hbm4b:s22+s3] =	stream.linear.scatter [tilespmem:s21], [sflag:$0x10], $0x2000, $0x38;
	[tilespmem:$0x15900] =	vst v63  }
0x59: {  	_ =	swait.ge [sflag:s7], $0x2000  }
0x5a: {  	s31 =	rddreg [dreg:$0x6];
	[sflag:s7] =	ssyncset.done $0x0  }
0x5b: {  	[sflag:s7] =	ssyncadd.s32 $0xFFFFE000;
	s22 =	sadd.s32 s24, s31  }
0x5c: {  	[hbm4b:s22+s3] =	stream.linear.scatter [tilespmem:s25], [sflag:$0x11], $0x2000, $0x38;
	[tilespmem:$0x15900] =	vst v63  }
0x5d: {  	_ =	swait.ge [sflag:s8], $0x2000  }
0x5e: {  	s5 =	rddreg [dreg:$0x5];
	[sflag:s8] =	ssyncset.done $0x0  }
0x5f: {  	[sflag:s8] =	ssyncadd.s32 $0xFFFFE000;
	s22 =	sadd.s32 s24, s5  }
0x60: {  	[hbm4b:s22+s3] =	stream.linear.scatter [tilespmem:s29], [sflag:$0x12], $0x2000, $0x38;
	[tilespmem:$0x15900] =	vst v63  }
0x61: {  	_ =	swait.ge [sflag:s9], $0x2000  }
0x62: {  	s31 =	rddreg [dreg:$0x4];
	[sflag:s9] =	ssyncset.done $0x0  }
0x63: {  	[sflag:s9] =	ssyncadd.s32 $0xFFFFE000;
	s22 =	sadd.s32 s24, s31  }
0x64: {  	[hbm4b:s22+s3] =	stream.linear.scatter [tilespmem:s30], [sflag:$0x13], $0x2000, $0x38;
	[tilespmem:$0x15900] =	vst v63  }
0x65: {  	_ =	swait.ge [sflag:s10], $0x2000  }
0x66: {  	s5 =	rddreg [dreg:$0x3];
	[sflag:s10] =	ssyncset.done $0x0  }
0x67: {  	[sflag:s10] =	ssyncadd.s32 $0xFFFFE000;
	s22 =	sadd.s32 s24, s5  }
0x68: {  	[hbm4b:s22+s3] =	stream.linear.scatter [tilespmem:s6], [sflag:$0x14], $0x2000, $0x38;
	[tilespmem:$0x15900] =	vst v63  }
0x69: {  	_ =	swait.ge [sflag:s11], $0x2000  }
0x6a: {  	[sflag:s11] =	ssyncset.done $0x0  }
0x6b: {  	s6 =	simm.s32 $0x500;
	[sflag:s11] =	ssyncadd.s32 $0xFFFFE000  }
0x6c: {  	[tilespmem:s0], [sflag:$0x1] =	stream.indirect.gather [hbm4b:s4+s18], $0x40, s6, s18, $0xb8;
	[tilespmem:$0x15900] =	vst v63  }
0x6d: {  	_ =	swait.ge [sflag:s12], $0x2000  }
0x6e: {  	[sflag:s12] =	ssyncset.done $0x0  }
0x6f: {  	s31 =	simm.s32 $0x580;
	[sflag:s12] =	ssyncadd.s32 $0xFFFFE000  }
0x70: {  	[tilespmem:s23], [sflag:$0x2] =	stream.indirect.gather [hbm4b:s4+s18], $0x40, s31, s18, $0xb8;
	[tilespmem:$0x15900] =	vst v63  }
0x71: {  	_ =	swait.ge [sflag:s13], $0x2000  }
0x72: {  	[sflag:s13] =	ssyncset.done $0x0  }
0x73: {  	s0 =	simm.s32 $0x600;
	[sflag:s13] =	ssyncadd.s32 $0xFFFFE000  }
0x74: {  	[tilespmem:s26], [sflag:$0x3] =	stream.indirect.gather [hbm4b:s4+s18], $0x40, s0, s18, $0xb8;
	[tilespmem:$0x15900] =	vst v63  }
0x75: {  	_ =	swait.ge [sflag:s14], $0x2000  }
0x76: {  	[sflag:s14] =	ssyncset.done $0x0  }
0x77: {  	s5 =	simm.s32 $0x680;
	[sflag:s14] =	ssyncadd.s32 $0xFFFFE000  }
0x78: {  	[tilespmem:s28], [sflag:$0x4] =	stream.indirect.gather [hbm4b:s4+s18], $0x40, s5, s18, $0xb8;
	[tilespmem:$0x15900] =	vst v63  }
0x79: {  	_ =	swait.ge [sflag:s15], $0x2000  }
0x7a: {  	[sflag:s15] =	ssyncset.done $0x0  }
0x7b: {  	s6 =	simm.s32 $0x700;
	[sflag:s15] =	ssyncadd.s32 $0xFFFFE000  }
0x7c: {  	[tilespmem:s1], [sflag:$0x5] =	stream.indirect.gather [hbm4b:s4+s18], $0x40, s6, s18, $0xb8;
	[tilespmem:$0x15900] =	vst v63  }
0x7d: {  	_ =	swait.ge [sflag:s16], $0x2000  }
0x7e: {  	[sflag:s16] =	ssyncset.done $0x0  }
0x7f: {  	s23 =	simm.s32 $0x780;
	[sflag:s16] =	ssyncadd.s32 $0xFFFFE000  }
0x80: {  	[tilespmem:s21], [sflag:$0x6] =	stream.indirect.gather [hbm4b:s4+s18], $0x40, s23, s18, $0xb8;
	[tilespmem:$0x15900] =	vst v63  }
0x81: {  	_ =	swait.ge [sflag:s17], $0x2000  }
0x82: {  	[sflag:s17] =	ssyncset.done $0x0  }
0x83: {  	s26 =	simm.s32 $0x800;
	[sflag:s17] =	ssyncadd.s32 $0xFFFFE000  }
0x84: {  	[tilespmem:s25], [sflag:$0x7] =	stream.indirect.gather [hbm4b:s4+s18], $0x40, s26, s18, $0xb8;
	[tilespmem:$0x15900] =	vst v63  }
0x85: {  	_ =	swait.ge [sflag:s2], $0x2000  }
0x86: {  	[sflag:s2] =	ssyncset.done $0x0  }
0x87: {  	s28 =	simm.s32 $0x880;
	[sflag:s2] =	ssyncadd.s32 $0xFFFFE000  }
0x88: {  	[tilespmem:s29], [sflag:$0x8] =	stream.indirect.gather [hbm4b:s4+s18], $0x40, s28, s18, $0xb8;
	[tilespmem:$0x15900] =	vst v63  }
0x89: {  	_ =	swait.ge [sflag:s19], $0x2000  }
0x8a: {  	[sflag:s19] =	ssyncset.done $0x0  }
0x8b: {  	s31 =	simm.s32 $0x900;
	[sflag:s19] =	ssyncadd.s32 $0xFFFFE000  }
0x8c: {  	[tilespmem:s30], [sflag:$0x9] =	stream.indirect.gather [hbm4b:s4+s18], $0x40, s31, s18, $0xb8;
	[tilespmem:$0x15900] =	vst v63  }
0x8d: {  	_ =	swait.ge [sflag:s20], $0x2000  }
0x8e: {  	s24 =	sadd.s32 $0x2800, s24;
	[sflag:s20] =	ssyncset.done $0x0  }
0x8f: {  	s22 =	simm.s32 $0x1400;
	s26 =	simm.s32 $0x980;
	[sflag:s20] =	ssyncadd.s32 $0xFFFFE000  }
.LBB2_2:
0x90: {  	s0 =	simm.s32 $0x13900;
	s1 =	simm.s32 $0x1  }
0x91: {  	[tilespmem:s0], [sflag:$0xA] =	stream.indirect.gather [hbm4b:s4+s18], $0x40, s26, s18, $0xb8;
	[tilespmem:$0x15900] =	vst v63  }
0x92: {  	_ =	swait.ge [sflag:s1], $0x2000  }
0x93: {  	s31 =	simm.s32 $0x1900;
	s29 =	rddreg [dreg:$0xc];
	[sflag:s1] =	ssyncset.done $0x0  }
0x94: {  	s23 =	simm.s32 $0x2;
	[sflag:s1] =	ssyncadd.s32 $0xFFFFE000;
	s29 =	sadd.s32 s24, s29  }
0x95: {  	[hbm4b:s29+s3] =	stream.linear.scatter [tilespmem:s31], [sflag:$0xB], $0x2000, $0x38;
	[tilespmem:$0x15900] =	vst v63  }
0x96: {  	_ =	swait.ge [sflag:s23], $0x2000  }
0x97: {  	s5 =	simm.s32 $0x3;
	s25 =	rddreg [dreg:$0xb];
	[sflag:s23] =	ssyncset.done $0x0  }
0x98: {  	[sflag:s23] =	ssyncadd.s32 $0xFFFFE000;
	s29 =	sadd.s32 s24, s25;
	s23 =	simm.s32 $0x3900  }
0x99: {  	[hbm4b:s29+s3] =	stream.linear.scatter [tilespmem:s23], [sflag:$0xC], $0x2000, $0x38;
	[tilespmem:$0x15900] =	vst v63  }
0x9a: {  	_ =	swait.ge [sflag:s5], $0x2000  }
0x9b: {  	s28 =	simm.s32 $0x5900;
	s6 =	rddreg [dreg:$0xa];
	[sflag:s5] =	ssyncset.done $0x0  }
0x9c: {  	s21 =	simm.s32 $0x4;
	[sflag:s5] =	ssyncadd.s32 $0xFFFFE000;
	s29 =	sadd.s32 s24, s6  }
0x9d: {  	[hbm4b:s29+s3] =	stream.linear.scatter [tilespmem:s28], [sflag:$0xD], $0x2000, $0x38;
	[tilespmem:$0x15900] =	vst v63  }
0x9e: {  	_ =	swait.ge [sflag:s21], $0x2000  }
0x9f: {  	s30 =	simm.s32 $0x7900;
	s25 =	rddreg [dreg:$0x9];
	[sflag:s21] =	ssyncset.done $0x0  }
0xa0: {  	s5 =	simm.s32 $0x5;
	[sflag:s21] =	ssyncadd.s32 $0xFFFFE000;
	s29 =	sadd.s32 s24, s25  }
0xa1: {  	[hbm4b:s29+s3] =	stream.linear.scatter [tilespmem:s30], [sflag:$0xE], $0x2000, $0x38;
	[tilespmem:$0x15900] =	vst v63  }
0xa2: {  	_ =	swait.ge [sflag:s5], $0x2000  }
0xa3: {  	s1 =	simm.s32 $0x9900;
	s6 =	rddreg [dreg:$0x8];
	[sflag:s5] =	ssyncset.done $0x0  }
0xa4: {  	[sflag:s5] =	ssyncadd.s32 $0xFFFFE000;
	s29 =	sadd.s32 s24, s6;
	s5 =	simm.s32 $0x6  }
0xa5: {  	[hbm4b:s29+s3] =	stream.linear.scatter [tilespmem:s1], [sflag:$0xF], $0x2000, $0x38;
	[tilespmem:$0x15900] =	vst v63  }
0xa6: {  	_ =	swait.ge [sflag:s5], $0x2000  }
0xa7: {  	s21 =	rddreg [dreg:$0x7];
	[sflag:s5] =	ssyncset.done $0x0  }
0xa8: {  	[sflag:s5] =	ssyncadd.s32 $0xFFFFE000;
	s29 =	sadd.s32 s24, s21;
	s21 =	simm.s32 $0xB900  }
0xa9: {  	[hbm4b:s29+s3] =	stream.linear.scatter [tilespmem:s21], [sflag:$0x10], $0x2000, $0x38;
	[tilespmem:$0x15900] =	vst v63  }
0xaa: {  	_ =	swait.ge [sflag:s7], $0x2000  }
0xab: {  	s25 =	rddreg [dreg:$0x6];
	[sflag:s7] =	ssyncset.done $0x0  }
0xac: {  	[sflag:s7] =	ssyncadd.s32 $0xFFFFE000;
	s29 =	sadd.s32 s24, s25;
	s25 =	simm.s32 $0xD900  }
0xad: {  	[hbm4b:s29+s3] =	stream.linear.scatter [tilespmem:s25], [sflag:$0x11], $0x2000, $0x38;
	[tilespmem:$0x15900] =	vst v63  }
0xae: {  	_ =	swait.ge [sflag:s8], $0x2000  }
0xaf: {  	s5 =	rddreg [dreg:$0x5];
	[sflag:s8] =	ssyncset.done $0x0  }
0xb0: {  	[sflag:s8] =	ssyncadd.s32 $0xFFFFE000;
	s29 =	sadd.s32 s24, s5;
	s5 =	simm.s32 $0xF900  }
0xb1: {  	[hbm4b:s29+s3] =	stream.linear.scatter [tilespmem:s5], [sflag:$0x12], $0x2000, $0x38;
	[tilespmem:$0x15900] =	vst v63  }
0xb2: {  	_ =	swait.ge [sflag:s9], $0x2000  }
0xb3: {  	s6 =	rddreg [dreg:$0x4];
	[sflag:s9] =	ssyncset.done $0x0  }
0xb4: {  	[sflag:s9] =	ssyncadd.s32 $0xFFFFE000;
	s29 =	sadd.s32 s24, s6;
	s6 =	simm.s32 $0x11900  }
0xb5: {  	[hbm4b:s29+s3] =	stream.linear.scatter [tilespmem:s6], [sflag:$0x13], $0x2000, $0x38;
	[tilespmem:$0x15900] =	vst v63  }
0xb6: {  	_ =	swait.ge [sflag:s10], $0x2000  }
0xb7: {  	s29 =	rddreg [dreg:$0x3];
	[sflag:s10] =	ssyncset.done $0x0  }
0xb8: {  	[sflag:s10] =	ssyncadd.s32 $0xFFFFE000;
	s29 =	sadd.s32 s24, s29  }
0xb9: {  	[hbm4b:s29+s3] =	stream.linear.scatter [tilespmem:s0], [sflag:$0x14], $0x2000, $0x38;
	[tilespmem:$0x15900] =	vst v63  }
0xba: {  	s26 =	smov.u32 s22;
	_ =	swait.ge [sflag:s11], $0x2000  }
0xbb: {  	s26 =	sshra.s32 s26, $0x2;
	[sflag:s11] =	ssyncset.done $0x0  }
0xbc: {  	s29 =	sadd.s32 $0x500, s26;
	[sflag:s11] =	ssyncadd.s32 $0xFFFFE000  }
0xbd: {  	[tilespmem:s31], [sflag:$0x1] =	stream.indirect.gather [hbm4b:s4+s18], $0x40, s29, s18, $0xb8;
	[tilespmem:$0x15900] =	vst v63  }
0xbe: {  	_ =	swait.ge [sflag:s12], $0x2000  }
0xbf: {  	[sflag:s12] =	ssyncset.done $0x0  }
0xc0: {  	s29 =	sadd.s32 $0x580, s26;
	[sflag:s12] =	ssyncadd.s32 $0xFFFFE000  }
0xc1: {  	[tilespmem:s23], [sflag:$0x2] =	stream.indirect.gather [hbm4b:s4+s18], $0x40, s29, s18, $0xb8;
	[tilespmem:$0x15900] =	vst v63  }
0xc2: {  	_ =	swait.ge [sflag:s13], $0x2000  }
0xc3: {  	[sflag:s13] =	ssyncset.done $0x0  }
0xc4: {  	s29 =	sadd.s32 $0x600, s26;
	[sflag:s13] =	ssyncadd.s32 $0xFFFFE000  }
0xc5: {  	[tilespmem:s28], [sflag:$0x3] =	stream.indirect.gather [hbm4b:s4+s18], $0x40, s29, s18, $0xb8;
	[tilespmem:$0x15900] =	vst v63  }
0xc6: {  	_ =	swait.ge [sflag:s14], $0x2000  }
0xc7: {  	[sflag:s14] =	ssyncset.done $0x0  }
0xc8: {  	s29 =	sadd.s32 $0x680, s26;
	[sflag:s14] =	ssyncadd.s32 $0xFFFFE000  }
0xc9: {  	[tilespmem:s30], [sflag:$0x4] =	stream.indirect.gather [hbm4b:s4+s18], $0x40, s29, s18, $0xb8;
	[tilespmem:$0x15900] =	vst v63  }
0xca: {  	_ =	swait.ge [sflag:s15], $0x2000  }
0xcb: {  	[sflag:s15] =	ssyncset.done $0x0  }
0xcc: {  	s29 =	sadd.s32 $0x700, s26;
	[sflag:s15] =	ssyncadd.s32 $0xFFFFE000  }
0xcd: {  	[tilespmem:s1], [sflag:$0x5] =	stream.indirect.gather [hbm4b:s4+s18], $0x40, s29, s18, $0xb8;
	[tilespmem:$0x15900] =	vst v63  }
0xce: {  	_ =	swait.ge [sflag:s16], $0x2000  }
0xcf: {  	[sflag:s16] =	ssyncset.done $0x0  }
0xd0: {  	s29 =	sadd.s32 $0x780, s26;
	[sflag:s16] =	ssyncadd.s32 $0xFFFFE000  }
0xd1: {  	[tilespmem:s21], [sflag:$0x6] =	stream.indirect.gather [hbm4b:s4+s18], $0x40, s29, s18, $0xb8;
	[tilespmem:$0x15900] =	vst v63  }
0xd2: {  	_ =	swait.ge [sflag:s17], $0x2000  }
0xd3: {  	[sflag:s17] =	ssyncset.done $0x0  }
0xd4: {  	s29 =	sadd.s32 $0x800, s26;
	[sflag:s17] =	ssyncadd.s32 $0xFFFFE000  }
0xd5: {  	[tilespmem:s25], [sflag:$0x7] =	stream.indirect.gather [hbm4b:s4+s18], $0x40, s29, s18, $0xb8;
	[tilespmem:$0x15900] =	vst v63  }
0xd6: {  	_ =	swait.ge [sflag:s2], $0x2000  }
0xd7: {  	p0 =	sne.s32 s22, $0x3C00;
	s22 =	sadd.s32 $0x1400, s22;
	[sflag:s2] =	ssyncset.done $0x0  }
0xd8: {  	s24 =	sadd.s32 $0x2800, s24;
	s29 =	sadd.s32 $0x880, s26;
	[sflag:s2] =	ssyncadd.s32 $0xFFFFE000  }
0xd9: {  	[tilespmem:s5], [sflag:$0x8] =	stream.indirect.gather [hbm4b:s4+s18], $0x40, s29, s18, $0xb8;
	[tilespmem:$0x15900] =	vst v63  }
0xda: {  	s0 =	simm.s32 $0x1900;
	s31 =	simm.s32 $0x3900;
	_ =	swait.ge [sflag:s19], $0x2000  }
0xdb: {  	s23 =	simm.s32 $0x5900;
	s28 =	simm.s32 $0x7900;
	[sflag:s19] =	ssyncset.done $0x0  }
.Ltmp0:
0xdc: {  	s29 =	sadd.s32 $0x900, s26;
	[sflag:s19] =	ssyncadd.s32 $0xFFFFE000;
	(pc) =	sbr.rel @p0 .LBB2_2-.Ltmp0, $4  }
0xdd: {  	[tilespmem:s6], [sflag:$0x9] =	stream.indirect.gather [hbm4b:s4+s18], $0x40, s29, s18, $0xb8;
	[tilespmem:$0x15900] =	vst v63  }
0xde: {  	s30 =	simm.s32 $0x9900;
	s1 =	simm.s32 $0xB900;
	_ =	swait.ge [sflag:s20], $0x2000  }
0xdf: {  	s21 =	simm.s32 $0xD900;
	s25 =	simm.s32 $0xF900;
	[sflag:s20] =	ssyncset.done $0x0  }
0xe0: {  	s5 =	simm.s32 $0x11900;
	s26 =	sadd.s32 $0x980, s26;
	[sflag:s20] =	ssyncadd.s32 $0xFFFFE000  }
0xe1: {  	s6 =	simm.s32 $0x13900;
	s22 =	simm.s32 $0x1  }
0xe2: {  	[tilespmem:s6], [sflag:$0xA] =	stream.indirect.gather [hbm4b:s4+s18], $0x40, s26, s18, $0xb8;
	[tilespmem:$0x15900] =	vst v63  }
0xe3: {  	_ =	swait.ge [sflag:s22], $0x2000  }
0xe4: {  	[sflag:s22] =	ssyncset.done $0x0  }
0xe5: {  	s29 =	simm.s32 $0x2;
	s26 =	rddreg [dreg:$0xe];
	[sflag:s22] =	ssyncadd.s32 $0xFFFFE000  }
0xe6: {  	[hbm4b:s26+s3] =	stream.linear.scatter [tilespmem:s0], [sflag:$0xB], $0x2000, $0x38;
	[tilespmem:$0x15900] =	vst v63  }
0xe7: {  	_ =	swait.ge [sflag:s29], $0x2000  }
0xe8: {  	[sflag:s29] =	ssyncset.done $0x0  }
0xe9: {  	s22 =	simm.s32 $0x3;
	s0 =	rddreg [dreg:$0xf];
	[sflag:s29] =	ssyncadd.s32 $0xFFFFE000  }
0xea: {  	[hbm4b:s0+s3] =	stream.linear.scatter [tilespmem:s31], [sflag:$0xC], $0x2000, $0x38;
	[tilespmem:$0x15900] =	vst v63  }
0xeb: {  	_ =	swait.ge [sflag:s22], $0x2000  }
0xec: {  	[sflag:s22] =	ssyncset.done $0x0  }
0xed: {  	s26 =	simm.s32 $0x4;
	s24 =	rddreg [dreg:$0x10];
	[sflag:s22] =	ssyncadd.s32 $0xFFFFE000  }
0xee: {  	[hbm4b:s24+s3] =	stream.linear.scatter [tilespmem:s23], [sflag:$0xD], $0x2000, $0x38;
	[tilespmem:$0x15900] =	vst v63  }
0xef: {  	_ =	swait.ge [sflag:s26], $0x2000  }
0xf0: {  	[sflag:s26] =	ssyncset.done $0x0  }
0xf1: {  	s31 =	simm.s32 $0x5;
	s29 =	rddreg [dreg:$0x11];
	[sflag:s26] =	ssyncadd.s32 $0xFFFFE000  }
0xf2: {  	[hbm4b:s29+s3] =	stream.linear.scatter [tilespmem:s28], [sflag:$0xE], $0x2000, $0x38;
	[tilespmem:$0x15900] =	vst v63  }
0xf3: {  	_ =	swait.ge [sflag:s31], $0x2000  }
0xf4: {  	[sflag:s31] =	ssyncset.done $0x0  }
0xf5: {  	s22 =	simm.s32 $0x6;
	s0 =	rddreg [dreg:$0x12];
	[sflag:s31] =	ssyncadd.s32 $0xFFFFE000  }
0xf6: {  	[hbm4b:s0+s3] =	stream.linear.scatter [tilespmem:s30], [sflag:$0xF], $0x2000, $0x38;
	[tilespmem:$0x15900] =	vst v63  }
0xf7: {  	_ =	swait.ge [sflag:s22], $0x2000  }
0xf8: {  	[sflag:s22] =	ssyncset.done $0x0  }
0xf9: {  	s23 =	rddreg [dreg:$0x13];
	[sflag:s22] =	ssyncadd.s32 $0xFFFFE000  }
0xfa: {  	[hbm4b:s23+s3] =	stream.linear.scatter [tilespmem:s1], [sflag:$0x10], $0x2000, $0x38;
	[tilespmem:$0x15900] =	vst v63  }
0xfb: {  	_ =	swait.ge [sflag:s7], $0x2000  }
0xfc: {  	[sflag:s7] =	ssyncset.done $0x0  }
0xfd: {  	s24 =	rddreg [dreg:$0x14];
	[sflag:s7] =	ssyncadd.s32 $0xFFFFE000  }
0xfe: {  	[hbm4b:s24+s3] =	stream.linear.scatter [tilespmem:s21], [sflag:$0x11], $0x2000, $0x38;
	[tilespmem:$0x15900] =	vst v63  }
0xff: {  	_ =	swait.ge [sflag:s8], $0x2000  }
0x100: {  	[sflag:s8] =	ssyncset.done $0x0  }
0x101: {  	s26 =	rddreg [dreg:$0x15];
	[sflag:s8] =	ssyncadd.s32 $0xFFFFE000  }
0x102: {  	[hbm4b:s26+s3] =	stream.linear.scatter [tilespmem:s25], [sflag:$0x12], $0x2000, $0x38;
	[tilespmem:$0x15900] =	vst v63  }
0x103: {  	_ =	swait.ge [sflag:s9], $0x2000  }
0x104: {  	[sflag:s9] =	ssyncset.done $0x0  }
0x105: {  	s28 =	rddreg [dreg:$0x16];
	[sflag:s9] =	ssyncadd.s32 $0xFFFFE000  }
0x106: {  	[hbm4b:s28+s3] =	stream.linear.scatter [tilespmem:s5], [sflag:$0x13], $0x2000, $0x38;
	[tilespmem:$0x15900] =	vst v63  }
0x107: {  	_ =	swait.ge [sflag:s10], $0x2000  }
0x108: {  	[sflag:s10] =	ssyncset.done $0x0  }
0x109: {  	s29 =	rddreg [dreg:$0x17];
	[sflag:s10] =	ssyncadd.s32 $0xFFFFE000  }
0x10a: {  	[hbm4b:s29+s3] =	stream.linear.scatter [tilespmem:s6], [sflag:$0x14], $0x2000, $0x38;
	[tilespmem:$0x15900] =	vst v63  }
0x10b: {  	_ =	swait.ge [sflag:s11], $0x2000  }
0x10c: {  	[sflag:s11] =	ssyncset.done $0x0  }
0x10d: {  	[sflag:s11] =	ssyncadd.s32 $0xFFFFE000  }
0x10e: {  	_ =	swait.ge [sflag:s12], $0x2000  }
0x10f: {  	[sflag:s12] =	ssyncset.done $0x0  }
0x110: {  	[sflag:s12] =	ssyncadd.s32 $0xFFFFE000  }
0x111: {  	_ =	swait.ge [sflag:s13], $0x2000  }
0x112: {  	[sflag:s13] =	ssyncset.done $0x0  }
0x113: {  	[sflag:s13] =	ssyncadd.s32 $0xFFFFE000  }
0x114: {  	_ =	swait.ge [sflag:s14], $0x2000  }
0x115: {  	[sflag:s14] =	ssyncset.done $0x0  }
0x116: {  	[sflag:s14] =	ssyncadd.s32 $0xFFFFE000  }
0x117: {  	_ =	swait.ge [sflag:s15], $0x2000  }
0x118: {  	[sflag:s15] =	ssyncset.done $0x0  }
0x119: {  	[sflag:s15] =	ssyncadd.s32 $0xFFFFE000  }
0x11a: {  	_ =	swait.ge [sflag:s16], $0x2000  }
0x11b: {  	[sflag:s16] =	ssyncset.done $0x0  }
0x11c: {  	[sflag:s16] =	ssyncadd.s32 $0xFFFFE000  }
0x11d: {  	_ =	swait.ge [sflag:s17], $0x2000  }
0x11e: {  	[sflag:s17] =	ssyncset.done $0x0  }
0x11f: {  	[sflag:s17] =	ssyncadd.s32 $0xFFFFE000  }
0x120: {  	_ =	swait.ge [sflag:s2], $0x2000  }
0x121: {  	[sflag:s2] =	ssyncset.done $0x0  }
0x122: {  	[sflag:s2] =	ssyncadd.s32 $0xFFFFE000  }
0x123: {  	_ =	swait.ge [sflag:s19], $0x2000  }
0x124: {  	[sflag:s19] =	ssyncset.done $0x0  }
0x125: {  	[sflag:s19] =	ssyncadd.s32 $0xFFFFE000  }
0x126: {  	_ =	swait.ge [sflag:s20], $0x2000  }
0x127: {  	s30 =	rddreg [dreg:$0x19]  }
0x128: {  	s31 =	rddreg [dreg:$0x18];
	s0 =	sadd.s32 $0x1, s30  }
0x129: {  	p0 =	sne.s32 s0, s31  }
.Ltmp1:
0x12a: {  	_ = 	snop;
	(pc) =	sbr.rel @p0 .LBB2_1-.Ltmp1, $3  }
0x12b: {  	_ =	sdelay $0x1  }
0x12c: {  	[sflag:s20] =	ssyncset.done $0x0  }
0x12d: {  	[sflag:s20] =	ssyncadd.s32 $0xFFFFE000  }
0x12e: {  	_ =	sfence.sel $0x180000  }
0x12f: {  	[bflag:$0x0] =	sbarrier.arrive $0xFFFF  }
0x130: {  	_ =	strace $0x90000047  }
0x131: {  	s0 =	stileid.u32;
	[bflag:$0x2] =	sbarrier.arrive $0xFFFF  }
0x132: {  	p0 =	sne.s32 s0, $0x0;
	s0 =	rddreg [dreg:$0x2]  }
0x133: {  	s0 =	sadd.s32 @!p0 $0x100000, s0  }
0x134: {  	[sflag:s0] =	ssyncadd.tile.s32 @!p0 $0x1;
	_ =	shalt  }
.Lfunc_end2:
_tile_overlayer_lowered:
.L_overlay_start_2:
0x135: {  	(tag) =	ssettag $0x2  }
0x136: {  	s0 =	rddreg [dreg:$0x0];
	s2 =	stileid.u32  }
0x137: {  	s1 =	rddreg [dreg:$0x1];
	p0 =	sne.s32 s2, $0x0  }
0x138: {  	s3 =	rddreg [dreg:$0x2];
	[bflag:$0x3] =	sbarrier.arrive $0xFFFF;
	s2 =	simm.s32 @!p0 $0x1C15  }
0x139: {  	[timem:s3], [sflag:s2] =	dma.local @!p0 [hbm:s0], s1  }
0x13a: {  	s0 =	simm.s32 @!p0 $0x15  }
0x13b: {  	_ =	swait.ge @!p0 [sflag:s0], s1  }
0x13c: {  	s1 =	ssub.s32 @!p0 $0x0, s1;
	[sflag:s0] =	ssyncset.done @!p0 $0x0  }
0x13d: {  	[sflag:s0] =	ssyncadd.s32 @!p0 s1  }
0x13e: {  	[bflag:$0x3] =	sbarrier.arrive $0xFFFF  }
0x13f: {  	_ =	shalt  }

// kernel: sparse-core-data-format-call.cloned.1.call-start
scs
called_computation_lowered:
.L_overlay_start_0:
0x0: {  	s2 =	sld [smem:$0x3FD9]  }
0x1: {  	s3 =	sld [smem:$0x3FFE];
	_ =	sdelay $0x1  }
0x2: {  	s1 =	srdreg.scid  }
0x3: {  	s0 =	sand.u32 $0x1, s1  }
0x4: {  	s18 =	sshll.u32 s0, $0xA;
	s2 =	sadd.s32 s3, s2  }
0x5: {  	s2 =	sadd.s32 s2, s18  }
0x6: {  	[smem:$0x3FC6] =	sst s2  }
0x7: {  	_ = 	snop  }
0x8: {  	s2 =	sld [smem:$0x3FD0];
	(tm) =	ssettm $0x1  }
0x9: {  	s19 =	sld [smem:$0x3FFB];
	_ =	sdelay $0x3  }
0xa: {  	_ =	strace s19  }
0xb: {  	s3 =	sld [smem:$0x3FFC];
	_ =	sdelay $0x3  }
0xc: {  	_ =	strace s3  }
0xd: {  	s3 =	sld [smem:$0x3FFD];
	_ =	sdelay $0x3  }
0xe: {  	_ =	strace s3  }
0xf: {  	_ =	strace $0x8FFFFFFF  }
0x10: {  	s20 =	sld [smem:$0x3FDB];
	_ =	sdelay $0x1  }
0x11: {  	s4 =	simm.s32 $_scs_section_size  }
0x12: {  	s5 =	simm.s32 $_size__tile_overlayer_lowered;
	s6 =	simm.s32 $_tile_overlayer_lowered  }
0x13: {  	s23 =	simm.s32 $0x1BFF;
	s22 =	sshll.u32 s6, $0x1;
	s3 =	sadd.s32 s4, s20  }
0x14: {  	s7 =	simm.s32 $0x0;
	s21 =	sshll.u32 s5, $0x1;
	s5 =	sadd.s32 s22, s3  }
0x15: {  	[timem:s7], [sflag:s23] =	dma.local [hbm:s5], s21  }
0x16: {  	_ =	swait.ge [sflag:s23], s21  }
0x17: {  	s4 =	ssub.s32 $0x0, s21;
	[sflag:s23] =	ssyncset.done $0x0  }
0x18: {  	[sflag:s23] =	ssyncadd.s32 s4;
	_ =	sdelay $0x1  }
0x19: {  	s24 =	simm.s32 $0x1B8B  }
0x1a: {  	_ =	swait.ge [sflag:s24], $0x1  }
0x1b: {  	[sflag:s24] =	ssyncset.done $0x0  }
0x1c: {  	s26 =	simm.s32 $0x1B8E;
	s25 =	sld [smem:$0x3FFE];
	[sflag:s24] =	ssyncadd.s32 $0xFFFFFFFF  }
0x1d: {  	s27 =	simm.s32 $execute0_lowered;
	[smem:$0x3FD2] =	sst s26  }
0x1e: {  	s5 =	sshll.u32 s27, $0x1;
	_ =	strace $0x80000049;
	[dreg:$0x1] =	wrdreg $0xFFFFFFFF  }
0x1f: {  	s28 =	simm.s32 $_size_execute0_lowered;
	s3 =	sadd.s32 s3, s5;
	[dreg:$0x0] =	wrdreg $0x0  }
0x20: {  	s5 =	sshll.u32 s28, $0x1;
	[dreg:$0x2] =	wrdreg s3  }
0x21: {  	[dreg:$0x3] =	wrdreg s5  }
0x22: {  	[dreg:$0x4] =	wrdreg $0xC0  }
0x23: {  	_ =	task [dreg:s7], $0x5FFFF  }
0x24: {  	[dreg:$0x1] =	wrdreg $0xFFFFFFFF  }
0x25: {  	[dreg:$0x0] =	wrdreg $0x60  }
0x26: {  	[dreg:$0x2] =	wrdreg s25  }
0x27: {  	[dreg:$0x3] =	wrdreg s2  }
0x28: {  	[dreg:$0x4] =	wrdreg $0x9  }
0x29: {  	_ =	task.clear_ibuf [dreg:s7], $0x5FFFF;
	_ =	strace $0x90000049  }
0x2a: {  	s29 =	simm.s32 $0x9;
	_ =	strace $0x8000004B  }
0x2b: {  	_ =	swait.ge [sflag:s29], $0x1  }
0x2c: {  	[sflag:s29] =	ssyncadd.s32 $0xFFFFFFFF  }
0x2d: {  	_ =	strace $0x9000004B  }
0x2e: {  	_ =	sfence  }
0x2f: {  	s30 =	sld [smem:$0x0];
	_ =	sdelay $0x2  }
0x30: {  	s31 =	sshll.u32 s1, $0xD;
	s1 =	sshrl.u32 s1, $0x2  }
0x31: {  	s3 =	sand.u32 $0x4000, s31;
	s1 =	sadd.s32 s1, s30  }
0x32: {  	s0 =	sor.u32 s3, s0;
	s1 =	sshll.u32 s1, $0x11  }
0x33: {  	s0 =	sor.u32 s1, s0  }
0x34: {  	s0 =	sadd.s32 $0x8F2B, s0  }
0x35: {  	[sflag:s0] =	ssyncadd.remote.s32 $0x1  }
0x36: {  	_ =	sfence.sel $0xFFFF  }
0x37: {  	[dreg:$0x0] =	wrdreg $0xFFFFFFFF;
	(pc) =	sbr.abs _section_cstart, $3  }
0x38: {  	[dreg:$0x1] =	wrdreg $0xFFFFFFFF  }
0x39: {  	_ =	task.clear_ibuf [dreg:s7], $0x2FFFF;
	_ =	strace $0x9FFFFFFF  }
0x3a: {  	(tm) =	ssettm $0x7FFFFFFF  }
0x3b: {  	_ =	shalt  }
tec
execute0_lowered:
.L_overlay_start_1:
0x0: {  	(tag) =	ssettag $0x1  }
0x1: {  	s0 =	stileid.u32;
	s6 =	rddreg [dreg:$0x0]  }
0x2: {  	s2 =	rddreg [dreg:$0x1];
	s5 =	srdreg.scid  }
0x3: {  	s31 =	simm.s32 $0x2;
	s13 =	simm.s32 $0x0;
	s1 =	sshll.u32 s0, $0x7  }
0x4: {  	s14 =	simm.s32 $0x0;
	s12 =	simm.s32 $0x0;
	s3 =	sand.u32 $0x380, s1  }
0x5: {  	s5 =	sshll.u32 s5, $0x4;
	s6 =	sadd.s32 $0x800, s6;
	s4 =	ssub.s32 $0x400, s3  }
0x6: {  	s1 =	rddreg [dreg:$0x2];
	_ =	strace $0x8000004A;
	s7 =	sand.u32 $0x380, s4  }
0x7: {  	s5 =	sand.u32 $0x10, s5;
	p0 =	sne.s32 s7, $0x0;
	s7 =	simm.s32 $0x1  }
.Ltmp0:
0x8: {  	s8 =	sshrl.u32 s4, $0xA;
	s7 =	simm.s32 @!p0 $0x0;
	(pc) =	sbr.rel .LBB1_1-.Ltmp0, $4  }
0x9: {  	s9 =	sor.u32 s0, s5;
	s4 =	simm.s32 $0x1;
	s30 =	sadd.s32 s7, s8  }
0xa: {  	s11 =	smov.u32 s3;
	[sflag:s4] =	ssyncpa.u1 $0x0;
	s5 =	smul.u32 $0x32, s30  }
0xb: {  	[sflag:s31] =	ssyncpa.u1 $0x0;
	p0 =	por $0x0, $0x0;
	s7 =	sshrl.u32 s9, $0x3  }
0xc: {  	s9 =	simm.s32 $0x2000;
	s10 =	smov.u32 s7;
	s8 =	sor.u32 $0x1, s5  }
.LBB1_4:
0xd: {  	s17 =	sand.u32 $0x1F80, s14;
	s13 =	sshll.u32 s13, $0xD  }
0xe: {  	[tilespmem:s16+$0x810 ss:$0x81] =	vst.msk $0xffff, v2;
	s18 =	sshrl.u32 s14, $0x3;
	s31 =	sand.u32 $0x7, s14;
	s17 =	sadd.s32 s2, s17  }
0xf: {  	[tilespmem:s16+$0x1020 ss:$0x81] =	vst.msk $0xffff, v0;
	s18 =	sand.u32 $0xF, s18;
	s14 =	sshll.u32 s31, $0x12;
	s13 =	sadd.s32 s13, s17  }
0x10: {  	[tilespmem:s16+$0x0 ss:$0x81] =	vst.msk $0xffff, v1;
	s14 =	sor.u32 $0x400, s14;
	s13 =	sadd.s32 s18, s13  }
0x11: {  	[hbm4b:s13+s14] =	stream.strided.scatter [tilespmem:s15], [sflag:$0x2], $0x2000, s9, s14, $0x20;
	[tilespmem:$0x8080] =	vst v63  }
.LBB1_5:
0x12: {  	s15 =	sadd.s32 $0x4, s10  }
0x13: {  	s13 =	sadd.s32 $0x400, s11;
	s17 =	smov.u32 s11;
	p2 =	sgt.s32 s15, $0xC7  }
0x14: {  	s17 =	smov.u32 @p2 s13  }
0x15: {  	s15 =	smov.u32 @p2 s7;
	p2 =	sgt.s32 s17, $0x3FF  }
0x16: {  	s17 =	smov.u32 @p2 s3;
	p2 =	sne.s32 s12, s8  }
.Ltmp1:
0x17: {  	p1 =	slt.u32 s12, $0x2;
	(pc) =	sbr.rel @!p2 .LBB1_6-.Ltmp1, $4  }
0x18: {  	s16 =	simm.s32 @!p1 $0x2  }
0x19: {  	s14 =	smov.u32 s11;
	p0 =	por !p0, !p0;
	_ =	swait.ge @!p1 [sflag:s16], $0x2000  }
0x1a: {  	s13 =	smov.u32 s10;
	[sflag:s16] =	ssyncset.done @!p1 $0x0;
	s10 =	smov.u32 s15  }
0x1b: {  	s12 =	sadd.s32 $0x1, s12;
	[sflag:s16] =	ssyncadd.s32 @!p1 $0xFFFFE000;
	s11 =	smov.u32 s17  }
.LBB1_1:
0x1c: {  	p1 =	sge.u32 s12, s5  }
0x1d: {  	s15 =	sand.u32 @!p1 $0x1FFFFFF, s10  }
0x1e: {  	s16 =	smulhi.u32 @!p1 $0x147AE15, s15;
	_ =	sdelay $0x1  }
0x1f: {  	s16 =	smul.u32 @!p1 $0xC8, s16  }
0x20: {  	s17 =	sxor.u32 @!p1 $0xFFFFFFFF, s12;
	s18 =	smul.u32 @!p1 $0xC80, s11  }
0x21: {  	s31 =	sadd.s32 $0xFFFFFFFF, s12;
	s17 =	sshll.u32 @!p1 s17, $0xD;
	s15 =	ssub.s32 @!p1 s15, s16  }
0x22: {  	s16 =	sand.u32 @!p1 $0x2000, s17;
	s17 =	sadd.s32 @!p1 s6, s18;
	s15 =	sshll.u32 @!p1 s15, $0x4  }
0x23: {  	s18 =	simm.s32 @!p1 $0x6400;
	s15 =	sadd.s32 @!p1 s15, s17;
	s17 =	simm.s32 @!p1 $0x40  }
0x24: {  	[tilespmem:s16], [sflag:$0x1] =	stream.strided.gather @!p1 [hbm4b:s15+s17], $0x2000, s18, s17, $0x38;
	[tilespmem:$0x8080] =	vst v63  }
0x25: {  	p1 =	sge.u32 s31, s5  }
.Ltmp2:
0x26: {  	_ = 	snop;
	(pc) =	sbr.rel @p1 .LBB1_5-.Ltmp2, $1  }
0x27: {  	_ =	sdelay $0x3  }
0x28: {  	s15 =	simm.s32 $0x1  }
0x29: {  	_ =	swait.ge [sflag:s4], $0x2000;
	s15 =	simm.s32 @!p0 $0x0  }
0x2a: {  	[sflag:s4] =	ssyncset.done $0x0;
	s16 =	sshll.u32 s15, $0xD  }
0x2b: {  	[sflag:s4] =	ssyncadd.s32 $0xFFFFE000;
	s19 =	sor.u32 $0x20, s16  }
0x2c: {  	s15 =	smul.u32 $0x8100, s15;
	v3 =	vld [tilespmem:s19+$0x10]  }
0x2d: {  	s30 =	sand.u32 $0x1, s12;
	v2 =	vld [tilespmem:s19+$0xFFFFFFF0]  }
0x2e: {  	s16 =	smul.u32 $0x8100, s30;
	s15 =	sshrl.u32 s15, $0x2;
	v0 =	vld [tilespmem:s19+$0x0]  }
0x2f: {  	v1 =	vld [tilespmem:s19+$0xFFFFFFE0];
	s17 =	sor.u32 $0x4000, s15  }
0x30: {  	s31 =	sshrl.u32 s16, $0x2;
	s16 =	sadd.s32 $0x0, s17  }
0x31: {  	s18 =	simm.s32 $0x4;
	s19 =	sadd.s32 $0x40, s19;
	s15 =	sor.u32 $0x4000, s31;
	[tilespmem:s16+$0x1830 ss:$0x81] =	vst.msk $0xffff, v3  }
.LBB1_3:
0x32: {  	v3 =	vld [tilespmem:s19+$0x10];
	p1 =	sne.s32 s18, $0x1FC;
	[tilespmem:s16+$0x810 ss:$0x81] =	vst.msk $0xffff, v2;
	s20 =	smov.u32 s18;
	s18 =	sadd.s32 $0x4, s18  }
.Ltmp3:
0x33: {  	v2 =	vld [tilespmem:s19+$0xFFFFFFF0];
	[tilespmem:s16+$0x1020 ss:$0x81] =	vst.msk $0xffff, v0;
	(pc) =	sbr.rel @p1 .LBB1_3-.Ltmp3, $4  }
0x34: {  	v0 =	vld [tilespmem:s19+$0x0];
	[tilespmem:s16+$0x0 ss:$0x81] =	vst.msk $0xffff, v1  }
0x35: {  	s16 =	sshra.s32 s20, $0x2;
	v1 =	vld [tilespmem:s19+$0xFFFFFFE0]  }
0x36: {  	s16 =	sadd.s32 s16, s17  }
0x37: {  	s19 =	sadd.s32 $0x40, s19;
	[tilespmem:s16+$0x1830 ss:$0x81] =	vst.msk $0xffff, v3  }
.Ltmp4:
0x38: {  	_ = 	snop;
	(pc) =	sbr.rel .LBB1_4-.Ltmp4, $1  }
0x39: {  	_ =	sdelay $0x3  }
.LBB1_6:
0x3a: {  	_ =	sfence.sel $0x180000  }
0x3b: {  	s2 =	simm.s32 $0x1;
	[bflag:$0x0] =	sbarrier.arrive $0xFFFF  }
0x3c: {  	s31 =	simm.s32 $0x2;
	[sflag:s2] =	ssyncpa.u1 $0x1  }
0x3d: {  	[sflag:s31] =	ssyncpa.u1 $0x1  }
0x3e: {  	p0 =	sne.s32 s0, $0x0;
	_ =	strace $0x9000004A  }
0x3f: {  	s0 =	sadd.s32 @!p0 $0x100000, s1;
	[bflag:$0x2] =	sbarrier.arrive $0xFFFF  }
0x40: {  	[sflag:s0] =	ssyncadd.tile.s32 @!p0 $0x1;
	_ =	shalt  }
.Lfunc_end1:
_tile_overlayer_lowered:
.L_overlay_start_2:
0x41: {  	(tag) =	ssettag $0x2  }
0x42: {  	s0 =	rddreg [dreg:$0x0];
	s2 =	stileid.u32  }
0x43: {  	s1 =	rddreg [dreg:$0x1];
	p0 =	sne.s32 s2, $0x0  }
0x44: {  	s3 =	rddreg [dreg:$0x2];
	[bflag:$0x3] =	sbarrier.arrive $0xFFFF;
	s2 =	simm.s32 @!p0 $0x1C01  }
0x45: {  	[timem:s3], [sflag:s2] =	dma.local @!p0 [hbm:s0], s1  }
0x46: {  	s0 =	simm.s32 @!p0 $0x1  }
0x47: {  	_ =	swait.ge @!p0 [sflag:s0], s1  }
0x48: {  	s1 =	ssub.s32 @!p0 $0x0, s1;
	[sflag:s0] =	ssyncset.done @!p0 $0x0  }
0x49: {  	[sflag:s0] =	ssyncadd.s32 @!p0 s1  }
0x4a: {  	[bflag:$0x3] =	sbarrier.arrive $0xFFFF  }
0x4b: {  	_ =	shalt  }

</sc_bundles>
